<compile_context>
chip_gen: v7x
topology: tpu7x:2x2x1
jax: 0.10.2.dev20260603
libtpu: 0.0.44.dev20260713+nightly
codegen_flags: <defaults>
</compile_context>

<pallas_src>
import functools

import jax
import jax.numpy as jnp
from jax import lax
from jax.experimental import pallas as pl
from jax.experimental.pallas import tpu as pltpu
from jax.experimental.pallas import tpu_sc as plsc

N = 10000
E = 320000
F = 64
NP = 10240
NC = 2
NS = 16
NW = NC * NS
EW = E // NW
CH = 80
NCH = EW // CH
NBUF = 5
RT = NP // NS

_mesh = plsc.VectorSubcoreMesh(core_axis_name="c", subcore_axis_name="s")
_sc_params = pltpu.CompilerParams(use_tc_tiling_on_sc=False)



@functools.partial(
    pl.kernel,
    out_type=(jax.ShapeDtypeStruct((NP,), jnp.float32),
              jax.ShapeDtypeStruct((NP,), jnp.float32)),
    mesh=_mesh,
    compiler_params=_sc_params,
    scratch_types=[
        pltpu.VMEM_SHARED((NP,), jnp.float32),
        pltpu.VMEM((RT,), jnp.float32),
        pltpu.VMEM((NCH, CH), jnp.int32),
        pltpu.VMEM((CH,), jnp.float32),
        pltpu.SemaphoreType.DMA,
    ],
)
def _deg_sc(dstp_hbm, out0_hbm, out1_hbm, acc, stage, didx, ones, isem):
    cid = lax.axis_index("c")
    sid = lax.axis_index("s")
    wid = sid * NC + cid

    c0 = wid * NCH
    pltpu.async_copy(dstp_hbm.at[pl.ds(c0, NCH)], didx, isem)

    z16 = jnp.zeros((16,), jnp.float32)
    o16 = jnp.ones((16,), jnp.float32)

    def zl(i, c):
        stage[pl.ds(i * 16, 16)] = z16
        return c

    lax.fori_loop(0, RT // 16, zl, 0)

    def ol(i, c):
        ones[pl.ds(i * 16, 16)] = o16
        return c

    lax.fori_loop(0, CH // 16, ol, 0)

    row0 = sid * RT
    pltpu.sync_copy(stage, acc.at[pl.ds(row0, RT)])
    pltpu.make_async_copy(dstp_hbm.at[pl.ds(c0, NCH)], didx, isem).wait()
    plsc.subcore_barrier()

    def chunk(i, c):
        pltpu.sync_copy(ones, acc.at[didx.at[i]], add=True)
        return c

    lax.fori_loop(0, NCH, chunk, 0)
    plsc.subcore_barrier()

    pltpu.sync_copy(acc.at[pl.ds(row0, RT)], stage)

    @pl.when(cid == 0)
    def _():
        pltpu.sync_copy(stage, out0_hbm.at[pl.ds(row0, RT)])

    @pl.when(cid == 1)
    def _():
        pltpu.sync_copy(stage, out1_hbm.at[pl.ds(row0, RT)])


@functools.partial(
    pl.kernel,
    out_type=(jax.ShapeDtypeStruct((NP, F), jnp.float32),
              jax.ShapeDtypeStruct((NP, F), jnp.float32)),
    mesh=_mesh,
    compiler_params=_sc_params,
    scratch_types=[
        pltpu.VMEM_SHARED((NP, F), jnp.float32),
        pltpu.VMEM((NCH, CH), jnp.int32),
        pltpu.VMEM((NCH, CH), jnp.int32),
        [pltpu.VMEM((CH, F), jnp.float32) for _ in range(NBUF)],
        [pltpu.SemaphoreType.DMA for _ in range(NBUF)],
        [pltpu.SemaphoreType.DMA for _ in range(NBUF)],
        pltpu.SemaphoreType.DMA,
    ],
)
def _prop_sc(t_hbm, src_hbm, dstp_hbm, out0_hbm, out1_hbm, acc,
             sidx, didx, rows, gsem, ssem, isem):
    cid = lax.axis_index("c")
    sid = lax.axis_index("s")
    wid = sid * NC + cid

    c0 = wid * NCH
    pltpu.async_copy(src_hbm.at[pl.ds(c0, NCH)], sidx, isem)
    pltpu.async_copy(dstp_hbm.at[pl.ds(c0, NCH)], didx, isem)

    z16 = jnp.zeros((16,), jnp.float32)

    def zl(i, c):
        rows[0][i // (F // 16), pl.ds((i % (F // 16)) * 16, 16)] = z16
        return c

    lax.fori_loop(0, CH * (F // 16), zl, 0)

    row0 = sid * RT

    def zacc(j, c):
        pltpu.sync_copy(rows[0], acc.at[pl.ds(row0 + j * CH, CH)])
        return c

    lax.fori_loop(0, RT // CH, zacc, 0)

    pltpu.make_async_copy(src_hbm.at[pl.ds(c0, NCH)], sidx, isem).wait()
    pltpu.make_async_copy(dstp_hbm.at[pl.ds(c0, NCH)], didx, isem).wait()
    plsc.subcore_barrier()

    def gsrc(b):
        return t_hbm

    for b in range(NBUF):
        pltpu.async_copy(gsrc(b).at[sidx.at[b]], rows[b], gsem[b])

    def body(j, c):
        i0 = NBUF * j
        for b in range(NBUF):
            pltpu.make_async_copy(
                gsrc(b).at[sidx.at[0]], rows[b], gsem[b]).wait()
            pltpu.async_copy(
                rows[b], acc.at[didx.at[i0 + b]], ssem[b], add=True)
        for b in range(NBUF):
            @pl.when(i0 + b + NBUF < NCH)
            def _(b=b):
                pltpu.make_async_copy(
                    rows[b], acc.at[didx.at[0]], ssem[b]).wait()
                pltpu.async_copy(
                    gsrc(b).at[sidx.at[i0 + NBUF + b]], rows[b], gsem[b])
        return c

    lax.fori_loop(0, NCH // NBUF, body, 0)

    for i in range(NBUF * (NCH // NBUF), NCH):
        b = i % NBUF
        pltpu.make_async_copy(t_hbm.at[sidx.at[0]], rows[b], gsem[b]).wait()
        pltpu.async_copy(rows[b], acc.at[didx.at[i]], ssem[b], add=True)

    for b in range(NBUF):
        pltpu.make_async_copy(rows[b], acc.at[didx.at[0]], ssem[b]).wait()
    plsc.subcore_barrier()

    def wb(j, c):
        pltpu.sync_copy(acc.at[pl.ds(row0 + j * CH, CH)], rows[0])

        @pl.when(cid == 0)
        def _():
            pltpu.sync_copy(rows[0], out0_hbm.at[pl.ds(row0 + j * CH, CH)])

        @pl.when(cid == 1)
        def _():
            pltpu.sync_copy(rows[0], out1_hbm.at[pl.ds(row0 + j * CH, CH)])

        return c

    lax.fori_loop(0, RT // CH, wb, 0)



BR = 2048


def _prep_body(ei_ref, src_ref, dstp_ref):
    s = ei_ref[0]
    d = ei_ref[1]
    src_ref[...] = s
    dstp_ref[...] = jnp.where(s != d, d, jnp.int32(N))


def _comb1_body(d0_ref, d1_ref, x_ref, w_ref, t1_ref, nrm_ref):
    deg = d0_ref[...] + d1_ref[...] + 1.0
    nrm = lax.rsqrt(jnp.maximum(deg, 1.0)).reshape(BR, 1)
    nrm_ref[...] = nrm
    y = lax.dot_general(x_ref[...], w_ref[...], (((1,), (1,)), ((), ())),
                        preferred_element_type=jnp.float32)
    t1_ref[...] = y * nrm


def _comb2_body(a0_ref, a1_ref, t1_ref, nrm_ref, t2_ref):
    nrm = nrm_ref[...]
    t2_ref[...] = (a0_ref[...] + a1_ref[...] + t1_ref[...]) * (nrm * nrm)


def _final_body(a0_ref, a1_ref, t2_ref, nrm_ref, b_ref, o_ref):
    o_ref[...] = (a0_ref[...] + a1_ref[...] + t2_ref[...]) * nrm_ref[...] \
        + b_ref[...]



def kernel(features, edge_index, W, b):
    src_lin, dstp_lin = pl.pallas_call(
        _prep_body,
        out_shape=(jax.ShapeDtypeStruct((E,), jnp.int32),
                   jax.ShapeDtypeStruct((E,), jnp.int32)),
    )(edge_index)
    dstp2 = dstp_lin.reshape(E // CH, CH)
    src2 = src_lin.reshape(E // CH, CH)

    d0, d1 = _deg_sc(dstp2)

    xp = jnp.pad(features, ((0, NP - N), (0, 0)))

    t1, nrm = pl.pallas_call(
        _comb1_body,
        grid=(NP // BR,),
        in_specs=[
            pl.BlockSpec((BR,), lambda i: (i,)),
            pl.BlockSpec((BR,), lambda i: (i,)),
            pl.BlockSpec((BR, 128), lambda i: (i, 0)),
            pl.BlockSpec((F, 128), lambda i: (0, 0)),
        ],
        out_specs=[
            pl.BlockSpec((BR, F), lambda i: (i, 0)),
            pl.BlockSpec((BR, 1), lambda i: (i, 0)),
        ],
        out_shape=(jax.ShapeDtypeStruct((NP, F), jnp.float32),
                   jax.ShapeDtypeStruct((NP, 1), jnp.float32)),
    )(d0, d1, xp, W)

    a10, a11 = _prop_sc(t1, src2, dstp2)
    t2 = pl.pallas_call(
        _comb2_body,
        grid=(NP // BR,),
        in_specs=[
            pl.BlockSpec((BR, F), lambda i: (i, 0)),
            pl.BlockSpec((BR, F), lambda i: (i, 0)),
            pl.BlockSpec((BR, F), lambda i: (i, 0)),
            pl.BlockSpec((BR, 1), lambda i: (i, 0)),
        ],
        out_specs=pl.BlockSpec((BR, F), lambda i: (i, 0)),
        out_shape=jax.ShapeDtypeStruct((NP, F), jnp.float32),
    )(a10, a11, t1, nrm)

    a20, a21 = _prop_sc(t2, src2, dstp2)

    BO = 1000
    out = pl.pallas_call(
        _final_body,
        grid=(N // BO,),
        in_specs=[
            pl.BlockSpec((BO, F), lambda i: (i, 0)),
            pl.BlockSpec((BO, F), lambda i: (i, 0)),
            pl.BlockSpec((BO, F), lambda i: (i, 0)),
            pl.BlockSpec((BO, 1), lambda i: (i, 0)),
            pl.BlockSpec((1, F), lambda i: (0, 0)),
        ],
        out_specs=pl.BlockSpec((BO, F), lambda i: (i, 0)),
        out_shape=jax.ShapeDtypeStruct((N, F), jnp.float32),
    )(a20, a21, t2, nrm, b.reshape(1, F))

    return out

# --- scband reference (transcript-rebuilt; emitter-appended) ---
"""Pipeline reference for scband-sgc-13391708028998 (READ-ONLY COPY).

The authoritative reference and input builder live on the scoring server;
editing this copy changes nothing except your own understanding.
"""

import jax, jax.numpy as jnp
import numpy as np

N_NODES = 10000
N_EDGES = 320000
IN_FEATS = 128
OUT_FEATS = 64
K = 2


def setup_inputs(seed: int = 0) -> dict:
    key = jax.random.key(seed)
    k1, k2, k3, k4 = jax.random.split(key, 4)
    features = jax.random.normal(k1, (N_NODES, IN_FEATS), dtype=jnp.float32)
    edge_index = jax.random.randint(k2, (2, N_EDGES), 0, N_NODES, dtype=jnp.int32)
    # Linear classifier parameters (nn.Linear(in_feats, out_feats, bias=True))
    W = jax.random.normal(k3, (OUT_FEATS, IN_FEATS), dtype=jnp.float32) * 0.05
    b = jax.random.normal(k4, (OUT_FEATS,), dtype=jnp.float32) * 0.05
    return {"features": features, "edge_index": edge_index, "W": W, "b": b}


def reference(features, edge_index, W, b):
    # SGC forward: h = S^K X (symmetric-normalized propagation with self-loops),
    # then logits = h @ W.T + b
    src = edge_index[0]
    dst = edge_index[1]
    # remove_self_loop then add_self_loop: existing self-loop edges are masked out,
    # and exactly one self-loop per node is (implicitly) added.
    mask = (src != dst).astype(features.dtype)
    # in-degrees of the self-looped graph: non-self-loop incoming edges + 1 self-loop
    deg = jax.ops.segment_sum(mask, dst, num_segments=N_NODES) + 1.0
    deg = jnp.clip(deg, 1.0)
    norm = (deg ** -0.5)[:, None]
    h = features
    for _ in range(K):
        h = h * norm
        # copy_u -> sum aggregation over edges (plus the added self-loop contribution h)
        agg = jax.ops.segment_sum(h[src] * mask[:, None], dst, num_segments=N_NODES) + h
        h = agg * norm
    return h @ W.T + b

if __name__ == "__main__":
    import jax
    _d = setup_inputs()
    print(jax.jit(kernel)(*tuple(_d.values())))

</pallas_src>

<mosaic_0001>
#map = affine_map<(d0, d1) -> (0, 0)>
module attributes {stable_mosaic.version = 14 : i64} {
  func.func @_prop_sc(%arg0: i32, %arg1: i32, %arg2: memref<10240x64xf32, #tpu.memory_space<hbm>>, %arg3: memref<4000x80xi32, #tpu.memory_space<hbm>>, %arg4: memref<4000x80xi32, #tpu.memory_space<hbm>>, %arg5: memref<10240x64xf32, #tpu.memory_space<hbm>>, %arg6: memref<10240x64xf32, #tpu.memory_space<hbm>>, %arg7: memref<10240x64xf32, #tpu.memory_space<vmem_shared>>, %arg8: memref<125x80xi32, #tpu.memory_space<vmem>>, %arg9: memref<125x80xi32, #tpu.memory_space<vmem>>, %arg10: memref<80x64xf32, #tpu.memory_space<vmem>>, %arg11: memref<80x64xf32, #tpu.memory_space<vmem>>, %arg12: memref<80x64xf32, #tpu.memory_space<vmem>>, %arg13: memref<80x64xf32, #tpu.memory_space<vmem>>, %arg14: memref<80x64xf32, #tpu.memory_space<vmem>>, %arg15: memref<!tpu.dma_semaphore, #tpu.memory_space<semaphore_mem>>, %arg16: memref<!tpu.dma_semaphore, #tpu.memory_space<semaphore_mem>>, %arg17: memref<!tpu.dma_semaphore, #tpu.memory_space<semaphore_mem>>, %arg18: memref<!tpu.dma_semaphore, #tpu.memory_space<semaphore_mem>>, %arg19: memref<!tpu.dma_semaphore, #tpu.memory_space<semaphore_mem>>, %arg20: memref<!tpu.dma_semaphore, #tpu.memory_space<semaphore_mem>>, %arg21: memref<!tpu.dma_semaphore, #tpu.memory_space<semaphore_mem>>, %arg22: memref<!tpu.dma_semaphore, #tpu.memory_space<semaphore_mem>>, %arg23: memref<!tpu.dma_semaphore, #tpu.memory_space<semaphore_mem>>, %arg24: memref<!tpu.dma_semaphore, #tpu.memory_space<semaphore_mem>>, %arg25: memref<!tpu.dma_semaphore, #tpu.memory_space<semaphore_mem>>) attributes {dimension_semantics = [#tpu.dimension_semantics<core_parallel>, #tpu.dimension_semantics<subcore_parallel>], iteration_bounds = array<i64: 2, 16>, scalar_prefetch = 0 : i64, scratch_operands = 19 : i64, tpu.core_type = #tpu.core_type<sc_vector_subcore>, window_params = [{transform_indices = #map}, {transform_indices = #map}, {transform_indices = #map}, {transform_indices = #map}, {transform_indices = #map}]} {
    %mul3A = arith.constant 2 : i32
    %mul3A_0 = arith.muli %arg1, %mul3A : i32
    %add3A = arith.addi %mul3A_0, %arg0 : i32
    %mul3A_1 = arith.constant 125 : i32
    %mul3A_2 = arith.muli %add3A, %mul3A_1 : i32
    %dma_start3A = arith.constant 0 : i32
    %dma_start3A_3 = tpu.memref_slice %arg3[%mul3A_2, %dma_start3A] : memref<4000x80xi32, #tpu.memory_space<hbm>> -> memref<125x80xi32, #tpu.memory_space<hbm>>
    %dma_start3A_4 = arith.constant 0 : i32
    %dma_start3A_5 = tpu.memref_slice %arg3[%mul3A_2, %dma_start3A_4] : memref<4000x80xi32, #tpu.memory_space<hbm>> -> memref<125x80xi32, #tpu.memory_space<hbm>>
    tpu.enqueue_dma source(%dma_start3A_5 : memref<125x80xi32, #tpu.memory_space<hbm>>) target(%arg8 : memref<125x80xi32, #tpu.memory_space<vmem>>) target_semaphore(%arg25 : memref<!tpu.dma_semaphore, #tpu.memory_space<semaphore_mem>>)
    %dma_start3A_6 = arith.constant 0 : i32
    %dma_start3A_7 = tpu.memref_slice %arg4[%mul3A_2, %dma_start3A_6] : memref<4000x80xi32, #tpu.memory_space<hbm>> -> memref<125x80xi32, #tpu.memory_space<hbm>>
    %dma_start3A_8 = arith.constant 0 : i32
    %dma_start3A_9 = tpu.memref_slice %arg4[%mul3A_2, %dma_start3A_8] : memref<4000x80xi32, #tpu.memory_space<hbm>> -> memref<125x80xi32, #tpu.memory_space<hbm>>
    tpu.enqueue_dma source(%dma_start3A_9 : memref<125x80xi32, #tpu.memory_space<hbm>>) target(%arg9 : memref<125x80xi32, #tpu.memory_space<vmem>>) target_semaphore(%arg25 : memref<!tpu.dma_semaphore, #tpu.memory_space<semaphore_mem>>)
    %broadcast_in_dim3A = arith.constant 0.000000e+00 : f32
    %broadcast_in_dim3A_10 = vector.broadcast %broadcast_in_dim3A : f32 to vector<16xf32>
    %scan3A = arith.constant 0 : i32
    %scan3A_11 = arith.constant 0 : i32
    %scan3A_12 = arith.constant 320 : i32
    %scan3A_13 = arith.addi %scan3A_11, %scan3A_12 : i32
    %scan3A_14 = arith.constant 1 : i32
    scf.for %scan3A_114 = %scan3A_11 to %scan3A_13 step %scan3A_14  : i32 {
      %jit3A = arith.constant 4 : i32
      %div3A = arith.divsi %scan3A_114, %jit3A : i32
      %sign3A = arith.constant 0 : i32
      %sign3A_115 = arith.cmpi sgt, %scan3A_114, %sign3A : i32
      %sign3A_116 = arith.extui %sign3A_115 : i1 to i32
      %sign3A_117 = arith.constant 0 : i32
      %sign3A_118 = arith.cmpi slt, %scan3A_114, %sign3A_117 : i32
      %sign3A_119 = arith.extui %sign3A_118 : i1 to i32
      %sign3A_120 = arith.subi %sign3A_116, %sign3A_119 : i32
      %sign3A_121 = arith.constant 0 : i32
      %sign3A_122 = arith.cmpi sgt, %jit3A, %sign3A_121 : i32
      %sign3A_123 = arith.extui %sign3A_122 : i1 to i32
      %sign3A_124 = arith.constant 0 : i32
      %sign3A_125 = arith.cmpi slt, %jit3A, %sign3A_124 : i32
      %sign3A_126 = arith.extui %sign3A_125 : i1 to i32
      %sign3A_127 = arith.subi %sign3A_123, %sign3A_126 : i32
      %ne3A = arith.cmpi ne, %sign3A_120, %sign3A_127 : i32
      %rem3A = arith.remsi %scan3A_114, %jit3A : i32
      %ne3A_128 = arith.constant 0 : i32
      %ne3A_129 = arith.cmpi ne, %rem3A, %ne3A_128 : i32
      %and3A = arith.andi %ne3A, %ne3A_129 : i1
      %sub3A = arith.constant 1 : i32
      %sub3A_130 = arith.subi %div3A, %sub3A : i32
      %select_n3A = arith.select %and3A, %sub3A_130, %div3A : i32
      %jit3A_131 = arith.constant 4 : i32
      %eq3A = arith.constant 0 : i32
      %eq3A_132 = arith.cmpi eq, %jit3A_131, %eq3A : i32
      %jit3A_133 = arith.constant 1 : i32
      %select_n3A_134 = arith.select %eq3A_132, %jit3A_133, %jit3A_131 : i32
      %rem3A_135 = arith.remsi %scan3A_114, %select_n3A_134 : i32
      %ne3A_136 = arith.constant 0 : i32
      %ne3A_137 = arith.cmpi ne, %rem3A_135, %ne3A_136 : i32
      %lt3A = arith.constant 0 : i32
      %lt3A_138 = arith.cmpi slt, %rem3A_135, %lt3A : i32
      %lt3A_139 = arith.constant 0 : i32
      %lt3A_140 = arith.cmpi slt, %select_n3A_134, %lt3A_139 : i32
      %ne3A_141 = arith.xori %lt3A_138, %lt3A_140 : i1
      %and3A_142 = arith.andi %ne3A_141, %ne3A_137 : i1
      %add3A_143 = arith.addi %rem3A_135, %select_n3A_134 : i32
      %select_n3A_144 = arith.select %and3A_142, %add3A_143, %rem3A_135 : i32
      %mul3A_145 = arith.constant 16 : i32
      %mul3A_146 = arith.muli %select_n3A_144, %mul3A_145 : i32
      %swap3A = arith.index_cast %select_n3A : i32 to index
      %swap3A_147 = arith.index_cast %mul3A_146 : i32 to index
      %swap3A_148 = tpu.vector_load %arg10[%swap3A, %swap3A_147] {strides = array<i32>} : memref<80x64xf32, #tpu.memory_space<vmem>>, vector<1x16xf32>,
      %swap3A_149 = vector.shape_cast %swap3A_148 : vector<1x16xf32> to vector<16xf32>
      %swap3A_150 = vector.shape_cast %broadcast_in_dim3A_10 : vector<16xf32> to vector<1x16xf32>
      tpu.vector_store %arg10[%swap3A, %swap3A_147], %swap3A_150 {strides = array<i32>} : memref<80x64xf32, #tpu.memory_space<vmem>>, vector<1x16xf32>,
    }
    %scan3A_15 = arith.constant 320 : i32
    %mul3A_16 = arith.constant 640 : i32
    %mul3A_17 = arith.muli %arg1, %mul3A_16 : i32
    %scan3A_18 = arith.constant 0 : i32
    %scan3A_19 = arith.constant 0 : i32
    %scan3A_20 = arith.constant 8 : i32
    %scan3A_21 = arith.addi %scan3A_19, %scan3A_20 : i32
    %scan3A_22 = arith.constant 1 : i32
    scf.for %scan3A_114 = %scan3A_19 to %scan3A_21 step %scan3A_22  : i32 {
      %mul3A_115 = arith.constant 80 : i32
      %mul3A_116 = arith.muli %scan3A_114, %mul3A_115 : i32
      %add3A_117 = arith.addi %mul3A_17, %mul3A_116 : i32
      "tpu.region"() ({
        %run_scoped3A = tpu.sem_alloc : memref<!tpu.dma_semaphore, #tpu.memory_space<semaphore_mem>>
        %dma_start3A_118 = arith.constant 0 : i32
        %dma_start3A_119 = tpu.memref_slice %arg7[%add3A_117, %dma_start3A_118] : memref<10240x64xf32, #tpu.memory_space<vmem_shared>> -> memref<80x64xf32, #tpu.memory_space<vmem_shared>>
        %dma_start3A_120 = arith.constant 0 : i32
        %dma_start3A_121 = tpu.memref_slice %arg7[%add3A_117, %dma_start3A_120] : memref<10240x64xf32, #tpu.memory_space<vmem_shared>> -> memref<80x64xf32, #tpu.memory_space<vmem_shared>>
        tpu.enqueue_dma source(%arg10 : memref<80x64xf32, #tpu.memory_space<vmem>>) target(%dma_start3A_121 : memref<80x64xf32, #tpu.memory_space<vmem_shared>>) target_semaphore(%run_scoped3A : memref<!tpu.dma_semaphore, #tpu.memory_space<semaphore_mem>>)
        %dma_wait3A_122 = arith.constant 0 : i32
        %dma_wait3A_123 = tpu.memref_slice %arg7[%add3A_117, %dma_wait3A_122] : memref<10240x64xf32, #tpu.memory_space<vmem_shared>> -> memref<80x64xf32, #tpu.memory_space<vmem_shared>>
        %dma_wait3A_124 = arith.constant 0 : i32
        %dma_wait3A_125 = tpu.memref_slice %arg7[%add3A_117, %dma_wait3A_124] : memref<10240x64xf32, #tpu.memory_space<vmem_shared>> -> memref<80x64xf32, #tpu.memory_space<vmem_shared>>
        tpu.wait_dma2 semaphore(%run_scoped3A : memref<!tpu.dma_semaphore, #tpu.memory_space<semaphore_mem>>) src(%arg10 : memref<80x64xf32, #tpu.memory_space<vmem>>) dst(%dma_wait3A_125 : memref<80x64xf32, #tpu.memory_space<vmem_shared>>)
        tpu.yield
      }) : () -> ()
    }
    %scan3A_23 = arith.constant 8 : i32
    %dma_wait3A = arith.constant 0 : i32
    %dma_wait3A_24 = tpu.memref_slice %arg3[%mul3A_2, %dma_wait3A] : memref<4000x80xi32, #tpu.memory_space<hbm>> -> memref<125x80xi32, #tpu.memory_space<hbm>>
    %dma_wait3A_25 = arith.constant 0 : i32
    %dma_wait3A_26 = tpu.memref_slice %arg3[%mul3A_2, %dma_wait3A_25] : memref<4000x80xi32, #tpu.memory_space<hbm>> -> memref<125x80xi32, #tpu.memory_space<hbm>>
    tpu.wait_dma2 semaphore(%arg25 : memref<!tpu.dma_semaphore, #tpu.memory_space<semaphore_mem>>) src(%dma_wait3A_26 : memref<125x80xi32, #tpu.memory_space<hbm>>) dst(%arg8 : memref<125x80xi32, #tpu.memory_space<vmem>>)
    %dma_wait3A_27 = arith.constant 0 : i32
    %dma_wait3A_28 = tpu.memref_slice %arg4[%mul3A_2, %dma_wait3A_27] : memref<4000x80xi32, #tpu.memory_space<hbm>> -> memref<125x80xi32, #tpu.memory_space<hbm>>
    %dma_wait3A_29 = arith.constant 0 : i32
    %dma_wait3A_30 = tpu.memref_slice %arg4[%mul3A_2, %dma_wait3A_29] : memref<4000x80xi32, #tpu.memory_space<hbm>> -> memref<125x80xi32, #tpu.memory_space<hbm>>
    tpu.wait_dma2 semaphore(%arg25 : memref<!tpu.dma_semaphore, #tpu.memory_space<semaphore_mem>>) src(%dma_wait3A_30 : memref<125x80xi32, #tpu.memory_space<hbm>>) dst(%arg9 : memref<125x80xi32, #tpu.memory_space<vmem>>)
    %barrier3A = arith.constant 0 : index
    tpu.barrier barrier_id(%barrier3A)
    %dma_start3A_31 = arith.constant 0 : i32
    %dma_start3A_32 = arith.constant 0 : i32
    %dma_start3A_33 = tpu.memref_slice %arg8[%dma_start3A_31, %dma_start3A_32] : memref<125x80xi32, #tpu.memory_space<vmem>> -> memref<1x80xi32, #tpu.memory_space<vmem>>
    %dma_start3A_34 = tpu.memref_squeeze %dma_start3A_33 : memref<1x80xi32, #tpu.memory_space<vmem>> -> memref<80xi32, #tpu.memory_space<vmem>>
    %dma_start3A_35 = arith.constant 0 : i32
    %dma_start3A_36 = arith.constant 0 : i32
    %dma_start3A_37 = tpu.memref_slice %arg2[%dma_start3A_35, %dma_start3A_36] : memref<10240x64xf32, #tpu.memory_space<hbm>> -> memref<10240x64xf32, #tpu.memory_space<hbm>>
    tpu.enqueue_indirect_dma source(%dma_start3A_37 : memref<10240x64xf32, #tpu.memory_space<hbm>>) target(%arg10 : memref<80x64xf32, #tpu.memory_space<vmem>>) offsets(%dma_start3A_34 : memref<80xi32, #tpu.memory_space<vmem>>) semaphore(%arg15 : memref<!tpu.dma_semaphore, #tpu.memory_space<semaphore_mem>>)
    %dma_start3A_38 = arith.constant 1 : i32
    %dma_start3A_39 = arith.constant 0 : i32
    %dma_start3A_40 = tpu.memref_slice %arg8[%dma_start3A_38, %dma_start3A_39] : memref<125x80xi32, #tpu.memory_space<vmem>> -> memref<1x80xi32, #tpu.memory_space<vmem>>
    %dma_start3A_41 = tpu.memref_squeeze %dma_start3A_40 : memref<1x80xi32, #tpu.memory_space<vmem>> -> memref<80xi32, #tpu.memory_space<vmem>>
    %dma_start3A_42 = arith.constant 0 : i32
    %dma_start3A_43 = arith.constant 0 : i32
    %dma_start3A_44 = tpu.memref_slice %arg2[%dma_start3A_42, %dma_start3A_43] : memref<10240x64xf32, #tpu.memory_space<hbm>> -> memref<10240x64xf32, #tpu.memory_space<hbm>>
    tpu.enqueue_indirect_dma source(%dma_start3A_44 : memref<10240x64xf32, #tpu.memory_space<hbm>>) target(%arg11 : memref<80x64xf32, #tpu.memory_space<vmem>>) offsets(%dma_start3A_41 : memref<80xi32, #tpu.memory_space<vmem>>) semaphore(%arg16 : memref<!tpu.dma_semaphore, #tpu.memory_space<semaphore_mem>>)
    %dma_start3A_45 = arith.constant 2 : i32
    %dma_start3A_46 = arith.constant 0 : i32
    %dma_start3A_47 = tpu.memref_slice %arg8[%dma_start3A_45, %dma_start3A_46] : memref<125x80xi32, #tpu.memory_space<vmem>> -> memref<1x80xi32, #tpu.memory_space<vmem>>
    %dma_start3A_48 = tpu.memref_squeeze %dma_start3A_47 : memref<1x80xi32, #tpu.memory_space<vmem>> -> memref<80xi32, #tpu.memory_space<vmem>>
    %dma_start3A_49 = arith.constant 0 : i32
    %dma_start3A_50 = arith.constant 0 : i32
    %dma_start3A_51 = tpu.memref_slice %arg2[%dma_start3A_49, %dma_start3A_50] : memref<10240x64xf32, #tpu.memory_space<hbm>> -> memref<10240x64xf32, #tpu.memory_space<hbm>>
    tpu.enqueue_indirect_dma source(%dma_start3A_51 : memref<10240x64xf32, #tpu.memory_space<hbm>>) target(%arg12 : memref<80x64xf32, #tpu.memory_space<vmem>>) offsets(%dma_start3A_48 : memref<80xi32, #tpu.memory_space<vmem>>) semaphore(%arg17 : memref<!tpu.dma_semaphore, #tpu.memory_space<semaphore_mem>>)
    %dma_start3A_52 = arith.constant 3 : i32
    %dma_start3A_53 = arith.constant 0 : i32
    %dma_start3A_54 = tpu.memref_slice %arg8[%dma_start3A_52, %dma_start3A_53] : memref<125x80xi32, #tpu.memory_space<vmem>> -> memref<1x80xi32, #tpu.memory_space<vmem>>
    %dma_start3A_55 = tpu.memref_squeeze %dma_start3A_54 : memref<1x80xi32, #tpu.memory_space<vmem>> -> memref<80xi32, #tpu.memory_space<vmem>>
    %dma_start3A_56 = arith.constant 0 : i32
    %dma_start3A_57 = arith.constant 0 : i32
    %dma_start3A_58 = tpu.memref_slice %arg2[%dma_start3A_56, %dma_start3A_57] : memref<10240x64xf32, #tpu.memory_space<hbm>> -> memref<10240x64xf32, #tpu.memory_space<hbm>>
    tpu.enqueue_indirect_dma source(%dma_start3A_58 : memref<10240x64xf32, #tpu.memory_space<hbm>>) target(%arg13 : memref<80x64xf32, #tpu.memory_space<vmem>>) offsets(%dma_start3A_55 : memref<80xi32, #tpu.memory_space<vmem>>) semaphore(%arg18 : memref<!tpu.dma_semaphore, #tpu.memory_space<semaphore_mem>>)
    %dma_start3A_59 = arith.constant 4 : i32
    %dma_start3A_60 = arith.constant 0 : i32
    %dma_start3A_61 = tpu.memref_slice %arg8[%dma_start3A_59, %dma_start3A_60] : memref<125x80xi32, #tpu.memory_space<vmem>> -> memref<1x80xi32, #tpu.memory_space<vmem>>
    %dma_start3A_62 = tpu.memref_squeeze %dma_start3A_61 : memref<1x80xi32, #tpu.memory_space<vmem>> -> memref<80xi32, #tpu.memory_space<vmem>>
    %dma_start3A_63 = arith.constant 0 : i32
    %dma_start3A_64 = arith.constant 0 : i32
    %dma_start3A_65 = tpu.memref_slice %arg2[%dma_start3A_63, %dma_start3A_64] : memref<10240x64xf32, #tpu.memory_space<hbm>> -> memref<10240x64xf32, #tpu.memory_space<hbm>>
    tpu.enqueue_indirect_dma source(%dma_start3A_65 : memref<10240x64xf32, #tpu.memory_space<hbm>>) target(%arg14 : memref<80x64xf32, #tpu.memory_space<vmem>>) offsets(%dma_start3A_62 : memref<80xi32, #tpu.memory_space<vmem>>) semaphore(%arg19 : memref<!tpu.dma_semaphore, #tpu.memory_space<semaphore_mem>>)
    %scan3A_66 = arith.constant 0 : i32
    %scan3A_67 = arith.constant 0 : i32
    %scan3A_68 = arith.constant 25 : i32
    %scan3A_69 = arith.addi %scan3A_67, %scan3A_68 : i32
    %scan3A_70 = arith.constant 1 : i32
    scf.for %scan3A_114 = %scan3A_67 to %scan3A_69 step %scan3A_70  : i32 {
      %mul3A_115 = arith.constant 5 : i32
      %mul3A_116 = arith.muli %mul3A_115, %scan3A_114 : i32
      %dma_wait3A_117 = arith.constant 0 : i32
      %dma_wait3A_118 = arith.constant 0 : i32
      %dma_wait3A_119 = tpu.memref_slice %arg8[%dma_wait3A_117, %dma_wait3A_118] : memref<125x80xi32, #tpu.memory_space<vmem>> -> memref<1x80xi32, #tpu.memory_space<vmem>>
      %dma_wait3A_120 = tpu.memref_squeeze %dma_wait3A_119 : memref<1x80xi32, #tpu.memory_space<vmem>> -> memref<80xi32, #tpu.memory_space<vmem>>
      %dma_wait3A_121 = arith.constant 0 : i32
      %dma_wait3A_122 = arith.constant 0 : i32
      %dma_wait3A_123 = tpu.memref_slice %arg2[%dma_wait3A_121, %dma_wait3A_122] : memref<10240x64xf32, #tpu.memory_space<hbm>> -> memref<10240x64xf32, #tpu.memory_space<hbm>>
      tpu.wait_indirect_dma semaphore(%arg15 : memref<!tpu.dma_semaphore, #tpu.memory_space<semaphore_mem>>) src(%dma_wait3A_123 : memref<10240x64xf32, #tpu.memory_space<hbm>>) dst(%arg10 : memref<80x64xf32, #tpu.memory_space<vmem>>)
      %add3A_124 = arith.constant 0 : i32
      %add3A_125 = arith.addi %mul3A_116, %add3A_124 : i32
      %dma_start3A_126 = arith.constant 0 : i32
      %dma_start3A_127 = tpu.memref_slice %arg9[%add3A_125, %dma_start3A_126] : memref<125x80xi32, #tpu.memory_space<vmem>> -> memref<1x80xi32, #tpu.memory_space<vmem>>
      %dma_start3A_128 = tpu.memref_squeeze %dma_start3A_127 : memref<1x80xi32, #tpu.memory_space<vmem>> -> memref<80xi32, #tpu.memory_space<vmem>>
      %dma_start3A_129 = arith.constant 0 : i32
      %dma_start3A_130 = arith.constant 0 : i32
      %dma_start3A_131 = tpu.memref_slice %arg7[%dma_start3A_129, %dma_start3A_130] : memref<10240x64xf32, #tpu.memory_space<vmem_shared>> -> memref<10240x64xf32, #tpu.memory_space<vmem_shared>>
      tpu.enqueue_indirect_dma source(%arg10 : memref<80x64xf32, #tpu.memory_space<vmem>>) target(%dma_start3A_131 : memref<10240x64xf32, #tpu.memory_space<vmem_shared>>) offsets(%dma_start3A_128 : memref<80xi32, #tpu.memory_space<vmem>>) semaphore(%arg20 : memref<!tpu.dma_semaphore, #tpu.memory_space<semaphore_mem>>) {add = true}
      %dma_wait3A_132 = arith.constant 0 : i32
      %dma_wait3A_133 = arith.constant 0 : i32
      %dma_wait3A_134 = tpu.memref_slice %arg8[%dma_wait3A_132, %dma_wait3A_133] : memref<125x80xi32, #tpu.memory_space<vmem>> -> memref<1x80xi32, #tpu.memory_space<vmem>>
      %dma_wait3A_135 = tpu.memref_squeeze %dma_wait3A_134 : memref<1x80xi32, #tpu.memory_space<vmem>> -> memref<80xi32, #tpu.memory_space<vmem>>
      %dma_wait3A_136 = arith.constant 0 : i32
      %dma_wait3A_137 = arith.constant 0 : i32
      %dma_wait3A_138 = tpu.memref_slice %arg2[%dma_wait3A_136, %dma_wait3A_137] : memref<10240x64xf32, #tpu.memory_space<hbm>> -> memref<10240x64xf32, #tpu.memory_space<hbm>>
      tpu.wait_indirect_dma semaphore(%arg16 : memref<!tpu.dma_semaphore, #tpu.memory_space<semaphore_mem>>) src(%dma_wait3A_138 : memref<10240x64xf32, #tpu.memory_space<hbm>>) dst(%arg11 : memref<80x64xf32, #tpu.memory_space<vmem>>)
      %add3A_139 = arith.constant 1 : i32
      %add3A_140 = arith.addi %mul3A_116, %add3A_139 : i32
      %dma_start3A_141 = arith.constant 0 : i32
      %dma_start3A_142 = tpu.memref_slice %arg9[%add3A_140, %dma_start3A_141] : memref<125x80xi32, #tpu.memory_space<vmem>> -> memref<1x80xi32, #tpu.memory_space<vmem>>
      %dma_start3A_143 = tpu.memref_squeeze %dma_start3A_142 : memref<1x80xi32, #tpu.memory_space<vmem>> -> memref<80xi32, #tpu.memory_space<vmem>>
      %dma_start3A_144 = arith.constant 0 : i32
      %dma_start3A_145 = arith.constant 0 : i32
      %dma_start3A_146 = tpu.memref_slice %arg7[%dma_start3A_144, %dma_start3A_145] : memref<10240x64xf32, #tpu.memory_space<vmem_shared>> -> memref<10240x64xf32, #tpu.memory_space<vmem_shared>>
      tpu.enqueue_indirect_dma source(%arg11 : memref<80x64xf32, #tpu.memory_space<vmem>>) target(%dma_start3A_146 : memref<10240x64xf32, #tpu.memory_space<vmem_shared>>) offsets(%dma_start3A_143 : memref<80xi32, #tpu.memory_space<vmem>>) semaphore(%arg21 : memref<!tpu.dma_semaphore, #tpu.memory_space<semaphore_mem>>) {add = true}
      %dma_wait3A_147 = arith.constant 0 : i32
      %dma_wait3A_148 = arith.constant 0 : i32
      %dma_wait3A_149 = tpu.memref_slice %arg8[%dma_wait3A_147, %dma_wait3A_148] : memref<125x80xi32, #tpu.memory_space<vmem>> -> memref<1x80xi32, #tpu.memory_space<vmem>>
      %dma_wait3A_150 = tpu.memref_squeeze %dma_wait3A_149 : memref<1x80xi32, #tpu.memory_space<vmem>> -> memref<80xi32, #tpu.memory_space<vmem>>
      %dma_wait3A_151 = arith.constant 0 : i32
      %dma_wait3A_152 = arith.constant 0 : i32
      %dma_wait3A_153 = tpu.memref_slice %arg2[%dma_wait3A_151, %dma_wait3A_152] : memref<10240x64xf32, #tpu.memory_space<hbm>> -> memref<10240x64xf32, #tpu.memory_space<hbm>>
      tpu.wait_indirect_dma semaphore(%arg17 : memref<!tpu.dma_semaphore, #tpu.memory_space<semaphore_mem>>) src(%dma_wait3A_153 : memref<10240x64xf32, #tpu.memory_space<hbm>>) dst(%arg12 : memref<80x64xf32, #tpu.memory_space<vmem>>)
      %add3A_154 = arith.constant 2 : i32
      %add3A_155 = arith.addi %mul3A_116, %add3A_154 : i32
      %dma_start3A_156 = arith.constant 0 : i32
      %dma_start3A_157 = tpu.memref_slice %arg9[%add3A_155, %dma_start3A_156] : memref<125x80xi32, #tpu.memory_space<vmem>> -> memref<1x80xi32, #tpu.memory_space<vmem>>
      %dma_start3A_158 = tpu.memref_squeeze %dma_start3A_157 : memref<1x80xi32, #tpu.memory_space<vmem>> -> memref<80xi32, #tpu.memory_space<vmem>>
      %dma_start3A_159 = arith.constant 0 : i32
      %dma_start3A_160 = arith.constant 0 : i32
      %dma_start3A_161 = tpu.memref_slice %arg7[%dma_start3A_159, %dma_start3A_160] : memref<10240x64xf32, #tpu.memory_space<vmem_shared>> -> memref<10240x64xf32, #tpu.memory_space<vmem_shared>>
      tpu.enqueue_indirect_dma source(%arg12 : memref<80x64xf32, #tpu.memory_space<vmem>>) target(%dma_start3A_161 : memref<10240x64xf32, #tpu.memory_space<vmem_shared>>) offsets(%dma_start3A_158 : memref<80xi32, #tpu.memory_space<vmem>>) semaphore(%arg22 : memref<!tpu.dma_semaphore, #tpu.memory_space<semaphore_mem>>) {add = true}
      %dma_wait3A_162 = arith.constant 0 : i32
      %dma_wait3A_163 = arith.constant 0 : i32
      %dma_wait3A_164 = tpu.memref_slice %arg8[%dma_wait3A_162, %dma_wait3A_163] : memref<125x80xi32, #tpu.memory_space<vmem>> -> memref<1x80xi32, #tpu.memory_space<vmem>>
      %dma_wait3A_165 = tpu.memref_squeeze %dma_wait3A_164 : memref<1x80xi32, #tpu.memory_space<vmem>> -> memref<80xi32, #tpu.memory_space<vmem>>
      %dma_wait3A_166 = arith.constant 0 : i32
      %dma_wait3A_167 = arith.constant 0 : i32
      %dma_wait3A_168 = tpu.memref_slice %arg2[%dma_wait3A_166, %dma_wait3A_167] : memref<10240x64xf32, #tpu.memory_space<hbm>> -> memref<10240x64xf32, #tpu.memory_space<hbm>>
      tpu.wait_indirect_dma semaphore(%arg18 : memref<!tpu.dma_semaphore, #tpu.memory_space<semaphore_mem>>) src(%dma_wait3A_168 : memref<10240x64xf32, #tpu.memory_space<hbm>>) dst(%arg13 : memref<80x64xf32, #tpu.memory_space<vmem>>)
      %add3A_169 = arith.constant 3 : i32
      %add3A_170 = arith.addi %mul3A_116, %add3A_169 : i32
      %dma_start3A_171 = arith.constant 0 : i32
      %dma_start3A_172 = tpu.memref_slice %arg9[%add3A_170, %dma_start3A_171] : memref<125x80xi32, #tpu.memory_space<vmem>> -> memref<1x80xi32, #tpu.memory_space<vmem>>
      %dma_start3A_173 = tpu.memref_squeeze %dma_start3A_172 : memref<1x80xi32, #tpu.memory_space<vmem>> -> memref<80xi32, #tpu.memory_space<vmem>>
      %dma_start3A_174 = arith.constant 0 : i32
      %dma_start3A_175 = arith.constant 0 : i32
      %dma_start3A_176 = tpu.memref_slice %arg7[%dma_start3A_174, %dma_start3A_175] : memref<10240x64xf32, #tpu.memory_space<vmem_shared>> -> memref<10240x64xf32, #tpu.memory_space<vmem_shared>>
      tpu.enqueue_indirect_dma source(%arg13 : memref<80x64xf32, #tpu.memory_space<vmem>>) target(%dma_start3A_176 : memref<10240x64xf32, #tpu.memory_space<vmem_shared>>) offsets(%dma_start3A_173 : memref<80xi32, #tpu.memory_space<vmem>>) semaphore(%arg23 : memref<!tpu.dma_semaphore, #tpu.memory_space<semaphore_mem>>) {add = true}
      %dma_wait3A_177 = arith.constant 0 : i32
      %dma_wait3A_178 = arith.constant 0 : i32
      %dma_wait3A_179 = tpu.memref_slice %arg8[%dma_wait3A_177, %dma_wait3A_178] : memref<125x80xi32, #tpu.memory_space<vmem>> -> memref<1x80xi32, #tpu.memory_space<vmem>>
      %dma_wait3A_180 = tpu.memref_squeeze %dma_wait3A_179 : memref<1x80xi32, #tpu.memory_space<vmem>> -> memref<80xi32, #tpu.memory_space<vmem>>
      %dma_wait3A_181 = arith.constant 0 : i32
      %dma_wait3A_182 = arith.constant 0 : i32
      %dma_wait3A_183 = tpu.memref_slice %arg2[%dma_wait3A_181, %dma_wait3A_182] : memref<10240x64xf32, #tpu.memory_space<hbm>> -> memref<10240x64xf32, #tpu.memory_space<hbm>>
      tpu.wait_indirect_dma semaphore(%arg19 : memref<!tpu.dma_semaphore, #tpu.memory_space<semaphore_mem>>) src(%dma_wait3A_183 : memref<10240x64xf32, #tpu.memory_space<hbm>>) dst(%arg14 : memref<80x64xf32, #tpu.memory_space<vmem>>)
      %add3A_184 = arith.constant 4 : i32
      %add3A_185 = arith.addi %mul3A_116, %add3A_184 : i32
      %dma_start3A_186 = arith.constant 0 : i32
      %dma_start3A_187 = tpu.memref_slice %arg9[%add3A_185, %dma_start3A_186] : memref<125x80xi32, #tpu.memory_space<vmem>> -> memref<1x80xi32, #tpu.memory_space<vmem>>
      %dma_start3A_188 = tpu.memref_squeeze %dma_start3A_187 : memref<1x80xi32, #tpu.memory_space<vmem>> -> memref<80xi32, #tpu.memory_space<vmem>>
      %dma_start3A_189 = arith.constant 0 : i32
      %dma_start3A_190 = arith.constant 0 : i32
      %dma_start3A_191 = tpu.memref_slice %arg7[%dma_start3A_189, %dma_start3A_190] : memref<10240x64xf32, #tpu.memory_space<vmem_shared>> -> memref<10240x64xf32, #tpu.memory_space<vmem_shared>>
      tpu.enqueue_indirect_dma source(%arg14 : memref<80x64xf32, #tpu.memory_space<vmem>>) target(%dma_start3A_191 : memref<10240x64xf32, #tpu.memory_space<vmem_shared>>) offsets(%dma_start3A_188 : memref<80xi32, #tpu.memory_space<vmem>>) semaphore(%arg24 : memref<!tpu.dma_semaphore, #tpu.memory_space<semaphore_mem>>) {add = true}
      %add3A_192 = arith.constant 0 : i32
      %add3A_193 = arith.addi %mul3A_116, %add3A_192 : i32
      %add3A_194 = arith.constant 5 : i32
      %add3A_195 = arith.addi %add3A_193, %add3A_194 : i32
      %lt3A = arith.constant 125 : i32
      %lt3A_196 = arith.cmpi slt, %add3A_195, %lt3A : i32
      %convert_element_type3A = arith.extui %lt3A_196 : i1 to i32
      %cond3A = arith.constant 0 : i32
      %cond3A_197 = arith.cmpi ne, %convert_element_type3A, %cond3A : i32
      scf.if %cond3A_197 {
        %dma_wait3A_234 = arith.constant 0 : i32
        %dma_wait3A_235 = arith.constant 0 : i32
        %dma_wait3A_236 = tpu.memref_slice %arg9[%dma_wait3A_234, %dma_wait3A_235] : memref<125x80xi32, #tpu.memory_space<vmem>> -> memref<1x80xi32, #tpu.memory_space<vmem>>
        %dma_wait3A_237 = tpu.memref_squeeze %dma_wait3A_236 : memref<1x80xi32, #tpu.memory_space<vmem>> -> memref<80xi32, #tpu.memory_space<vmem>>
        %dma_wait3A_238 = arith.constant 0 : i32
        %dma_wait3A_239 = arith.constant 0 : i32
        %dma_wait3A_240 = tpu.memref_slice %arg7[%dma_wait3A_238, %dma_wait3A_239] : memref<10240x64xf32, #tpu.memory_space<vmem_shared>> -> memref<10240x64xf32, #tpu.memory_space<vmem_shared>>
        tpu.wait_indirect_dma semaphore(%arg20 : memref<!tpu.dma_semaphore, #tpu.memory_space<semaphore_mem>>) src(%arg10 : memref<80x64xf32, #tpu.memory_space<vmem>>) dst(%dma_wait3A_240 : memref<10240x64xf32, #tpu.memory_space<vmem_shared>>)
        %add3A_241 = arith.constant 5 : i32
        %add3A_242 = arith.addi %mul3A_116, %add3A_241 : i32
        %add3A_243 = arith.constant 0 : i32
        %add3A_244 = arith.addi %add3A_242, %add3A_243 : i32
        %dma_start3A_245 = arith.constant 0 : i32
        %dma_start3A_246 = tpu.memref_slice %arg8[%add3A_244, %dma_start3A_245] : memref<125x80xi32, #tpu.memory_space<vmem>> -> memref<1x80xi32, #tpu.memory_space<vmem>>
        %dma_start3A_247 = tpu.memref_squeeze %dma_start3A_246 : memref<1x80xi32, #tpu.memory_space<vmem>> -> memref<80xi32, #tpu.memory_space<vmem>>
        %dma_start3A_248 = arith.constant 0 : i32
        %dma_start3A_249 = arith.constant 0 : i32
        %dma_start3A_250 = tpu.memref_slice %arg2[%dma_start3A_248, %dma_start3A_249] : memref<10240x64xf32, #tpu.memory_space<hbm>> -> memref<10240x64xf32, #tpu.memory_space<hbm>>
        tpu.enqueue_indirect_dma source(%dma_start3A_250 : memref<10240x64xf32, #tpu.memory_space<hbm>>) target(%arg10 : memref<80x64xf32, #tpu.memory_space<vmem>>) offsets(%dma_start3A_247 : memref<80xi32, #tpu.memory_space<vmem>>) semaphore(%arg15 : memref<!tpu.dma_semaphore, #tpu.memory_space<semaphore_mem>>)
      } else {
      }
      %add3A_198 = arith.constant 1 : i32
      %add3A_199 = arith.addi %mul3A_116, %add3A_198 : i32
      %add3A_200 = arith.constant 5 : i32
      %add3A_201 = arith.addi %add3A_199, %add3A_200 : i32
      %lt3A_202 = arith.constant 125 : i32
      %lt3A_203 = arith.cmpi slt, %add3A_201, %lt3A_202 : i32
      %convert_element_type3A_204 = arith.extui %lt3A_203 : i1 to i32
      %cond3A_205 = arith.constant 0 : i32
      %cond3A_206 = arith.cmpi ne, %convert_element_type3A_204, %cond3A_205 : i32
      scf.if %cond3A_206 {
        %dma_wait3A_234 = arith.constant 0 : i32
        %dma_wait3A_235 = arith.constant 0 : i32
        %dma_wait3A_236 = tpu.memref_slice %arg9[%dma_wait3A_234, %dma_wait3A_235] : memref<125x80xi32, #tpu.memory_space<vmem>> -> memref<1x80xi32, #tpu.memory_space<vmem>>
        %dma_wait3A_237 = tpu.memref_squeeze %dma_wait3A_236 : memref<1x80xi32, #tpu.memory_space<vmem>> -> memref<80xi32, #tpu.memory_space<vmem>>
        %dma_wait3A_238 = arith.constant 0 : i32
        %dma_wait3A_239 = arith.constant 0 : i32
        %dma_wait3A_240 = tpu.memref_slice %arg7[%dma_wait3A_238, %dma_wait3A_239] : memref<10240x64xf32, #tpu.memory_space<vmem_shared>> -> memref<10240x64xf32, #tpu.memory_space<vmem_shared>>
        tpu.wait_indirect_dma semaphore(%arg21 : memref<!tpu.dma_semaphore, #tpu.memory_space<semaphore_mem>>) src(%arg11 : memref<80x64xf32, #tpu.memory_space<vmem>>) dst(%dma_wait3A_240 : memref<10240x64xf32, #tpu.memory_space<vmem_shared>>)
        %add3A_241 = arith.constant 5 : i32
        %add3A_242 = arith.addi %mul3A_116, %add3A_241 : i32
        %add3A_243 = arith.constant 1 : i32
        %add3A_244 = arith.addi %add3A_242, %add3A_243 : i32
        %dma_start3A_245 = arith.constant 0 : i32
        %dma_start3A_246 = tpu.memref_slice %arg8[%add3A_244, %dma_start3A_245] : memref<125x80xi32, #tpu.memory_space<vmem>> -> memref<1x80xi32, #tpu.memory_space<vmem>>
        %dma_start3A_247 = tpu.memref_squeeze %dma_start3A_246 : memref<1x80xi32, #tpu.memory_space<vmem>> -> memref<80xi32, #tpu.memory_space<vmem>>
        %dma_start3A_248 = arith.constant 0 : i32
        %dma_start3A_249 = arith.constant 0 : i32
        %dma_start3A_250 = tpu.memref_slice %arg2[%dma_start3A_248, %dma_start3A_249] : memref<10240x64xf32, #tpu.memory_space<hbm>> -> memref<10240x64xf32, #tpu.memory_space<hbm>>
        tpu.enqueue_indirect_dma source(%dma_start3A_250 : memref<10240x64xf32, #tpu.memory_space<hbm>>) target(%arg11 : memref<80x64xf32, #tpu.memory_space<vmem>>) offsets(%dma_start3A_247 : memref<80xi32, #tpu.memory_space<vmem>>) semaphore(%arg16 : memref<!tpu.dma_semaphore, #tpu.memory_space<semaphore_mem>>)
      } else {
      }
      %add3A_207 = arith.constant 2 : i32
      %add3A_208 = arith.addi %mul3A_116, %add3A_207 : i32
      %add3A_209 = arith.constant 5 : i32
      %add3A_210 = arith.addi %add3A_208, %add3A_209 : i32
      %lt3A_211 = arith.constant 125 : i32
      %lt3A_212 = arith.cmpi slt, %add3A_210, %lt3A_211 : i32
      %convert_element_type3A_213 = arith.extui %lt3A_212 : i1 to i32
      %cond3A_214 = arith.constant 0 : i32
      %cond3A_215 = arith.cmpi ne, %convert_element_type3A_213, %cond3A_214 : i32
      scf.if %cond3A_215 {
        %dma_wait3A_234 = arith.constant 0 : i32
        %dma_wait3A_235 = arith.constant 0 : i32
        %dma_wait3A_236 = tpu.memref_slice %arg9[%dma_wait3A_234, %dma_wait3A_235] : memref<125x80xi32, #tpu.memory_space<vmem>> -> memref<1x80xi32, #tpu.memory_space<vmem>>
        %dma_wait3A_237 = tpu.memref_squeeze %dma_wait3A_236 : memref<1x80xi32, #tpu.memory_space<vmem>> -> memref<80xi32, #tpu.memory_space<vmem>>
        %dma_wait3A_238 = arith.constant 0 : i32
        %dma_wait3A_239 = arith.constant 0 : i32
        %dma_wait3A_240 = tpu.memref_slice %arg7[%dma_wait3A_238, %dma_wait3A_239] : memref<10240x64xf32, #tpu.memory_space<vmem_shared>> -> memref<10240x64xf32, #tpu.memory_space<vmem_shared>>
        tpu.wait_indirect_dma semaphore(%arg22 : memref<!tpu.dma_semaphore, #tpu.memory_space<semaphore_mem>>) src(%arg12 : memref<80x64xf32, #tpu.memory_space<vmem>>) dst(%dma_wait3A_240 : memref<10240x64xf32, #tpu.memory_space<vmem_shared>>)
        %add3A_241 = arith.constant 5 : i32
        %add3A_242 = arith.addi %mul3A_116, %add3A_241 : i32
        %add3A_243 = arith.constant 2 : i32
        %add3A_244 = arith.addi %add3A_242, %add3A_243 : i32
        %dma_start3A_245 = arith.constant 0 : i32
        %dma_start3A_246 = tpu.memref_slice %arg8[%add3A_244, %dma_start3A_245] : memref<125x80xi32, #tpu.memory_space<vmem>> -> memref<1x80xi32, #tpu.memory_space<vmem>>
        %dma_start3A_247 = tpu.memref_squeeze %dma_start3A_246 : memref<1x80xi32, #tpu.memory_space<vmem>> -> memref<80xi32, #tpu.memory_space<vmem>>
        %dma_start3A_248 = arith.constant 0 : i32
        %dma_start3A_249 = arith.constant 0 : i32
        %dma_start3A_250 = tpu.memref_slice %arg2[%dma_start3A_248, %dma_start3A_249] : memref<10240x64xf32, #tpu.memory_space<hbm>> -> memref<10240x64xf32, #tpu.memory_space<hbm>>
        tpu.enqueue_indirect_dma source(%dma_start3A_250 : memref<10240x64xf32, #tpu.memory_space<hbm>>) target(%arg12 : memref<80x64xf32, #tpu.memory_space<vmem>>) offsets(%dma_start3A_247 : memref<80xi32, #tpu.memory_space<vmem>>) semaphore(%arg17 : memref<!tpu.dma_semaphore, #tpu.memory_space<semaphore_mem>>)
      } else {
      }
      %add3A_216 = arith.constant 3 : i32
      %add3A_217 = arith.addi %mul3A_116, %add3A_216 : i32
      %add3A_218 = arith.constant 5 : i32
      %add3A_219 = arith.addi %add3A_217, %add3A_218 : i32
      %lt3A_220 = arith.constant 125 : i32
      %lt3A_221 = arith.cmpi slt, %add3A_219, %lt3A_220 : i32
      %convert_element_type3A_222 = arith.extui %lt3A_221 : i1 to i32
      %cond3A_223 = arith.constant 0 : i32
      %cond3A_224 = arith.cmpi ne, %convert_element_type3A_222, %cond3A_223 : i32
      scf.if %cond3A_224 {
        %dma_wait3A_234 = arith.constant 0 : i32
        %dma_wait3A_235 = arith.constant 0 : i32
        %dma_wait3A_236 = tpu.memref_slice %arg9[%dma_wait3A_234, %dma_wait3A_235] : memref<125x80xi32, #tpu.memory_space<vmem>> -> memref<1x80xi32, #tpu.memory_space<vmem>>
        %dma_wait3A_237 = tpu.memref_squeeze %dma_wait3A_236 : memref<1x80xi32, #tpu.memory_space<vmem>> -> memref<80xi32, #tpu.memory_space<vmem>>
        %dma_wait3A_238 = arith.constant 0 : i32
        %dma_wait3A_239 = arith.constant 0 : i32
        %dma_wait3A_240 = tpu.memref_slice %arg7[%dma_wait3A_238, %dma_wait3A_239] : memref<10240x64xf32, #tpu.memory_space<vmem_shared>> -> memref<10240x64xf32, #tpu.memory_space<vmem_shared>>
        tpu.wait_indirect_dma semaphore(%arg23 : memref<!tpu.dma_semaphore, #tpu.memory_space<semaphore_mem>>) src(%arg13 : memref<80x64xf32, #tpu.memory_space<vmem>>) dst(%dma_wait3A_240 : memref<10240x64xf32, #tpu.memory_space<vmem_shared>>)
        %add3A_241 = arith.constant 5 : i32
        %add3A_242 = arith.addi %mul3A_116, %add3A_241 : i32
        %add3A_243 = arith.constant 3 : i32
        %add3A_244 = arith.addi %add3A_242, %add3A_243 : i32
        %dma_start3A_245 = arith.constant 0 : i32
        %dma_start3A_246 = tpu.memref_slice %arg8[%add3A_244, %dma_start3A_245] : memref<125x80xi32, #tpu.memory_space<vmem>> -> memref<1x80xi32, #tpu.memory_space<vmem>>
        %dma_start3A_247 = tpu.memref_squeeze %dma_start3A_246 : memref<1x80xi32, #tpu.memory_space<vmem>> -> memref<80xi32, #tpu.memory_space<vmem>>
        %dma_start3A_248 = arith.constant 0 : i32
        %dma_start3A_249 = arith.constant 0 : i32
        %dma_start3A_250 = tpu.memref_slice %arg2[%dma_start3A_248, %dma_start3A_249] : memref<10240x64xf32, #tpu.memory_space<hbm>> -> memref<10240x64xf32, #tpu.memory_space<hbm>>
        tpu.enqueue_indirect_dma source(%dma_start3A_250 : memref<10240x64xf32, #tpu.memory_space<hbm>>) target(%arg13 : memref<80x64xf32, #tpu.memory_space<vmem>>) offsets(%dma_start3A_247 : memref<80xi32, #tpu.memory_space<vmem>>) semaphore(%arg18 : memref<!tpu.dma_semaphore, #tpu.memory_space<semaphore_mem>>)
      } else {
      }
      %add3A_225 = arith.constant 4 : i32
      %add3A_226 = arith.addi %mul3A_116, %add3A_225 : i32
      %add3A_227 = arith.constant 5 : i32
      %add3A_228 = arith.addi %add3A_226, %add3A_227 : i32
      %lt3A_229 = arith.constant 125 : i32
      %lt3A_230 = arith.cmpi slt, %add3A_228, %lt3A_229 : i32
      %convert_element_type3A_231 = arith.extui %lt3A_230 : i1 to i32
      %cond3A_232 = arith.constant 0 : i32
      %cond3A_233 = arith.cmpi ne, %convert_element_type3A_231, %cond3A_232 : i32
      scf.if %cond3A_233 {
        %dma_wait3A_234 = arith.constant 0 : i32
        %dma_wait3A_235 = arith.constant 0 : i32
        %dma_wait3A_236 = tpu.memref_slice %arg9[%dma_wait3A_234, %dma_wait3A_235] : memref<125x80xi32, #tpu.memory_space<vmem>> -> memref<1x80xi32, #tpu.memory_space<vmem>>
        %dma_wait3A_237 = tpu.memref_squeeze %dma_wait3A_236 : memref<1x80xi32, #tpu.memory_space<vmem>> -> memref<80xi32, #tpu.memory_space<vmem>>
        %dma_wait3A_238 = arith.constant 0 : i32
        %dma_wait3A_239 = arith.constant 0 : i32
        %dma_wait3A_240 = tpu.memref_slice %arg7[%dma_wait3A_238, %dma_wait3A_239] : memref<10240x64xf32, #tpu.memory_space<vmem_shared>> -> memref<10240x64xf32, #tpu.memory_space<vmem_shared>>
        tpu.wait_indirect_dma semaphore(%arg24 : memref<!tpu.dma_semaphore, #tpu.memory_space<semaphore_mem>>) src(%arg14 : memref<80x64xf32, #tpu.memory_space<vmem>>) dst(%dma_wait3A_240 : memref<10240x64xf32, #tpu.memory_space<vmem_shared>>)
        %add3A_241 = arith.constant 5 : i32
        %add3A_242 = arith.addi %mul3A_116, %add3A_241 : i32
        %add3A_243 = arith.constant 4 : i32
        %add3A_244 = arith.addi %add3A_242, %add3A_243 : i32
        %dma_start3A_245 = arith.constant 0 : i32
        %dma_start3A_246 = tpu.memref_slice %arg8[%add3A_244, %dma_start3A_245] : memref<125x80xi32, #tpu.memory_space<vmem>> -> memref<1x80xi32, #tpu.memory_space<vmem>>
        %dma_start3A_247 = tpu.memref_squeeze %dma_start3A_246 : memref<1x80xi32, #tpu.memory_space<vmem>> -> memref<80xi32, #tpu.memory_space<vmem>>
        %dma_start3A_248 = arith.constant 0 : i32
        %dma_start3A_249 = arith.constant 0 : i32
        %dma_start3A_250 = tpu.memref_slice %arg2[%dma_start3A_248, %dma_start3A_249] : memref<10240x64xf32, #tpu.memory_space<hbm>> -> memref<10240x64xf32, #tpu.memory_space<hbm>>
        tpu.enqueue_indirect_dma source(%dma_start3A_250 : memref<10240x64xf32, #tpu.memory_space<hbm>>) target(%arg14 : memref<80x64xf32, #tpu.memory_space<vmem>>) offsets(%dma_start3A_247 : memref<80xi32, #tpu.memory_space<vmem>>) semaphore(%arg19 : memref<!tpu.dma_semaphore, #tpu.memory_space<semaphore_mem>>)
      } else {
      }
    }
    %scan3A_71 = arith.constant 25 : i32
    %dma_wait3A_72 = arith.constant 0 : i32
    %dma_wait3A_73 = arith.constant 0 : i32
    %dma_wait3A_74 = tpu.memref_slice %arg9[%dma_wait3A_72, %dma_wait3A_73] : memref<125x80xi32, #tpu.memory_space<vmem>> -> memref<1x80xi32, #tpu.memory_space<vmem>>
    %dma_wait3A_75 = tpu.memref_squeeze %dma_wait3A_74 : memref<1x80xi32, #tpu.memory_space<vmem>> -> memref<80xi32, #tpu.memory_space<vmem>>
    %dma_wait3A_76 = arith.constant 0 : i32
    %dma_wait3A_77 = arith.constant 0 : i32
    %dma_wait3A_78 = tpu.memref_slice %arg7[%dma_wait3A_76, %dma_wait3A_77] : memref<10240x64xf32, #tpu.memory_space<vmem_shared>> -> memref<10240x64xf32, #tpu.memory_space<vmem_shared>>
    tpu.wait_indirect_dma semaphore(%arg20 : memref<!tpu.dma_semaphore, #tpu.memory_space<semaphore_mem>>) src(%arg10 : memref<80x64xf32, #tpu.memory_space<vmem>>) dst(%dma_wait3A_78 : memref<10240x64xf32, #tpu.memory_space<vmem_shared>>)
    %dma_wait3A_79 = arith.constant 0 : i32
    %dma_wait3A_80 = arith.constant 0 : i32
    %dma_wait3A_81 = tpu.memref_slice %arg9[%dma_wait3A_79, %dma_wait3A_80] : memref<125x80xi32, #tpu.memory_space<vmem>> -> memref<1x80xi32, #tpu.memory_space<vmem>>
    %dma_wait3A_82 = tpu.memref_squeeze %dma_wait3A_81 : memref<1x80xi32, #tpu.memory_space<vmem>> -> memref<80xi32, #tpu.memory_space<vmem>>
    %dma_wait3A_83 = arith.constant 0 : i32
    %dma_wait3A_84 = arith.constant 0 : i32
    %dma_wait3A_85 = tpu.memref_slice %arg7[%dma_wait3A_83, %dma_wait3A_84] : memref<10240x64xf32, #tpu.memory_space<vmem_shared>> -> memref<10240x64xf32, #tpu.memory_space<vmem_shared>>
    tpu.wait_indirect_dma semaphore(%arg21 : memref<!tpu.dma_semaphore, #tpu.memory_space<semaphore_mem>>) src(%arg11 : memref<80x64xf32, #tpu.memory_space<vmem>>) dst(%dma_wait3A_85 : memref<10240x64xf32, #tpu.memory_space<vmem_shared>>)
    %dma_wait3A_86 = arith.constant 0 : i32
    %dma_wait3A_87 = arith.constant 0 : i32
    %dma_wait3A_88 = tpu.memref_slice %arg9[%dma_wait3A_86, %dma_wait3A_87] : memref<125x80xi32, #tpu.memory_space<vmem>> -> memref<1x80xi32, #tpu.memory_space<vmem>>
    %dma_wait3A_89 = tpu.memref_squeeze %dma_wait3A_88 : memref<1x80xi32, #tpu.memory_space<vmem>> -> memref<80xi32, #tpu.memory_space<vmem>>
    %dma_wait3A_90 = arith.constant 0 : i32
    %dma_wait3A_91 = arith.constant 0 : i32
    %dma_wait3A_92 = tpu.memref_slice %arg7[%dma_wait3A_90, %dma_wait3A_91] : memref<10240x64xf32, #tpu.memory_space<vmem_shared>> -> memref<10240x64xf32, #tpu.memory_space<vmem_shared>>
    tpu.wait_indirect_dma semaphore(%arg22 : memref<!tpu.dma_semaphore, #tpu.memory_space<semaphore_mem>>) src(%arg12 : memref<80x64xf32, #tpu.memory_space<vmem>>) dst(%dma_wait3A_92 : memref<10240x64xf32, #tpu.memory_space<vmem_shared>>)
    %dma_wait3A_93 = arith.constant 0 : i32
    %dma_wait3A_94 = arith.constant 0 : i32
    %dma_wait3A_95 = tpu.memref_slice %arg9[%dma_wait3A_93, %dma_wait3A_94] : memref<125x80xi32, #tpu.memory_space<vmem>> -> memref<1x80xi32, #tpu.memory_space<vmem>>
    %dma_wait3A_96 = tpu.memref_squeeze %dma_wait3A_95 : memref<1x80xi32, #tpu.memory_space<vmem>> -> memref<80xi32, #tpu.memory_space<vmem>>
    %dma_wait3A_97 = arith.constant 0 : i32
    %dma_wait3A_98 = arith.constant 0 : i32
    %dma_wait3A_99 = tpu.memref_slice %arg7[%dma_wait3A_97, %dma_wait3A_98] : memref<10240x64xf32, #tpu.memory_space<vmem_shared>> -> memref<10240x64xf32, #tpu.memory_space<vmem_shared>>
    tpu.wait_indirect_dma semaphore(%arg23 : memref<!tpu.dma_semaphore, #tpu.memory_space<semaphore_mem>>) src(%arg13 : memref<80x64xf32, #tpu.memory_space<vmem>>) dst(%dma_wait3A_99 : memref<10240x64xf32, #tpu.memory_space<vmem_shared>>)
    %dma_wait3A_100 = arith.constant 0 : i32
    %dma_wait3A_101 = arith.constant 0 : i32
    %dma_wait3A_102 = tpu.memref_slice %arg9[%dma_wait3A_100, %dma_wait3A_101] : memref<125x80xi32, #tpu.memory_space<vmem>> -> memref<1x80xi32, #tpu.memory_space<vmem>>
    %dma_wait3A_103 = tpu.memref_squeeze %dma_wait3A_102 : memref<1x80xi32, #tpu.memory_space<vmem>> -> memref<80xi32, #tpu.memory_space<vmem>>
    %dma_wait3A_104 = arith.constant 0 : i32
    %dma_wait3A_105 = arith.constant 0 : i32
    %dma_wait3A_106 = tpu.memref_slice %arg7[%dma_wait3A_104, %dma_wait3A_105] : memref<10240x64xf32, #tpu.memory_space<vmem_shared>> -> memref<10240x64xf32, #tpu.memory_space<vmem_shared>>
    tpu.wait_indirect_dma semaphore(%arg24 : memref<!tpu.dma_semaphore, #tpu.memory_space<semaphore_mem>>) src(%arg14 : memref<80x64xf32, #tpu.memory_space<vmem>>) dst(%dma_wait3A_106 : memref<10240x64xf32, #tpu.memory_space<vmem_shared>>)
    %barrier3A_107 = arith.constant 0 : index
    tpu.barrier barrier_id(%barrier3A_107)
    %scan3A_108 = arith.constant 0 : i32
    %scan3A_109 = arith.constant 0 : i32
    %scan3A_110 = arith.constant 8 : i32
    %scan3A_111 = arith.addi %scan3A_109, %scan3A_110 : i32
    %scan3A_112 = arith.constant 1 : i32
    scf.for %scan3A_114 = %scan3A_109 to %scan3A_111 step %scan3A_112  : i32 {
      %mul3A_115 = arith.constant 80 : i32
      %mul3A_116 = arith.muli %scan3A_114, %mul3A_115 : i32
      %add3A_117 = arith.addi %mul3A_17, %mul3A_116 : i32
      "tpu.region"() ({
        %run_scoped3A = tpu.sem_alloc : memref<!tpu.dma_semaphore, #tpu.memory_space<semaphore_mem>>
        %dma_start3A_125 = arith.constant 0 : i32
        %dma_start3A_126 = tpu.memref_slice %arg7[%add3A_117, %dma_start3A_125] : memref<10240x64xf32, #tpu.memory_space<vmem_shared>> -> memref<80x64xf32, #tpu.memory_space<vmem_shared>>
        %dma_start3A_127 = arith.constant 0 : i32
        %dma_start3A_128 = tpu.memref_slice %arg7[%add3A_117, %dma_start3A_127] : memref<10240x64xf32, #tpu.memory_space<vmem_shared>> -> memref<80x64xf32, #tpu.memory_space<vmem_shared>>
        tpu.enqueue_dma source(%dma_start3A_128 : memref<80x64xf32, #tpu.memory_space<vmem_shared>>) target(%arg10 : memref<80x64xf32, #tpu.memory_space<vmem>>) target_semaphore(%run_scoped3A : memref<!tpu.dma_semaphore, #tpu.memory_space<semaphore_mem>>)
        %dma_wait3A_129 = arith.constant 0 : i32
        %dma_wait3A_130 = tpu.memref_slice %arg7[%add3A_117, %dma_wait3A_129] : memref<10240x64xf32, #tpu.memory_space<vmem_shared>> -> memref<80x64xf32, #tpu.memory_space<vmem_shared>>
        %dma_wait3A_131 = arith.constant 0 : i32
        %dma_wait3A_132 = tpu.memref_slice %arg7[%add3A_117, %dma_wait3A_131] : memref<10240x64xf32, #tpu.memory_space<vmem_shared>> -> memref<80x64xf32, #tpu.memory_space<vmem_shared>>
        tpu.wait_dma2 semaphore(%run_scoped3A : memref<!tpu.dma_semaphore, #tpu.memory_space<semaphore_mem>>) src(%dma_wait3A_132 : memref<80x64xf32, #tpu.memory_space<vmem_shared>>) dst(%arg10 : memref<80x64xf32, #tpu.memory_space<vmem>>)
        tpu.yield
      }) : () -> ()
      %eq3A = arith.constant 0 : i32
      %eq3A_118 = arith.cmpi eq, %arg0, %eq3A : i32
      %convert_element_type3A = arith.extui %eq3A_118 : i1 to i32
      %cond3A = arith.constant 0 : i32
      %cond3A_119 = arith.cmpi ne, %convert_element_type3A, %cond3A : i32
      scf.if %cond3A_119 {
        %mul3A_125 = arith.constant 80 : i32
        %mul3A_126 = arith.muli %scan3A_114, %mul3A_125 : i32
        %add3A_127 = arith.addi %mul3A_17, %mul3A_126 : i32
        "tpu.region"() ({
          %run_scoped3A = tpu.sem_alloc : memref<!tpu.dma_semaphore, #tpu.memory_space<semaphore_mem>>
          %dma_start3A_128 = arith.constant 0 : i32
          %dma_start3A_129 = tpu.memref_slice %arg5[%add3A_127, %dma_start3A_128] : memref<10240x64xf32, #tpu.memory_space<hbm>> -> memref<80x64xf32, #tpu.memory_space<hbm>>
          %dma_start3A_130 = arith.constant 0 : i32
          %dma_start3A_131 = tpu.memref_slice %arg5[%add3A_127, %dma_start3A_130] : memref<10240x64xf32, #tpu.memory_space<hbm>> -> memref<80x64xf32, #tpu.memory_space<hbm>>
          tpu.enqueue_dma source(%arg10 : memref<80x64xf32, #tpu.memory_space<vmem>>) target(%dma_start3A_131 : memref<80x64xf32, #tpu.memory_space<hbm>>) target_semaphore(%run_scoped3A : memref<!tpu.dma_semaphore, #tpu.memory_space<semaphore_mem>>)
          %dma_wait3A_132 = arith.constant 0 : i32
          %dma_wait3A_133 = tpu.memref_slice %arg5[%add3A_127, %dma_wait3A_132] : memref<10240x64xf32, #tpu.memory_space<hbm>> -> memref<80x64xf32, #tpu.memory_space<hbm>>
          %dma_wait3A_134 = arith.constant 0 : i32
          %dma_wait3A_135 = tpu.memref_slice %arg5[%add3A_127, %dma_wait3A_134] : memref<10240x64xf32, #tpu.memory_space<hbm>> -> memref<80x64xf32, #tpu.memory_space<hbm>>
          tpu.wait_dma2 semaphore(%run_scoped3A : memref<!tpu.dma_semaphore, #tpu.memory_space<semaphore_mem>>) src(%arg10 : memref<80x64xf32, #tpu.memory_space<vmem>>) dst(%dma_wait3A_135 : memref<80x64xf32, #tpu.memory_space<hbm>>)
          tpu.yield
        }) : () -> ()
      } else {
      }
      %eq3A_120 = arith.constant 1 : i32
      %eq3A_121 = arith.cmpi eq, %arg0, %eq3A_120 : i32
      %convert_element_type3A_122 = arith.extui %eq3A_121 : i1 to i32
      %cond3A_123 = arith.constant 0 : i32
      %cond3A_124 = arith.cmpi ne, %convert_element_type3A_122, %cond3A_123 : i32
      scf.if %cond3A_124 {
        %mul3A_125 = arith.constant 80 : i32
        %mul3A_126 = arith.muli %scan3A_114, %mul3A_125 : i32
        %add3A_127 = arith.addi %mul3A_17, %mul3A_126 : i32
        "tpu.region"() ({
          %run_scoped3A = tpu.sem_alloc : memref<!tpu.dma_semaphore, #tpu.memory_space<semaphore_mem>>
          %dma_start3A_128 = arith.constant 0 : i32
          %dma_start3A_129 = tpu.memref_slice %arg6[%add3A_127, %dma_start3A_128] : memref<10240x64xf32, #tpu.memory_space<hbm>> -> memref<80x64xf32, #tpu.memory_space<hbm>>
          %dma_start3A_130 = arith.constant 0 : i32
          %dma_start3A_131 = tpu.memref_slice %arg6[%add3A_127, %dma_start3A_130] : memref<10240x64xf32, #tpu.memory_space<hbm>> -> memref<80x64xf32, #tpu.memory_space<hbm>>
          tpu.enqueue_dma source(%arg10 : memref<80x64xf32, #tpu.memory_space<vmem>>) target(%dma_start3A_131 : memref<80x64xf32, #tpu.memory_space<hbm>>) target_semaphore(%run_scoped3A : memref<!tpu.dma_semaphore, #tpu.memory_space<semaphore_mem>>)
          %dma_wait3A_132 = arith.constant 0 : i32
          %dma_wait3A_133 = tpu.memref_slice %arg6[%add3A_127, %dma_wait3A_132] : memref<10240x64xf32, #tpu.memory_space<hbm>> -> memref<80x64xf32, #tpu.memory_space<hbm>>
          %dma_wait3A_134 = arith.constant 0 : i32
          %dma_wait3A_135 = tpu.memref_slice %arg6[%add3A_127, %dma_wait3A_134] : memref<10240x64xf32, #tpu.memory_space<hbm>> -> memref<80x64xf32, #tpu.memory_space<hbm>>
          tpu.wait_dma2 semaphore(%run_scoped3A : memref<!tpu.dma_semaphore, #tpu.memory_space<semaphore_mem>>) src(%arg10 : memref<80x64xf32, #tpu.memory_space<vmem>>) dst(%dma_wait3A_135 : memref<80x64xf32, #tpu.memory_space<hbm>>)
          tpu.yield
        }) : () -> ()
      } else {
      }
    }
    %scan3A_113 = arith.constant 8 : i32
    return
  }
}

#map = affine_map<(d0, d1) -> (0, 0)>
#map1 = affine_map<(d0, d1) -> (0)>
module attributes {stable_mosaic.version = 14 : i64} {
  func.func @_deg_sc(%arg0: i32, %arg1: i32, %arg2: memref<4000x80xi32, #tpu.memory_space<hbm>>, %arg3: memref<10240xf32, #tpu.memory_space<hbm>>, %arg4: memref<10240xf32, #tpu.memory_space<hbm>>, %arg5: memref<10240xf32, #tpu.memory_space<vmem_shared>>, %arg6: memref<640xf32, #tpu.memory_space<vmem>>, %arg7: memref<125x80xi32, #tpu.memory_space<vmem>>, %arg8: memref<80xf32, #tpu.memory_space<vmem>>, %arg9: memref<!tpu.dma_semaphore, #tpu.memory_space<semaphore_mem>>) attributes {dimension_semantics = [#tpu.dimension_semantics<core_parallel>, #tpu.dimension_semantics<subcore_parallel>], iteration_bounds = array<i64: 2, 16>, scalar_prefetch = 0 : i64, scratch_operands = 5 : i64, tpu.core_type = #tpu.core_type<sc_vector_subcore>, window_params = [{transform_indices = #map}, {transform_indices = #map1}, {transform_indices = #map1}]} {
    %mul3A = arith.constant 2 : i32
    %mul3A_0 = arith.muli %arg1, %mul3A : i32
    %add3A = arith.addi %mul3A_0, %arg0 : i32
    %mul3A_1 = arith.constant 125 : i32
    %mul3A_2 = arith.muli %add3A, %mul3A_1 : i32
    %dma_start3A = arith.constant 0 : i32
    %dma_start3A_3 = tpu.memref_slice %arg2[%mul3A_2, %dma_start3A] : memref<4000x80xi32, #tpu.memory_space<hbm>> -> memref<125x80xi32, #tpu.memory_space<hbm>>
    %dma_start3A_4 = arith.constant 0 : i32
    %dma_start3A_5 = tpu.memref_slice %arg2[%mul3A_2, %dma_start3A_4] : memref<4000x80xi32, #tpu.memory_space<hbm>> -> memref<125x80xi32, #tpu.memory_space<hbm>>
    tpu.enqueue_dma source(%dma_start3A_5 : memref<125x80xi32, #tpu.memory_space<hbm>>) target(%arg7 : memref<125x80xi32, #tpu.memory_space<vmem>>) target_semaphore(%arg9 : memref<!tpu.dma_semaphore, #tpu.memory_space<semaphore_mem>>)
    %broadcast_in_dim3A = arith.constant 0.000000e+00 : f32
    %broadcast_in_dim3A_6 = vector.broadcast %broadcast_in_dim3A : f32 to vector<16xf32>
    %broadcast_in_dim3A_7 = arith.constant 1.000000e+00 : f32
    %broadcast_in_dim3A_8 = vector.broadcast %broadcast_in_dim3A_7 : f32 to vector<16xf32>
    %scan3A = arith.constant 0 : i32
    %scan3A_9 = arith.constant 0 : i32
    %scan3A_10 = arith.constant 40 : i32
    %scan3A_11 = arith.addi %scan3A_9, %scan3A_10 : i32
    %scan3A_12 = arith.constant 1 : i32
    scf.for %scan3A_39 = %scan3A_9 to %scan3A_11 step %scan3A_12  : i32 {
      %mul3A_40 = arith.constant 16 : i32
      %mul3A_41 = arith.muli %scan3A_39, %mul3A_40 : i32
      %swap3A = arith.index_cast %mul3A_41 : i32 to index
      %swap3A_42 = tpu.vector_load %arg6[%swap3A] {strides = array<i32>} : memref<640xf32, #tpu.memory_space<vmem>>, vector<16xf32>,
      %swap3A_43 = vector.shape_cast %swap3A_42 : vector<16xf32> to vector<16xf32>
      %swap3A_44 = vector.shape_cast %broadcast_in_dim3A_6 : vector<16xf32> to vector<16xf32>
      tpu.vector_store %arg6[%swap3A], %swap3A_44 {strides = array<i32>} : memref<640xf32, #tpu.memory_space<vmem>>, vector<16xf32>,
    }
    %scan3A_13 = arith.constant 40 : i32
    %scan3A_14 = arith.constant 0 : i32
    %scan3A_15 = arith.constant 0 : i32
    %scan3A_16 = arith.constant 5 : i32
    %scan3A_17 = arith.addi %scan3A_15, %scan3A_16 : i32
    %scan3A_18 = arith.constant 1 : i32
    scf.for %scan3A_39 = %scan3A_15 to %scan3A_17 step %scan3A_18  : i32 {
      %mul3A_40 = arith.constant 16 : i32
      %mul3A_41 = arith.muli %scan3A_39, %mul3A_40 : i32
      %swap3A = arith.index_cast %mul3A_41 : i32 to index
      %swap3A_42 = tpu.vector_load %arg8[%swap3A] {strides = array<i32>} : memref<80xf32, #tpu.memory_space<vmem>>, vector<16xf32>,
      %swap3A_43 = vector.shape_cast %swap3A_42 : vector<16xf32> to vector<16xf32>
      %swap3A_44 = vector.shape_cast %broadcast_in_dim3A_8 : vector<16xf32> to vector<16xf32>
      tpu.vector_store %arg8[%swap3A], %swap3A_44 {strides = array<i32>} : memref<80xf32, #tpu.memory_space<vmem>>, vector<16xf32>,
    }
    %scan3A_19 = arith.constant 5 : i32
    %mul3A_20 = arith.constant 640 : i32
    %mul3A_21 = arith.muli %arg1, %mul3A_20 : i32
    "tpu.region"() ({
      %run_scoped3A = tpu.sem_alloc : memref<!tpu.dma_semaphore, #tpu.memory_space<semaphore_mem>>
      %dma_start3A_39 = tpu.memref_slice %arg5[%mul3A_21] : memref<10240xf32, #tpu.memory_space<vmem_shared>> -> memref<640xf32, #tpu.memory_space<vmem_shared>>
      %dma_start3A_40 = tpu.memref_slice %arg5[%mul3A_21] : memref<10240xf32, #tpu.memory_space<vmem_shared>> -> memref<640xf32, #tpu.memory_space<vmem_shared>>
      tpu.enqueue_dma source(%arg6 : memref<640xf32, #tpu.memory_space<vmem>>) target(%dma_start3A_40 : memref<640xf32, #tpu.memory_space<vmem_shared>>) target_semaphore(%run_scoped3A : memref<!tpu.dma_semaphore, #tpu.memory_space<semaphore_mem>>)
      %dma_wait3A_41 = tpu.memref_slice %arg5[%mul3A_21] : memref<10240xf32, #tpu.memory_space<vmem_shared>> -> memref<640xf32, #tpu.memory_space<vmem_shared>>
      %dma_wait3A_42 = tpu.memref_slice %arg5[%mul3A_21] : memref<10240xf32, #tpu.memory_space<vmem_shared>> -> memref<640xf32, #tpu.memory_space<vmem_shared>>
      tpu.wait_dma2 semaphore(%run_scoped3A : memref<!tpu.dma_semaphore, #tpu.memory_space<semaphore_mem>>) src(%arg6 : memref<640xf32, #tpu.memory_space<vmem>>) dst(%dma_wait3A_42 : memref<640xf32, #tpu.memory_space<vmem_shared>>)
      tpu.yield
    }) : () -> ()
    %dma_wait3A = arith.constant 0 : i32
    %dma_wait3A_22 = tpu.memref_slice %arg2[%mul3A_2, %dma_wait3A] : memref<4000x80xi32, #tpu.memory_space<hbm>> -> memref<125x80xi32, #tpu.memory_space<hbm>>
    %dma_wait3A_23 = arith.constant 0 : i32
    %dma_wait3A_24 = tpu.memref_slice %arg2[%mul3A_2, %dma_wait3A_23] : memref<4000x80xi32, #tpu.memory_space<hbm>> -> memref<125x80xi32, #tpu.memory_space<hbm>>
    tpu.wait_dma2 semaphore(%arg9 : memref<!tpu.dma_semaphore, #tpu.memory_space<semaphore_mem>>) src(%dma_wait3A_24 : memref<125x80xi32, #tpu.memory_space<hbm>>) dst(%arg7 : memref<125x80xi32, #tpu.memory_space<vmem>>)
    %barrier3A = arith.constant 0 : index
    tpu.barrier barrier_id(%barrier3A)
    %scan3A_25 = arith.constant 0 : i32
    %scan3A_26 = arith.constant 0 : i32
    %scan3A_27 = arith.constant 125 : i32
    %scan3A_28 = arith.addi %scan3A_26, %scan3A_27 : i32
    %scan3A_29 = arith.constant 1 : i32
    scf.for %scan3A_39 = %scan3A_26 to %scan3A_28 step %scan3A_29  : i32 {
      "tpu.region"() ({
        %run_scoped3A = tpu.sem_alloc : memref<!tpu.dma_semaphore, #tpu.memory_space<semaphore_mem>>
        %dma_start3A_40 = arith.constant 0 : i32
        %dma_start3A_41 = tpu.memref_slice %arg7[%scan3A_39, %dma_start3A_40] : memref<125x80xi32, #tpu.memory_space<vmem>> -> memref<1x80xi32, #tpu.memory_space<vmem>>
        %dma_start3A_42 = tpu.memref_squeeze %dma_start3A_41 : memref<1x80xi32, #tpu.memory_space<vmem>> -> memref<80xi32, #tpu.memory_space<vmem>>
        %dma_start3A_43 = arith.constant 0 : i32
        %dma_start3A_44 = tpu.memref_slice %arg5[%dma_start3A_43] : memref<10240xf32, #tpu.memory_space<vmem_shared>> -> memref<10240xf32, #tpu.memory_space<vmem_shared>>
        tpu.enqueue_indirect_dma source(%arg8 : memref<80xf32, #tpu.memory_space<vmem>>) target(%dma_start3A_44 : memref<10240xf32, #tpu.memory_space<vmem_shared>>) offsets(%dma_start3A_42 : memref<80xi32, #tpu.memory_space<vmem>>) semaphore(%run_scoped3A : memref<!tpu.dma_semaphore, #tpu.memory_space<semaphore_mem>>) {add = true}
        %dma_wait3A_45 = arith.constant 0 : i32
        %dma_wait3A_46 = tpu.memref_slice %arg7[%scan3A_39, %dma_wait3A_45] : memref<125x80xi32, #tpu.memory_space<vmem>> -> memref<1x80xi32, #tpu.memory_space<vmem>>
        %dma_wait3A_47 = tpu.memref_squeeze %dma_wait3A_46 : memref<1x80xi32, #tpu.memory_space<vmem>> -> memref<80xi32, #tpu.memory_space<vmem>>
        %dma_wait3A_48 = arith.constant 0 : i32
        %dma_wait3A_49 = tpu.memref_slice %arg5[%dma_wait3A_48] : memref<10240xf32, #tpu.memory_space<vmem_shared>> -> memref<10240xf32, #tpu.memory_space<vmem_shared>>
        tpu.wait_indirect_dma semaphore(%run_scoped3A : memref<!tpu.dma_semaphore, #tpu.memory_space<semaphore_mem>>) src(%arg8 : memref<80xf32, #tpu.memory_space<vmem>>) dst(%dma_wait3A_49 : memref<10240xf32, #tpu.memory_space<vmem_shared>>)
        tpu.yield
      }) : () -> ()
    }
    %scan3A_30 = arith.constant 125 : i32
    %barrier3A_31 = arith.constant 0 : index
    tpu.barrier barrier_id(%barrier3A_31)
    "tpu.region"() ({
      %run_scoped3A = tpu.sem_alloc : memref<!tpu.dma_semaphore, #tpu.memory_space<semaphore_mem>>
      %dma_start3A_39 = tpu.memref_slice %arg5[%mul3A_21] : memref<10240xf32, #tpu.memory_space<vmem_shared>> -> memref<640xf32, #tpu.memory_space<vmem_shared>>
      %dma_start3A_40 = tpu.memref_slice %arg5[%mul3A_21] : memref<10240xf32, #tpu.memory_space<vmem_shared>> -> memref<640xf32, #tpu.memory_space<vmem_shared>>
      tpu.enqueue_dma source(%dma_start3A_40 : memref<640xf32, #tpu.memory_space<vmem_shared>>) target(%arg6 : memref<640xf32, #tpu.memory_space<vmem>>) target_semaphore(%run_scoped3A : memref<!tpu.dma_semaphore, #tpu.memory_space<semaphore_mem>>)
      %dma_wait3A_41 = tpu.memref_slice %arg5[%mul3A_21] : memref<10240xf32, #tpu.memory_space<vmem_shared>> -> memref<640xf32, #tpu.memory_space<vmem_shared>>
      %dma_wait3A_42 = tpu.memref_slice %arg5[%mul3A_21] : memref<10240xf32, #tpu.memory_space<vmem_shared>> -> memref<640xf32, #tpu.memory_space<vmem_shared>>
      tpu.wait_dma2 semaphore(%run_scoped3A : memref<!tpu.dma_semaphore, #tpu.memory_space<semaphore_mem>>) src(%dma_wait3A_42 : memref<640xf32, #tpu.memory_space<vmem_shared>>) dst(%arg6 : memref<640xf32, #tpu.memory_space<vmem>>)
      tpu.yield
    }) : () -> ()
    %eq3A = arith.constant 0 : i32
    %eq3A_32 = arith.cmpi eq, %arg0, %eq3A : i32
    %convert_element_type3A = arith.extui %eq3A_32 : i1 to i32
    %cond3A = arith.constant 0 : i32
    %cond3A_33 = arith.cmpi ne, %convert_element_type3A, %cond3A : i32
    scf.if %cond3A_33 {
      "tpu.region"() ({
        %run_scoped3A = tpu.sem_alloc : memref<!tpu.dma_semaphore, #tpu.memory_space<semaphore_mem>>
        %dma_start3A_39 = tpu.memref_slice %arg3[%mul3A_21] : memref<10240xf32, #tpu.memory_space<hbm>> -> memref<640xf32, #tpu.memory_space<hbm>>
        %dma_start3A_40 = tpu.memref_slice %arg3[%mul3A_21] : memref<10240xf32, #tpu.memory_space<hbm>> -> memref<640xf32, #tpu.memory_space<hbm>>
        tpu.enqueue_dma source(%arg6 : memref<640xf32, #tpu.memory_space<vmem>>) target(%dma_start3A_40 : memref<640xf32, #tpu.memory_space<hbm>>) target_semaphore(%run_scoped3A : memref<!tpu.dma_semaphore, #tpu.memory_space<semaphore_mem>>)
        %dma_wait3A_41 = tpu.memref_slice %arg3[%mul3A_21] : memref<10240xf32, #tpu.memory_space<hbm>> -> memref<640xf32, #tpu.memory_space<hbm>>
        %dma_wait3A_42 = tpu.memref_slice %arg3[%mul3A_21] : memref<10240xf32, #tpu.memory_space<hbm>> -> memref<640xf32, #tpu.memory_space<hbm>>
        tpu.wait_dma2 semaphore(%run_scoped3A : memref<!tpu.dma_semaphore, #tpu.memory_space<semaphore_mem>>) src(%arg6 : memref<640xf32, #tpu.memory_space<vmem>>) dst(%dma_wait3A_42 : memref<640xf32, #tpu.memory_space<hbm>>)
        tpu.yield
      }) : () -> ()
    } else {
    }
    %eq3A_34 = arith.constant 1 : i32
    %eq3A_35 = arith.cmpi eq, %arg0, %eq3A_34 : i32
    %convert_element_type3A_36 = arith.extui %eq3A_35 : i1 to i32
    %cond3A_37 = arith.constant 0 : i32
    %cond3A_38 = arith.cmpi ne, %convert_element_type3A_36, %cond3A_37 : i32
    scf.if %cond3A_38 {
      "tpu.region"() ({
        %run_scoped3A = tpu.sem_alloc : memref<!tpu.dma_semaphore, #tpu.memory_space<semaphore_mem>>
        %dma_start3A_39 = tpu.memref_slice %arg4[%mul3A_21] : memref<10240xf32, #tpu.memory_space<hbm>> -> memref<640xf32, #tpu.memory_space<hbm>>
        %dma_start3A_40 = tpu.memref_slice %arg4[%mul3A_21] : memref<10240xf32, #tpu.memory_space<hbm>> -> memref<640xf32, #tpu.memory_space<hbm>>
        tpu.enqueue_dma source(%arg6 : memref<640xf32, #tpu.memory_space<vmem>>) target(%dma_start3A_40 : memref<640xf32, #tpu.memory_space<hbm>>) target_semaphore(%run_scoped3A : memref<!tpu.dma_semaphore, #tpu.memory_space<semaphore_mem>>)
        %dma_wait3A_41 = tpu.memref_slice %arg4[%mul3A_21] : memref<10240xf32, #tpu.memory_space<hbm>> -> memref<640xf32, #tpu.memory_space<hbm>>
        %dma_wait3A_42 = tpu.memref_slice %arg4[%mul3A_21] : memref<10240xf32, #tpu.memory_space<hbm>> -> memref<640xf32, #tpu.memory_space<hbm>>
        tpu.wait_dma2 semaphore(%run_scoped3A : memref<!tpu.dma_semaphore, #tpu.memory_space<semaphore_mem>>) src(%arg6 : memref<640xf32, #tpu.memory_space<vmem>>) dst(%dma_wait3A_42 : memref<640xf32, #tpu.memory_space<hbm>>)
        tpu.yield
      }) : () -> ()
    } else {
    }
    return
  }
}

#map = affine_map<(d0, d1) -> (0, 0)>
module attributes {stable_mosaic.version = 14 : i64} {
  func.func @_prop_sc(%arg0: i32, %arg1: i32, %arg2: memref<10240x64xf32, #tpu.memory_space<hbm>>, %arg3: memref<4000x80xi32, #tpu.memory_space<hbm>>, %arg4: memref<4000x80xi32, #tpu.memory_space<hbm>>, %arg5: memref<10240x64xf32, #tpu.memory_space<hbm>>, %arg6: memref<10240x64xf32, #tpu.memory_space<hbm>>, %arg7: memref<10240x64xf32, #tpu.memory_space<vmem_shared>>, %arg8: memref<125x80xi32, #tpu.memory_space<vmem>>, %arg9: memref<125x80xi32, #tpu.memory_space<vmem>>, %arg10: memref<80x64xf32, #tpu.memory_space<vmem>>, %arg11: memref<80x64xf32, #tpu.memory_space<vmem>>, %arg12: memref<80x64xf32, #tpu.memory_space<vmem>>, %arg13: memref<80x64xf32, #tpu.memory_space<vmem>>, %arg14: memref<80x64xf32, #tpu.memory_space<vmem>>, %arg15: memref<!tpu.dma_semaphore, #tpu.memory_space<semaphore_mem>>, %arg16: memref<!tpu.dma_semaphore, #tpu.memory_space<semaphore_mem>>, %arg17: memref<!tpu.dma_semaphore, #tpu.memory_space<semaphore_mem>>, %arg18: memref<!tpu.dma_semaphore, #tpu.memory_space<semaphore_mem>>, %arg19: memref<!tpu.dma_semaphore, #tpu.memory_space<semaphore_mem>>, %arg20: memref<!tpu.dma_semaphore, #tpu.memory_space<semaphore_mem>>, %arg21: memref<!tpu.dma_semaphore, #tpu.memory_space<semaphore_mem>>, %arg22: memref<!tpu.dma_semaphore, #tpu.memory_space<semaphore_mem>>, %arg23: memref<!tpu.dma_semaphore, #tpu.memory_space<semaphore_mem>>, %arg24: memref<!tpu.dma_semaphore, #tpu.memory_space<semaphore_mem>>, %arg25: memref<!tpu.dma_semaphore, #tpu.memory_space<semaphore_mem>>) attributes {dimension_semantics = [#tpu.dimension_semantics<core_parallel>, #tpu.dimension_semantics<subcore_parallel>], iteration_bounds = array<i64: 2, 16>, scalar_prefetch = 0 : i64, scratch_operands = 19 : i64, tpu.core_type = #tpu.core_type<sc_vector_subcore>, window_params = [{transform_indices = #map}, {transform_indices = #map}, {transform_indices = #map}, {transform_indices = #map}, {transform_indices = #map}]} {
    %mul3A = arith.constant 2 : i32
    %mul3A_0 = arith.muli %arg1, %mul3A : i32
    %add3A = arith.addi %mul3A_0, %arg0 : i32
    %mul3A_1 = arith.constant 125 : i32
    %mul3A_2 = arith.muli %add3A, %mul3A_1 : i32
    %dma_start3A = arith.constant 0 : i32
    %dma_start3A_3 = tpu.memref_slice %arg3[%mul3A_2, %dma_start3A] : memref<4000x80xi32, #tpu.memory_space<hbm>> -> memref<125x80xi32, #tpu.memory_space<hbm>>
    %dma_start3A_4 = arith.constant 0 : i32
    %dma_start3A_5 = tpu.memref_slice %arg3[%mul3A_2, %dma_start3A_4] : memref<4000x80xi32, #tpu.memory_space<hbm>> -> memref<125x80xi32, #tpu.memory_space<hbm>>
    tpu.enqueue_dma source(%dma_start3A_5 : memref<125x80xi32, #tpu.memory_space<hbm>>) target(%arg8 : memref<125x80xi32, #tpu.memory_space<vmem>>) target_semaphore(%arg25 : memref<!tpu.dma_semaphore, #tpu.memory_space<semaphore_mem>>)
    %dma_start3A_6 = arith.constant 0 : i32
    %dma_start3A_7 = tpu.memref_slice %arg4[%mul3A_2, %dma_start3A_6] : memref<4000x80xi32, #tpu.memory_space<hbm>> -> memref<125x80xi32, #tpu.memory_space<hbm>>
    %dma_start3A_8 = arith.constant 0 : i32
    %dma_start3A_9 = tpu.memref_slice %arg4[%mul3A_2, %dma_start3A_8] : memref<4000x80xi32, #tpu.memory_space<hbm>> -> memref<125x80xi32, #tpu.memory_space<hbm>>
    tpu.enqueue_dma source(%dma_start3A_9 : memref<125x80xi32, #tpu.memory_space<hbm>>) target(%arg9 : memref<125x80xi32, #tpu.memory_space<vmem>>) target_semaphore(%arg25 : memref<!tpu.dma_semaphore, #tpu.memory_space<semaphore_mem>>)
    %broadcast_in_dim3A = arith.constant 0.000000e+00 : f32
    %broadcast_in_dim3A_10 = vector.broadcast %broadcast_in_dim3A : f32 to vector<16xf32>
    %scan3A = arith.constant 0 : i32
    %scan3A_11 = arith.constant 0 : i32
    %scan3A_12 = arith.constant 320 : i32
    %scan3A_13 = arith.addi %scan3A_11, %scan3A_12 : i32
    %scan3A_14 = arith.constant 1 : i32
    scf.for %scan3A_114 = %scan3A_11 to %scan3A_13 step %scan3A_14  : i32 {
      %jit3A = arith.constant 4 : i32
      %div3A = arith.divsi %scan3A_114, %jit3A : i32
      %sign3A = arith.constant 0 : i32
      %sign3A_115 = arith.cmpi sgt, %scan3A_114, %sign3A : i32
      %sign3A_116 = arith.extui %sign3A_115 : i1 to i32
      %sign3A_117 = arith.constant 0 : i32
      %sign3A_118 = arith.cmpi slt, %scan3A_114, %sign3A_117 : i32
      %sign3A_119 = arith.extui %sign3A_118 : i1 to i32
      %sign3A_120 = arith.subi %sign3A_116, %sign3A_119 : i32
      %sign3A_121 = arith.constant 0 : i32
      %sign3A_122 = arith.cmpi sgt, %jit3A, %sign3A_121 : i32
      %sign3A_123 = arith.extui %sign3A_122 : i1 to i32
      %sign3A_124 = arith.constant 0 : i32
      %sign3A_125 = arith.cmpi slt, %jit3A, %sign3A_124 : i32
      %sign3A_126 = arith.extui %sign3A_125 : i1 to i32
      %sign3A_127 = arith.subi %sign3A_123, %sign3A_126 : i32
      %ne3A = arith.cmpi ne, %sign3A_120, %sign3A_127 : i32
      %rem3A = arith.remsi %scan3A_114, %jit3A : i32
      %ne3A_128 = arith.constant 0 : i32
      %ne3A_129 = arith.cmpi ne, %rem3A, %ne3A_128 : i32
      %and3A = arith.andi %ne3A, %ne3A_129 : i1
      %sub3A = arith.constant 1 : i32
      %sub3A_130 = arith.subi %div3A, %sub3A : i32
      %select_n3A = arith.select %and3A, %sub3A_130, %div3A : i32
      %jit3A_131 = arith.constant 4 : i32
      %eq3A = arith.constant 0 : i32
      %eq3A_132 = arith.cmpi eq, %jit3A_131, %eq3A : i32
      %jit3A_133 = arith.constant 1 : i32
      %select_n3A_134 = arith.select %eq3A_132, %jit3A_133, %jit3A_131 : i32
      %rem3A_135 = arith.remsi %scan3A_114, %select_n3A_134 : i32
      %ne3A_136 = arith.constant 0 : i32
      %ne3A_137 = arith.cmpi ne, %rem3A_135, %ne3A_136 : i32
      %lt3A = arith.constant 0 : i32
      %lt3A_138 = arith.cmpi slt, %rem3A_135, %lt3A : i32
      %lt3A_139 = arith.constant 0 : i32
      %lt3A_140 = arith.cmpi slt, %select_n3A_134, %lt3A_139 : i32
      %ne3A_141 = arith.xori %lt3A_138, %lt3A_140 : i1
      %and3A_142 = arith.andi %ne3A_141, %ne3A_137 : i1
      %add3A_143 = arith.addi %rem3A_135, %select_n3A_134 : i32
      %select_n3A_144 = arith.select %and3A_142, %add3A_143, %rem3A_135 : i32
      %mul3A_145 = arith.constant 16 : i32
      %mul3A_146 = arith.muli %select_n3A_144, %mul3A_145 : i32
      %swap3A = arith.index_cast %select_n3A : i32 to index
      %swap3A_147 = arith.index_cast %mul3A_146 : i32 to index
      %swap3A_148 = tpu.vector_load %arg10[%swap3A, %swap3A_147] {strides = array<i32>} : memref<80x64xf32, #tpu.memory_space<vmem>>, vector<1x16xf32>,
      %swap3A_149 = vector.shape_cast %swap3A_148 : vector<1x16xf32> to vector<16xf32>
      %swap3A_150 = vector.shape_cast %broadcast_in_dim3A_10 : vector<16xf32> to vector<1x16xf32>
      tpu.vector_store %arg10[%swap3A, %swap3A_147], %swap3A_150 {strides = array<i32>} : memref<80x64xf32, #tpu.memory_space<vmem>>, vector<1x16xf32>,
    }
    %scan3A_15 = arith.constant 320 : i32
    %mul3A_16 = arith.constant 640 : i32
    %mul3A_17 = arith.muli %arg1, %mul3A_16 : i32
    %scan3A_18 = arith.constant 0 : i32
    %scan3A_19 = arith.constant 0 : i32
    %scan3A_20 = arith.constant 8 : i32
    %scan3A_21 = arith.addi %scan3A_19, %scan3A_20 : i32
    %scan3A_22 = arith.constant 1 : i32
    scf.for %scan3A_114 = %scan3A_19 to %scan3A_21 step %scan3A_22  : i32 {
      %mul3A_115 = arith.constant 80 : i32
      %mul3A_116 = arith.muli %scan3A_114, %mul3A_115 : i32
      %add3A_117 = arith.addi %mul3A_17, %mul3A_116 : i32
      "tpu.region"() ({
        %run_scoped3A = tpu.sem_alloc : memref<!tpu.dma_semaphore, #tpu.memory_space<semaphore_mem>>
        %dma_start3A_118 = arith.constant 0 : i32
        %dma_start3A_119 = tpu.memref_slice %arg7[%add3A_117, %dma_start3A_118] : memref<10240x64xf32, #tpu.memory_space<vmem_shared>> -> memref<80x64xf32, #tpu.memory_space<vmem_shared>>
        %dma_start3A_120 = arith.constant 0 : i32
        %dma_start3A_121 = tpu.memref_slice %arg7[%add3A_117, %dma_start3A_120] : memref<10240x64xf32, #tpu.memory_space<vmem_shared>> -> memref<80x64xf32, #tpu.memory_space<vmem_shared>>
        tpu.enqueue_dma source(%arg10 : memref<80x64xf32, #tpu.memory_space<vmem>>) target(%dma_start3A_121 : memref<80x64xf32, #tpu.memory_space<vmem_shared>>) target_semaphore(%run_scoped3A : memref<!tpu.dma_semaphore, #tpu.memory_space<semaphore_mem>>)
        %dma_wait3A_122 = arith.constant 0 : i32
        %dma_wait3A_123 = tpu.memref_slice %arg7[%add3A_117, %dma_wait3A_122] : memref<10240x64xf32, #tpu.memory_space<vmem_shared>> -> memref<80x64xf32, #tpu.memory_space<vmem_shared>>
        %dma_wait3A_124 = arith.constant 0 : i32
        %dma_wait3A_125 = tpu.memref_slice %arg7[%add3A_117, %dma_wait3A_124] : memref<10240x64xf32, #tpu.memory_space<vmem_shared>> -> memref<80x64xf32, #tpu.memory_space<vmem_shared>>
        tpu.wait_dma2 semaphore(%run_scoped3A : memref<!tpu.dma_semaphore, #tpu.memory_space<semaphore_mem>>) src(%arg10 : memref<80x64xf32, #tpu.memory_space<vmem>>) dst(%dma_wait3A_125 : memref<80x64xf32, #tpu.memory_space<vmem_shared>>)
        tpu.yield
      }) : () -> ()
    }
    %scan3A_23 = arith.constant 8 : i32
    %dma_wait3A = arith.constant 0 : i32
    %dma_wait3A_24 = tpu.memref_slice %arg3[%mul3A_2, %dma_wait3A] : memref<4000x80xi32, #tpu.memory_space<hbm>> -> memref<125x80xi32, #tpu.memory_space<hbm>>
    %dma_wait3A_25 = arith.constant 0 : i32
    %dma_wait3A_26 = tpu.memref_slice %arg3[%mul3A_2, %dma_wait3A_25] : memref<4000x80xi32, #tpu.memory_space<hbm>> -> memref<125x80xi32, #tpu.memory_space<hbm>>
    tpu.wait_dma2 semaphore(%arg25 : memref<!tpu.dma_semaphore, #tpu.memory_space<semaphore_mem>>) src(%dma_wait3A_26 : memref<125x80xi32, #tpu.memory_space<hbm>>) dst(%arg8 : memref<125x80xi32, #tpu.memory_space<vmem>>)
    %dma_wait3A_27 = arith.constant 0 : i32
    %dma_wait3A_28 = tpu.memref_slice %arg4[%mul3A_2, %dma_wait3A_27] : memref<4000x80xi32, #tpu.memory_space<hbm>> -> memref<125x80xi32, #tpu.memory_space<hbm>>
    %dma_wait3A_29 = arith.constant 0 : i32
    %dma_wait3A_30 = tpu.memref_slice %arg4[%mul3A_2, %dma_wait3A_29] : memref<4000x80xi32, #tpu.memory_space<hbm>> -> memref<125x80xi32, #tpu.memory_space<hbm>>
    tpu.wait_dma2 semaphore(%arg25 : memref<!tpu.dma_semaphore, #tpu.memory_space<semaphore_mem>>) src(%dma_wait3A_30 : memref<125x80xi32, #tpu.memory_space<hbm>>) dst(%arg9 : memref<125x80xi32, #tpu.memory_space<vmem>>)
    %barrier3A = arith.constant 0 : index
    tpu.barrier barrier_id(%barrier3A)
    %dma_start3A_31 = arith.constant 0 : i32
    %dma_start3A_32 = arith.constant 0 : i32
    %dma_start3A_33 = tpu.memref_slice %arg8[%dma_start3A_31, %dma_start3A_32] : memref<125x80xi32, #tpu.memory_space<vmem>> -> memref<1x80xi32, #tpu.memory_space<vmem>>
    %dma_start3A_34 = tpu.memref_squeeze %dma_start3A_33 : memref<1x80xi32, #tpu.memory_space<vmem>> -> memref<80xi32, #tpu.memory_space<vmem>>
    %dma_start3A_35 = arith.constant 0 : i32
    %dma_start3A_36 = arith.constant 0 : i32
    %dma_start3A_37 = tpu.memref_slice %arg2[%dma_start3A_35, %dma_start3A_36] : memref<10240x64xf32, #tpu.memory_space<hbm>> -> memref<10240x64xf32, #tpu.memory_space<hbm>>
    tpu.enqueue_indirect_dma source(%dma_start3A_37 : memref<10240x64xf32, #tpu.memory_space<hbm>>) target(%arg10 : memref<80x64xf32, #tpu.memory_space<vmem>>) offsets(%dma_start3A_34 : memref<80xi32, #tpu.memory_space<vmem>>) semaphore(%arg15 : memref<!tpu.dma_semaphore, #tpu.memory_space<semaphore_mem>>)
    %dma_start3A_38 = arith.constant 1 : i32
    %dma_start3A_39 = arith.constant 0 : i32
    %dma_start3A_40 = tpu.memref_slice %arg8[%dma_start3A_38, %dma_start3A_39] : memref<125x80xi32, #tpu.memory_space<vmem>> -> memref<1x80xi32, #tpu.memory_space<vmem>>
    %dma_start3A_41 = tpu.memref_squeeze %dma_start3A_40 : memref<1x80xi32, #tpu.memory_space<vmem>> -> memref<80xi32, #tpu.memory_space<vmem>>
    %dma_start3A_42 = arith.constant 0 : i32
    %dma_start3A_43 = arith.constant 0 : i32
    %dma_start3A_44 = tpu.memref_slice %arg2[%dma_start3A_42, %dma_start3A_43] : memref<10240x64xf32, #tpu.memory_space<hbm>> -> memref<10240x64xf32, #tpu.memory_space<hbm>>
    tpu.enqueue_indirect_dma source(%dma_start3A_44 : memref<10240x64xf32, #tpu.memory_space<hbm>>) target(%arg11 : memref<80x64xf32, #tpu.memory_space<vmem>>) offsets(%dma_start3A_41 : memref<80xi32, #tpu.memory_space<vmem>>) semaphore(%arg16 : memref<!tpu.dma_semaphore, #tpu.memory_space<semaphore_mem>>)
    %dma_start3A_45 = arith.constant 2 : i32
    %dma_start3A_46 = arith.constant 0 : i32
    %dma_start3A_47 = tpu.memref_slice %arg8[%dma_start3A_45, %dma_start3A_46] : memref<125x80xi32, #tpu.memory_space<vmem>> -> memref<1x80xi32, #tpu.memory_space<vmem>>
    %dma_start3A_48 = tpu.memref_squeeze %dma_start3A_47 : memref<1x80xi32, #tpu.memory_space<vmem>> -> memref<80xi32, #tpu.memory_space<vmem>>
    %dma_start3A_49 = arith.constant 0 : i32
    %dma_start3A_50 = arith.constant 0 : i32
    %dma_start3A_51 = tpu.memref_slice %arg2[%dma_start3A_49, %dma_start3A_50] : memref<10240x64xf32, #tpu.memory_space<hbm>> -> memref<10240x64xf32, #tpu.memory_space<hbm>>
    tpu.enqueue_indirect_dma source(%dma_start3A_51 : memref<10240x64xf32, #tpu.memory_space<hbm>>) target(%arg12 : memref<80x64xf32, #tpu.memory_space<vmem>>) offsets(%dma_start3A_48 : memref<80xi32, #tpu.memory_space<vmem>>) semaphore(%arg17 : memref<!tpu.dma_semaphore, #tpu.memory_space<semaphore_mem>>)
    %dma_start3A_52 = arith.constant 3 : i32
    %dma_start3A_53 = arith.constant 0 : i32
    %dma_start3A_54 = tpu.memref_slice %arg8[%dma_start3A_52, %dma_start3A_53] : memref<125x80xi32, #tpu.memory_space<vmem>> -> memref<1x80xi32, #tpu.memory_space<vmem>>
    %dma_start3A_55 = tpu.memref_squeeze %dma_start3A_54 : memref<1x80xi32, #tpu.memory_space<vmem>> -> memref<80xi32, #tpu.memory_space<vmem>>
    %dma_start3A_56 = arith.constant 0 : i32
    %dma_start3A_57 = arith.constant 0 : i32
    %dma_start3A_58 = tpu.memref_slice %arg2[%dma_start3A_56, %dma_start3A_57] : memref<10240x64xf32, #tpu.memory_space<hbm>> -> memref<10240x64xf32, #tpu.memory_space<hbm>>
    tpu.enqueue_indirect_dma source(%dma_start3A_58 : memref<10240x64xf32, #tpu.memory_space<hbm>>) target(%arg13 : memref<80x64xf32, #tpu.memory_space<vmem>>) offsets(%dma_start3A_55 : memref<80xi32, #tpu.memory_space<vmem>>) semaphore(%arg18 : memref<!tpu.dma_semaphore, #tpu.memory_space<semaphore_mem>>)
    %dma_start3A_59 = arith.constant 4 : i32
    %dma_start3A_60 = arith.constant 0 : i32
    %dma_start3A_61 = tpu.memref_slice %arg8[%dma_start3A_59, %dma_start3A_60] : memref<125x80xi32, #tpu.memory_space<vmem>> -> memref<1x80xi32, #tpu.memory_space<vmem>>
    %dma_start3A_62 = tpu.memref_squeeze %dma_start3A_61 : memref<1x80xi32, #tpu.memory_space<vmem>> -> memref<80xi32, #tpu.memory_space<vmem>>
    %dma_start3A_63 = arith.constant 0 : i32
    %dma_start3A_64 = arith.constant 0 : i32
    %dma_start3A_65 = tpu.memref_slice %arg2[%dma_start3A_63, %dma_start3A_64] : memref<10240x64xf32, #tpu.memory_space<hbm>> -> memref<10240x64xf32, #tpu.memory_space<hbm>>
    tpu.enqueue_indirect_dma source(%dma_start3A_65 : memref<10240x64xf32, #tpu.memory_space<hbm>>) target(%arg14 : memref<80x64xf32, #tpu.memory_space<vmem>>) offsets(%dma_start3A_62 : memref<80xi32, #tpu.memory_space<vmem>>) semaphore(%arg19 : memref<!tpu.dma_semaphore, #tpu.memory_space<semaphore_mem>>)
    %scan3A_66 = arith.constant 0 : i32
    %scan3A_67 = arith.constant 0 : i32
    %scan3A_68 = arith.constant 25 : i32
    %scan3A_69 = arith.addi %scan3A_67, %scan3A_68 : i32
    %scan3A_70 = arith.constant 1 : i32
    scf.for %scan3A_114 = %scan3A_67 to %scan3A_69 step %scan3A_70  : i32 {
      %mul3A_115 = arith.constant 5 : i32
      %mul3A_116 = arith.muli %mul3A_115, %scan3A_114 : i32
      %dma_wait3A_117 = arith.constant 0 : i32
      %dma_wait3A_118 = arith.constant 0 : i32
      %dma_wait3A_119 = tpu.memref_slice %arg8[%dma_wait3A_117, %dma_wait3A_118] : memref<125x80xi32, #tpu.memory_space<vmem>> -> memref<1x80xi32, #tpu.memory_space<vmem>>
      %dma_wait3A_120 = tpu.memref_squeeze %dma_wait3A_119 : memref<1x80xi32, #tpu.memory_space<vmem>> -> memref<80xi32, #tpu.memory_space<vmem>>
      %dma_wait3A_121 = arith.constant 0 : i32
      %dma_wait3A_122 = arith.constant 0 : i32
      %dma_wait3A_123 = tpu.memref_slice %arg2[%dma_wait3A_121, %dma_wait3A_122] : memref<10240x64xf32, #tpu.memory_space<hbm>> -> memref<10240x64xf32, #tpu.memory_space<hbm>>
      tpu.wait_indirect_dma semaphore(%arg15 : memref<!tpu.dma_semaphore, #tpu.memory_space<semaphore_mem>>) src(%dma_wait3A_123 : memref<10240x64xf32, #tpu.memory_space<hbm>>) dst(%arg10 : memref<80x64xf32, #tpu.memory_space<vmem>>)
      %add3A_124 = arith.constant 0 : i32
      %add3A_125 = arith.addi %mul3A_116, %add3A_124 : i32
      %dma_start3A_126 = arith.constant 0 : i32
      %dma_start3A_127 = tpu.memref_slice %arg9[%add3A_125, %dma_start3A_126] : memref<125x80xi32, #tpu.memory_space<vmem>> -> memref<1x80xi32, #tpu.memory_space<vmem>>
      %dma_start3A_128 = tpu.memref_squeeze %dma_start3A_127 : memref<1x80xi32, #tpu.memory_space<vmem>> -> memref<80xi32, #tpu.memory_space<vmem>>
      %dma_start3A_129 = arith.constant 0 : i32
      %dma_start3A_130 = arith.constant 0 : i32
      %dma_start3A_131 = tpu.memref_slice %arg7[%dma_start3A_129, %dma_start3A_130] : memref<10240x64xf32, #tpu.memory_space<vmem_shared>> -> memref<10240x64xf32, #tpu.memory_space<vmem_shared>>
      tpu.enqueue_indirect_dma source(%arg10 : memref<80x64xf32, #tpu.memory_space<vmem>>) target(%dma_start3A_131 : memref<10240x64xf32, #tpu.memory_space<vmem_shared>>) offsets(%dma_start3A_128 : memref<80xi32, #tpu.memory_space<vmem>>) semaphore(%arg20 : memref<!tpu.dma_semaphore, #tpu.memory_space<semaphore_mem>>) {add = true}
      %dma_wait3A_132 = arith.constant 0 : i32
      %dma_wait3A_133 = arith.constant 0 : i32
      %dma_wait3A_134 = tpu.memref_slice %arg8[%dma_wait3A_132, %dma_wait3A_133] : memref<125x80xi32, #tpu.memory_space<vmem>> -> memref<1x80xi32, #tpu.memory_space<vmem>>
      %dma_wait3A_135 = tpu.memref_squeeze %dma_wait3A_134 : memref<1x80xi32, #tpu.memory_space<vmem>> -> memref<80xi32, #tpu.memory_space<vmem>>
      %dma_wait3A_136 = arith.constant 0 : i32
      %dma_wait3A_137 = arith.constant 0 : i32
      %dma_wait3A_138 = tpu.memref_slice %arg2[%dma_wait3A_136, %dma_wait3A_137] : memref<10240x64xf32, #tpu.memory_space<hbm>> -> memref<10240x64xf32, #tpu.memory_space<hbm>>
      tpu.wait_indirect_dma semaphore(%arg16 : memref<!tpu.dma_semaphore, #tpu.memory_space<semaphore_mem>>) src(%dma_wait3A_138 : memref<10240x64xf32, #tpu.memory_space<hbm>>) dst(%arg11 : memref<80x64xf32, #tpu.memory_space<vmem>>)
      %add3A_139 = arith.constant 1 : i32
      %add3A_140 = arith.addi %mul3A_116, %add3A_139 : i32
      %dma_start3A_141 = arith.constant 0 : i32
      %dma_start3A_142 = tpu.memref_slice %arg9[%add3A_140, %dma_start3A_141] : memref<125x80xi32, #tpu.memory_space<vmem>> -> memref<1x80xi32, #tpu.memory_space<vmem>>
      %dma_start3A_143 = tpu.memref_squeeze %dma_start3A_142 : memref<1x80xi32, #tpu.memory_space<vmem>> -> memref<80xi32, #tpu.memory_space<vmem>>
      %dma_start3A_144 = arith.constant 0 : i32
      %dma_start3A_145 = arith.constant 0 : i32
      %dma_start3A_146 = tpu.memref_slice %arg7[%dma_start3A_144, %dma_start3A_145] : memref<10240x64xf32, #tpu.memory_space<vmem_shared>> -> memref<10240x64xf32, #tpu.memory_space<vmem_shared>>
      tpu.enqueue_indirect_dma source(%arg11 : memref<80x64xf32, #tpu.memory_space<vmem>>) target(%dma_start3A_146 : memref<10240x64xf32, #tpu.memory_space<vmem_shared>>) offsets(%dma_start3A_143 : memref<80xi32, #tpu.memory_space<vmem>>) semaphore(%arg21 : memref<!tpu.dma_semaphore, #tpu.memory_space<semaphore_mem>>) {add = true}
      %dma_wait3A_147 = arith.constant 0 : i32
      %dma_wait3A_148 = arith.constant 0 : i32
      %dma_wait3A_149 = tpu.memref_slice %arg8[%dma_wait3A_147, %dma_wait3A_148] : memref<125x80xi32, #tpu.memory_space<vmem>> -> memref<1x80xi32, #tpu.memory_space<vmem>>
      %dma_wait3A_150 = tpu.memref_squeeze %dma_wait3A_149 : memref<1x80xi32, #tpu.memory_space<vmem>> -> memref<80xi32, #tpu.memory_space<vmem>>
      %dma_wait3A_151 = arith.constant 0 : i32
      %dma_wait3A_152 = arith.constant 0 : i32
      %dma_wait3A_153 = tpu.memref_slice %arg2[%dma_wait3A_151, %dma_wait3A_152] : memref<10240x64xf32, #tpu.memory_space<hbm>> -> memref<10240x64xf32, #tpu.memory_space<hbm>>
      tpu.wait_indirect_dma semaphore(%arg17 : memref<!tpu.dma_semaphore, #tpu.memory_space<semaphore_mem>>) src(%dma_wait3A_153 : memref<10240x64xf32, #tpu.memory_space<hbm>>) dst(%arg12 : memref<80x64xf32, #tpu.memory_space<vmem>>)
      %add3A_154 = arith.constant 2 : i32
      %add3A_155 = arith.addi %mul3A_116, %add3A_154 : i32
      %dma_start3A_156 = arith.constant 0 : i32
      %dma_start3A_157 = tpu.memref_slice %arg9[%add3A_155, %dma_start3A_156] : memref<125x80xi32, #tpu.memory_space<vmem>> -> memref<1x80xi32, #tpu.memory_space<vmem>>
      %dma_start3A_158 = tpu.memref_squeeze %dma_start3A_157 : memref<1x80xi32, #tpu.memory_space<vmem>> -> memref<80xi32, #tpu.memory_space<vmem>>
      %dma_start3A_159 = arith.constant 0 : i32
      %dma_start3A_160 = arith.constant 0 : i32
      %dma_start3A_161 = tpu.memref_slice %arg7[%dma_start3A_159, %dma_start3A_160] : memref<10240x64xf32, #tpu.memory_space<vmem_shared>> -> memref<10240x64xf32, #tpu.memory_space<vmem_shared>>
      tpu.enqueue_indirect_dma source(%arg12 : memref<80x64xf32, #tpu.memory_space<vmem>>) target(%dma_start3A_161 : memref<10240x64xf32, #tpu.memory_space<vmem_shared>>) offsets(%dma_start3A_158 : memref<80xi32, #tpu.memory_space<vmem>>) semaphore(%arg22 : memref<!tpu.dma_semaphore, #tpu.memory_space<semaphore_mem>>) {add = true}
      %dma_wait3A_162 = arith.constant 0 : i32
      %dma_wait3A_163 = arith.constant 0 : i32
      %dma_wait3A_164 = tpu.memref_slice %arg8[%dma_wait3A_162, %dma_wait3A_163] : memref<125x80xi32, #tpu.memory_space<vmem>> -> memref<1x80xi32, #tpu.memory_space<vmem>>
      %dma_wait3A_165 = tpu.memref_squeeze %dma_wait3A_164 : memref<1x80xi32, #tpu.memory_space<vmem>> -> memref<80xi32, #tpu.memory_space<vmem>>
      %dma_wait3A_166 = arith.constant 0 : i32
      %dma_wait3A_167 = arith.constant 0 : i32
      %dma_wait3A_168 = tpu.memref_slice %arg2[%dma_wait3A_166, %dma_wait3A_167] : memref<10240x64xf32, #tpu.memory_space<hbm>> -> memref<10240x64xf32, #tpu.memory_space<hbm>>
      tpu.wait_indirect_dma semaphore(%arg18 : memref<!tpu.dma_semaphore, #tpu.memory_space<semaphore_mem>>) src(%dma_wait3A_168 : memref<10240x64xf32, #tpu.memory_space<hbm>>) dst(%arg13 : memref<80x64xf32, #tpu.memory_space<vmem>>)
      %add3A_169 = arith.constant 3 : i32
      %add3A_170 = arith.addi %mul3A_116, %add3A_169 : i32
      %dma_start3A_171 = arith.constant 0 : i32
      %dma_start3A_172 = tpu.memref_slice %arg9[%add3A_170, %dma_start3A_171] : memref<125x80xi32, #tpu.memory_space<vmem>> -> memref<1x80xi32, #tpu.memory_space<vmem>>
      %dma_start3A_173 = tpu.memref_squeeze %dma_start3A_172 : memref<1x80xi32, #tpu.memory_space<vmem>> -> memref<80xi32, #tpu.memory_space<vmem>>
      %dma_start3A_174 = arith.constant 0 : i32
      %dma_start3A_175 = arith.constant 0 : i32
      %dma_start3A_176 = tpu.memref_slice %arg7[%dma_start3A_174, %dma_start3A_175] : memref<10240x64xf32, #tpu.memory_space<vmem_shared>> -> memref<10240x64xf32, #tpu.memory_space<vmem_shared>>
      tpu.enqueue_indirect_dma source(%arg13 : memref<80x64xf32, #tpu.memory_space<vmem>>) target(%dma_start3A_176 : memref<10240x64xf32, #tpu.memory_space<vmem_shared>>) offsets(%dma_start3A_173 : memref<80xi32, #tpu.memory_space<vmem>>) semaphore(%arg23 : memref<!tpu.dma_semaphore, #tpu.memory_space<semaphore_mem>>) {add = true}
      %dma_wait3A_177 = arith.constant 0 : i32
      %dma_wait3A_178 = arith.constant 0 : i32
      %dma_wait3A_179 = tpu.memref_slice %arg8[%dma_wait3A_177, %dma_wait3A_178] : memref<125x80xi32, #tpu.memory_space<vmem>> -> memref<1x80xi32, #tpu.memory_space<vmem>>
      %dma_wait3A_180 = tpu.memref_squeeze %dma_wait3A_179 : memref<1x80xi32, #tpu.memory_space<vmem>> -> memref<80xi32, #tpu.memory_space<vmem>>
      %dma_wait3A_181 = arith.constant 0 : i32
      %dma_wait3A_182 = arith.constant 0 : i32
      %dma_wait3A_183 = tpu.memref_slice %arg2[%dma_wait3A_181, %dma_wait3A_182] : memref<10240x64xf32, #tpu.memory_space<hbm>> -> memref<10240x64xf32, #tpu.memory_space<hbm>>
      tpu.wait_indirect_dma semaphore(%arg19 : memref<!tpu.dma_semaphore, #tpu.memory_space<semaphore_mem>>) src(%dma_wait3A_183 : memref<10240x64xf32, #tpu.memory_space<hbm>>) dst(%arg14 : memref<80x64xf32, #tpu.memory_space<vmem>>)
      %add3A_184 = arith.constant 4 : i32
      %add3A_185 = arith.addi %mul3A_116, %add3A_184 : i32
      %dma_start3A_186 = arith.constant 0 : i32
      %dma_start3A_187 = tpu.memref_slice %arg9[%add3A_185, %dma_start3A_186] : memref<125x80xi32, #tpu.memory_space<vmem>> -> memref<1x80xi32, #tpu.memory_space<vmem>>
      %dma_start3A_188 = tpu.memref_squeeze %dma_start3A_187 : memref<1x80xi32, #tpu.memory_space<vmem>> -> memref<80xi32, #tpu.memory_space<vmem>>
      %dma_start3A_189 = arith.constant 0 : i32
      %dma_start3A_190 = arith.constant 0 : i32
      %dma_start3A_191 = tpu.memref_slice %arg7[%dma_start3A_189, %dma_start3A_190] : memref<10240x64xf32, #tpu.memory_space<vmem_shared>> -> memref<10240x64xf32, #tpu.memory_space<vmem_shared>>
      tpu.enqueue_indirect_dma source(%arg14 : memref<80x64xf32, #tpu.memory_space<vmem>>) target(%dma_start3A_191 : memref<10240x64xf32, #tpu.memory_space<vmem_shared>>) offsets(%dma_start3A_188 : memref<80xi32, #tpu.memory_space<vmem>>) semaphore(%arg24 : memref<!tpu.dma_semaphore, #tpu.memory_space<semaphore_mem>>) {add = true}
      %add3A_192 = arith.constant 0 : i32
      %add3A_193 = arith.addi %mul3A_116, %add3A_192 : i32
      %add3A_194 = arith.constant 5 : i32
      %add3A_195 = arith.addi %add3A_193, %add3A_194 : i32
      %lt3A = arith.constant 125 : i32
      %lt3A_196 = arith.cmpi slt, %add3A_195, %lt3A : i32
      %convert_element_type3A = arith.extui %lt3A_196 : i1 to i32
      %cond3A = arith.constant 0 : i32
      %cond3A_197 = arith.cmpi ne, %convert_element_type3A, %cond3A : i32
      scf.if %cond3A_197 {
        %dma_wait3A_234 = arith.constant 0 : i32
        %dma_wait3A_235 = arith.constant 0 : i32
        %dma_wait3A_236 = tpu.memref_slice %arg9[%dma_wait3A_234, %dma_wait3A_235] : memref<125x80xi32, #tpu.memory_space<vmem>> -> memref<1x80xi32, #tpu.memory_space<vmem>>
        %dma_wait3A_237 = tpu.memref_squeeze %dma_wait3A_236 : memref<1x80xi32, #tpu.memory_space<vmem>> -> memref<80xi32, #tpu.memory_space<vmem>>
        %dma_wait3A_238 = arith.constant 0 : i32
        %dma_wait3A_239 = arith.constant 0 : i32
        %dma_wait3A_240 = tpu.memref_slice %arg7[%dma_wait3A_238, %dma_wait3A_239] : memref<10240x64xf32, #tpu.memory_space<vmem_shared>> -> memref<10240x64xf32, #tpu.memory_space<vmem_shared>>
        tpu.wait_indirect_dma semaphore(%arg20 : memref<!tpu.dma_semaphore, #tpu.memory_space<semaphore_mem>>) src(%arg10 : memref<80x64xf32, #tpu.memory_space<vmem>>) dst(%dma_wait3A_240 : memref<10240x64xf32, #tpu.memory_space<vmem_shared>>)
        %add3A_241 = arith.constant 5 : i32
        %add3A_242 = arith.addi %mul3A_116, %add3A_241 : i32
        %add3A_243 = arith.constant 0 : i32
        %add3A_244 = arith.addi %add3A_242, %add3A_243 : i32
        %dma_start3A_245 = arith.constant 0 : i32
        %dma_start3A_246 = tpu.memref_slice %arg8[%add3A_244, %dma_start3A_245] : memref<125x80xi32, #tpu.memory_space<vmem>> -> memref<1x80xi32, #tpu.memory_space<vmem>>
        %dma_start3A_247 = tpu.memref_squeeze %dma_start3A_246 : memref<1x80xi32, #tpu.memory_space<vmem>> -> memref<80xi32, #tpu.memory_space<vmem>>
        %dma_start3A_248 = arith.constant 0 : i32
        %dma_start3A_249 = arith.constant 0 : i32
        %dma_start3A_250 = tpu.memref_slice %arg2[%dma_start3A_248, %dma_start3A_249] : memref<10240x64xf32, #tpu.memory_space<hbm>> -> memref<10240x64xf32, #tpu.memory_space<hbm>>
        tpu.enqueue_indirect_dma source(%dma_start3A_250 : memref<10240x64xf32, #tpu.memory_space<hbm>>) target(%arg10 : memref<80x64xf32, #tpu.memory_space<vmem>>) offsets(%dma_start3A_247 : memref<80xi32, #tpu.memory_space<vmem>>) semaphore(%arg15 : memref<!tpu.dma_semaphore, #tpu.memory_space<semaphore_mem>>)
      } else {
      }
      %add3A_198 = arith.constant 1 : i32
      %add3A_199 = arith.addi %mul3A_116, %add3A_198 : i32
      %add3A_200 = arith.constant 5 : i32
      %add3A_201 = arith.addi %add3A_199, %add3A_200 : i32
      %lt3A_202 = arith.constant 125 : i32
      %lt3A_203 = arith.cmpi slt, %add3A_201, %lt3A_202 : i32
      %convert_element_type3A_204 = arith.extui %lt3A_203 : i1 to i32
      %cond3A_205 = arith.constant 0 : i32
      %cond3A_206 = arith.cmpi ne, %convert_element_type3A_204, %cond3A_205 : i32
      scf.if %cond3A_206 {
        %dma_wait3A_234 = arith.constant 0 : i32
        %dma_wait3A_235 = arith.constant 0 : i32
        %dma_wait3A_236 = tpu.memref_slice %arg9[%dma_wait3A_234, %dma_wait3A_235] : memref<125x80xi32, #tpu.memory_space<vmem>> -> memref<1x80xi32, #tpu.memory_space<vmem>>
        %dma_wait3A_237 = tpu.memref_squeeze %dma_wait3A_236 : memref<1x80xi32, #tpu.memory_space<vmem>> -> memref<80xi32, #tpu.memory_space<vmem>>
        %dma_wait3A_238 = arith.constant 0 : i32
        %dma_wait3A_239 = arith.constant 0 : i32
        %dma_wait3A_240 = tpu.memref_slice %arg7[%dma_wait3A_238, %dma_wait3A_239] : memref<10240x64xf32, #tpu.memory_space<vmem_shared>> -> memref<10240x64xf32, #tpu.memory_space<vmem_shared>>
        tpu.wait_indirect_dma semaphore(%arg21 : memref<!tpu.dma_semaphore, #tpu.memory_space<semaphore_mem>>) src(%arg11 : memref<80x64xf32, #tpu.memory_space<vmem>>) dst(%dma_wait3A_240 : memref<10240x64xf32, #tpu.memory_space<vmem_shared>>)
        %add3A_241 = arith.constant 5 : i32
        %add3A_242 = arith.addi %mul3A_116, %add3A_241 : i32
        %add3A_243 = arith.constant 1 : i32
        %add3A_244 = arith.addi %add3A_242, %add3A_243 : i32
        %dma_start3A_245 = arith.constant 0 : i32
        %dma_start3A_246 = tpu.memref_slice %arg8[%add3A_244, %dma_start3A_245] : memref<125x80xi32, #tpu.memory_space<vmem>> -> memref<1x80xi32, #tpu.memory_space<vmem>>
        %dma_start3A_247 = tpu.memref_squeeze %dma_start3A_246 : memref<1x80xi32, #tpu.memory_space<vmem>> -> memref<80xi32, #tpu.memory_space<vmem>>
        %dma_start3A_248 = arith.constant 0 : i32
        %dma_start3A_249 = arith.constant 0 : i32
        %dma_start3A_250 = tpu.memref_slice %arg2[%dma_start3A_248, %dma_start3A_249] : memref<10240x64xf32, #tpu.memory_space<hbm>> -> memref<10240x64xf32, #tpu.memory_space<hbm>>
        tpu.enqueue_indirect_dma source(%dma_start3A_250 : memref<10240x64xf32, #tpu.memory_space<hbm>>) target(%arg11 : memref<80x64xf32, #tpu.memory_space<vmem>>) offsets(%dma_start3A_247 : memref<80xi32, #tpu.memory_space<vmem>>) semaphore(%arg16 : memref<!tpu.dma_semaphore, #tpu.memory_space<semaphore_mem>>)
      } else {
      }
      %add3A_207 = arith.constant 2 : i32
      %add3A_208 = arith.addi %mul3A_116, %add3A_207 : i32
      %add3A_209 = arith.constant 5 : i32
      %add3A_210 = arith.addi %add3A_208, %add3A_209 : i32
      %lt3A_211 = arith.constant 125 : i32
      %lt3A_212 = arith.cmpi slt, %add3A_210, %lt3A_211 : i32
      %convert_element_type3A_213 = arith.extui %lt3A_212 : i1 to i32
      %cond3A_214 = arith.constant 0 : i32
      %cond3A_215 = arith.cmpi ne, %convert_element_type3A_213, %cond3A_214 : i32
      scf.if %cond3A_215 {
        %dma_wait3A_234 = arith.constant 0 : i32
        %dma_wait3A_235 = arith.constant 0 : i32
        %dma_wait3A_236 = tpu.memref_slice %arg9[%dma_wait3A_234, %dma_wait3A_235] : memref<125x80xi32, #tpu.memory_space<vmem>> -> memref<1x80xi32, #tpu.memory_space<vmem>>
        %dma_wait3A_237 = tpu.memref_squeeze %dma_wait3A_236 : memref<1x80xi32, #tpu.memory_space<vmem>> -> memref<80xi32, #tpu.memory_space<vmem>>
        %dma_wait3A_238 = arith.constant 0 : i32
        %dma_wait3A_239 = arith.constant 0 : i32
        %dma_wait3A_240 = tpu.memref_slice %arg7[%dma_wait3A_238, %dma_wait3A_239] : memref<10240x64xf32, #tpu.memory_space<vmem_shared>> -> memref<10240x64xf32, #tpu.memory_space<vmem_shared>>
        tpu.wait_indirect_dma semaphore(%arg22 : memref<!tpu.dma_semaphore, #tpu.memory_space<semaphore_mem>>) src(%arg12 : memref<80x64xf32, #tpu.memory_space<vmem>>) dst(%dma_wait3A_240 : memref<10240x64xf32, #tpu.memory_space<vmem_shared>>)
        %add3A_241 = arith.constant 5 : i32
        %add3A_242 = arith.addi %mul3A_116, %add3A_241 : i32
        %add3A_243 = arith.constant 2 : i32
        %add3A_244 = arith.addi %add3A_242, %add3A_243 : i32
        %dma_start3A_245 = arith.constant 0 : i32
        %dma_start3A_246 = tpu.memref_slice %arg8[%add3A_244, %dma_start3A_245] : memref<125x80xi32, #tpu.memory_space<vmem>> -> memref<1x80xi32, #tpu.memory_space<vmem>>
        %dma_start3A_247 = tpu.memref_squeeze %dma_start3A_246 : memref<1x80xi32, #tpu.memory_space<vmem>> -> memref<80xi32, #tpu.memory_space<vmem>>
        %dma_start3A_248 = arith.constant 0 : i32
        %dma_start3A_249 = arith.constant 0 : i32
        %dma_start3A_250 = tpu.memref_slice %arg2[%dma_start3A_248, %dma_start3A_249] : memref<10240x64xf32, #tpu.memory_space<hbm>> -> memref<10240x64xf32, #tpu.memory_space<hbm>>
        tpu.enqueue_indirect_dma source(%dma_start3A_250 : memref<10240x64xf32, #tpu.memory_space<hbm>>) target(%arg12 : memref<80x64xf32, #tpu.memory_space<vmem>>) offsets(%dma_start3A_247 : memref<80xi32, #tpu.memory_space<vmem>>) semaphore(%arg17 : memref<!tpu.dma_semaphore, #tpu.memory_space<semaphore_mem>>)
      } else {
      }
      %add3A_216 = arith.constant 3 : i32
      %add3A_217 = arith.addi %mul3A_116, %add3A_216 : i32
      %add3A_218 = arith.constant 5 : i32
      %add3A_219 = arith.addi %add3A_217, %add3A_218 : i32
      %lt3A_220 = arith.constant 125 : i32
      %lt3A_221 = arith.cmpi slt, %add3A_219, %lt3A_220 : i32
      %convert_element_type3A_222 = arith.extui %lt3A_221 : i1 to i32
      %cond3A_223 = arith.constant 0 : i32
      %cond3A_224 = arith.cmpi ne, %convert_element_type3A_222, %cond3A_223 : i32
      scf.if %cond3A_224 {
        %dma_wait3A_234 = arith.constant 0 : i32
        %dma_wait3A_235 = arith.constant 0 : i32
        %dma_wait3A_236 = tpu.memref_slice %arg9[%dma_wait3A_234, %dma_wait3A_235] : memref<125x80xi32, #tpu.memory_space<vmem>> -> memref<1x80xi32, #tpu.memory_space<vmem>>
        %dma_wait3A_237 = tpu.memref_squeeze %dma_wait3A_236 : memref<1x80xi32, #tpu.memory_space<vmem>> -> memref<80xi32, #tpu.memory_space<vmem>>
        %dma_wait3A_238 = arith.constant 0 : i32
        %dma_wait3A_239 = arith.constant 0 : i32
        %dma_wait3A_240 = tpu.memref_slice %arg7[%dma_wait3A_238, %dma_wait3A_239] : memref<10240x64xf32, #tpu.memory_space<vmem_shared>> -> memref<10240x64xf32, #tpu.memory_space<vmem_shared>>
        tpu.wait_indirect_dma semaphore(%arg23 : memref<!tpu.dma_semaphore, #tpu.memory_space<semaphore_mem>>) src(%arg13 : memref<80x64xf32, #tpu.memory_space<vmem>>) dst(%dma_wait3A_240 : memref<10240x64xf32, #tpu.memory_space<vmem_shared>>)
        %add3A_241 = arith.constant 5 : i32
        %add3A_242 = arith.addi %mul3A_116, %add3A_241 : i32
        %add3A_243 = arith.constant 3 : i32
        %add3A_244 = arith.addi %add3A_242, %add3A_243 : i32
        %dma_start3A_245 = arith.constant 0 : i32
        %dma_start3A_246 = tpu.memref_slice %arg8[%add3A_244, %dma_start3A_245] : memref<125x80xi32, #tpu.memory_space<vmem>> -> memref<1x80xi32, #tpu.memory_space<vmem>>
        %dma_start3A_247 = tpu.memref_squeeze %dma_start3A_246 : memref<1x80xi32, #tpu.memory_space<vmem>> -> memref<80xi32, #tpu.memory_space<vmem>>
        %dma_start3A_248 = arith.constant 0 : i32
        %dma_start3A_249 = arith.constant 0 : i32
        %dma_start3A_250 = tpu.memref_slice %arg2[%dma_start3A_248, %dma_start3A_249] : memref<10240x64xf32, #tpu.memory_space<hbm>> -> memref<10240x64xf32, #tpu.memory_space<hbm>>
        tpu.enqueue_indirect_dma source(%dma_start3A_250 : memref<10240x64xf32, #tpu.memory_space<hbm>>) target(%arg13 : memref<80x64xf32, #tpu.memory_space<vmem>>) offsets(%dma_start3A_247 : memref<80xi32, #tpu.memory_space<vmem>>) semaphore(%arg18 : memref<!tpu.dma_semaphore, #tpu.memory_space<semaphore_mem>>)
      } else {
      }
      %add3A_225 = arith.constant 4 : i32
      %add3A_226 = arith.addi %mul3A_116, %add3A_225 : i32
      %add3A_227 = arith.constant 5 : i32
      %add3A_228 = arith.addi %add3A_226, %add3A_227 : i32
      %lt3A_229 = arith.constant 125 : i32
      %lt3A_230 = arith.cmpi slt, %add3A_228, %lt3A_229 : i32
      %convert_element_type3A_231 = arith.extui %lt3A_230 : i1 to i32
      %cond3A_232 = arith.constant 0 : i32
      %cond3A_233 = arith.cmpi ne, %convert_element_type3A_231, %cond3A_232 : i32
      scf.if %cond3A_233 {
        %dma_wait3A_234 = arith.constant 0 : i32
        %dma_wait3A_235 = arith.constant 0 : i32
        %dma_wait3A_236 = tpu.memref_slice %arg9[%dma_wait3A_234, %dma_wait3A_235] : memref<125x80xi32, #tpu.memory_space<vmem>> -> memref<1x80xi32, #tpu.memory_space<vmem>>
        %dma_wait3A_237 = tpu.memref_squeeze %dma_wait3A_236 : memref<1x80xi32, #tpu.memory_space<vmem>> -> memref<80xi32, #tpu.memory_space<vmem>>
        %dma_wait3A_238 = arith.constant 0 : i32
        %dma_wait3A_239 = arith.constant 0 : i32
        %dma_wait3A_240 = tpu.memref_slice %arg7[%dma_wait3A_238, %dma_wait3A_239] : memref<10240x64xf32, #tpu.memory_space<vmem_shared>> -> memref<10240x64xf32, #tpu.memory_space<vmem_shared>>
        tpu.wait_indirect_dma semaphore(%arg24 : memref<!tpu.dma_semaphore, #tpu.memory_space<semaphore_mem>>) src(%arg14 : memref<80x64xf32, #tpu.memory_space<vmem>>) dst(%dma_wait3A_240 : memref<10240x64xf32, #tpu.memory_space<vmem_shared>>)
        %add3A_241 = arith.constant 5 : i32
        %add3A_242 = arith.addi %mul3A_116, %add3A_241 : i32
        %add3A_243 = arith.constant 4 : i32
        %add3A_244 = arith.addi %add3A_242, %add3A_243 : i32
        %dma_start3A_245 = arith.constant 0 : i32
        %dma_start3A_246 = tpu.memref_slice %arg8[%add3A_244, %dma_start3A_245] : memref<125x80xi32, #tpu.memory_space<vmem>> -> memref<1x80xi32, #tpu.memory_space<vmem>>
        %dma_start3A_247 = tpu.memref_squeeze %dma_start3A_246 : memref<1x80xi32, #tpu.memory_space<vmem>> -> memref<80xi32, #tpu.memory_space<vmem>>
        %dma_start3A_248 = arith.constant 0 : i32
        %dma_start3A_249 = arith.constant 0 : i32
        %dma_start3A_250 = tpu.memref_slice %arg2[%dma_start3A_248, %dma_start3A_249] : memref<10240x64xf32, #tpu.memory_space<hbm>> -> memref<10240x64xf32, #tpu.memory_space<hbm>>
        tpu.enqueue_indirect_dma source(%dma_start3A_250 : memref<10240x64xf32, #tpu.memory_space<hbm>>) target(%arg14 : memref<80x64xf32, #tpu.memory_space<vmem>>) offsets(%dma_start3A_247 : memref<80xi32, #tpu.memory_space<vmem>>) semaphore(%arg19 : memref<!tpu.dma_semaphore, #tpu.memory_space<semaphore_mem>>)
      } else {
      }
    }
    %scan3A_71 = arith.constant 25 : i32
    %dma_wait3A_72 = arith.constant 0 : i32
    %dma_wait3A_73 = arith.constant 0 : i32
    %dma_wait3A_74 = tpu.memref_slice %arg9[%dma_wait3A_72, %dma_wait3A_73] : memref<125x80xi32, #tpu.memory_space<vmem>> -> memref<1x80xi32, #tpu.memory_space<vmem>>
    %dma_wait3A_75 = tpu.memref_squeeze %dma_wait3A_74 : memref<1x80xi32, #tpu.memory_space<vmem>> -> memref<80xi32, #tpu.memory_space<vmem>>
    %dma_wait3A_76 = arith.constant 0 : i32
    %dma_wait3A_77 = arith.constant 0 : i32
    %dma_wait3A_78 = tpu.memref_slice %arg7[%dma_wait3A_76, %dma_wait3A_77] : memref<10240x64xf32, #tpu.memory_space<vmem_shared>> -> memref<10240x64xf32, #tpu.memory_space<vmem_shared>>
    tpu.wait_indirect_dma semaphore(%arg20 : memref<!tpu.dma_semaphore, #tpu.memory_space<semaphore_mem>>) src(%arg10 : memref<80x64xf32, #tpu.memory_space<vmem>>) dst(%dma_wait3A_78 : memref<10240x64xf32, #tpu.memory_space<vmem_shared>>)
    %dma_wait3A_79 = arith.constant 0 : i32
    %dma_wait3A_80 = arith.constant 0 : i32
    %dma_wait3A_81 = tpu.memref_slice %arg9[%dma_wait3A_79, %dma_wait3A_80] : memref<125x80xi32, #tpu.memory_space<vmem>> -> memref<1x80xi32, #tpu.memory_space<vmem>>
    %dma_wait3A_82 = tpu.memref_squeeze %dma_wait3A_81 : memref<1x80xi32, #tpu.memory_space<vmem>> -> memref<80xi32, #tpu.memory_space<vmem>>
    %dma_wait3A_83 = arith.constant 0 : i32
    %dma_wait3A_84 = arith.constant 0 : i32
    %dma_wait3A_85 = tpu.memref_slice %arg7[%dma_wait3A_83, %dma_wait3A_84] : memref<10240x64xf32, #tpu.memory_space<vmem_shared>> -> memref<10240x64xf32, #tpu.memory_space<vmem_shared>>
    tpu.wait_indirect_dma semaphore(%arg21 : memref<!tpu.dma_semaphore, #tpu.memory_space<semaphore_mem>>) src(%arg11 : memref<80x64xf32, #tpu.memory_space<vmem>>) dst(%dma_wait3A_85 : memref<10240x64xf32, #tpu.memory_space<vmem_shared>>)
    %dma_wait3A_86 = arith.constant 0 : i32
    %dma_wait3A_87 = arith.constant 0 : i32
    %dma_wait3A_88 = tpu.memref_slice %arg9[%dma_wait3A_86, %dma_wait3A_87] : memref<125x80xi32, #tpu.memory_space<vmem>> -> memref<1x80xi32, #tpu.memory_space<vmem>>
    %dma_wait3A_89 = tpu.memref_squeeze %dma_wait3A_88 : memref<1x80xi32, #tpu.memory_space<vmem>> -> memref<80xi32, #tpu.memory_space<vmem>>
    %dma_wait3A_90 = arith.constant 0 : i32
    %dma_wait3A_91 = arith.constant 0 : i32
    %dma_wait3A_92 = tpu.memref_slice %arg7[%dma_wait3A_90, %dma_wait3A_91] : memref<10240x64xf32, #tpu.memory_space<vmem_shared>> -> memref<10240x64xf32, #tpu.memory_space<vmem_shared>>
    tpu.wait_indirect_dma semaphore(%arg22 : memref<!tpu.dma_semaphore, #tpu.memory_space<semaphore_mem>>) src(%arg12 : memref<80x64xf32, #tpu.memory_space<vmem>>) dst(%dma_wait3A_92 : memref<10240x64xf32, #tpu.memory_space<vmem_shared>>)
    %dma_wait3A_93 = arith.constant 0 : i32
    %dma_wait3A_94 = arith.constant 0 : i32
    %dma_wait3A_95 = tpu.memref_slice %arg9[%dma_wait3A_93, %dma_wait3A_94] : memref<125x80xi32, #tpu.memory_space<vmem>> -> memref<1x80xi32, #tpu.memory_space<vmem>>
    %dma_wait3A_96 = tpu.memref_squeeze %dma_wait3A_95 : memref<1x80xi32, #tpu.memory_space<vmem>> -> memref<80xi32, #tpu.memory_space<vmem>>
    %dma_wait3A_97 = arith.constant 0 : i32
    %dma_wait3A_98 = arith.constant 0 : i32
    %dma_wait3A_99 = tpu.memref_slice %arg7[%dma_wait3A_97, %dma_wait3A_98] : memref<10240x64xf32, #tpu.memory_space<vmem_shared>> -> memref<10240x64xf32, #tpu.memory_space<vmem_shared>>
    tpu.wait_indirect_dma semaphore(%arg23 : memref<!tpu.dma_semaphore, #tpu.memory_space<semaphore_mem>>) src(%arg13 : memref<80x64xf32, #tpu.memory_space<vmem>>) dst(%dma_wait3A_99 : memref<10240x64xf32, #tpu.memory_space<vmem_shared>>)
    %dma_wait3A_100 = arith.constant 0 : i32
    %dma_wait3A_101 = arith.constant 0 : i32
    %dma_wait3A_102 = tpu.memref_slice %arg9[%dma_wait3A_100, %dma_wait3A_101] : memref<125x80xi32, #tpu.memory_space<vmem>> -> memref<1x80xi32, #tpu.memory_space<vmem>>
    %dma_wait3A_103 = tpu.memref_squeeze %dma_wait3A_102 : memref<1x80xi32, #tpu.memory_space<vmem>> -> memref<80xi32, #tpu.memory_space<vmem>>
    %dma_wait3A_104 = arith.constant 0 : i32
    %dma_wait3A_105 = arith.constant 0 : i32
    %dma_wait3A_106 = tpu.memref_slice %arg7[%dma_wait3A_104, %dma_wait3A_105] : memref<10240x64xf32, #tpu.memory_space<vmem_shared>> -> memref<10240x64xf32, #tpu.memory_space<vmem_shared>>
    tpu.wait_indirect_dma semaphore(%arg24 : memref<!tpu.dma_semaphore, #tpu.memory_space<semaphore_mem>>) src(%arg14 : memref<80x64xf32, #tpu.memory_space<vmem>>) dst(%dma_wait3A_106 : memref<10240x64xf32, #tpu.memory_space<vmem_shared>>)
    %barrier3A_107 = arith.constant 0 : index
    tpu.barrier barrier_id(%barrier3A_107)
    %scan3A_108 = arith.constant 0 : i32
    %scan3A_109 = arith.constant 0 : i32
    %scan3A_110 = arith.constant 8 : i32
    %scan3A_111 = arith.addi %scan3A_109, %scan3A_110 : i32
    %scan3A_112 = arith.constant 1 : i32
    scf.for %scan3A_114 = %scan3A_109 to %scan3A_111 step %scan3A_112  : i32 {
      %mul3A_115 = arith.constant 80 : i32
      %mul3A_116 = arith.muli %scan3A_114, %mul3A_115 : i32
      %add3A_117 = arith.addi %mul3A_17, %mul3A_116 : i32
      "tpu.region"() ({
        %run_scoped3A = tpu.sem_alloc : memref<!tpu.dma_semaphore, #tpu.memory_space<semaphore_mem>>
        %dma_start3A_125 = arith.constant 0 : i32
        %dma_start3A_126 = tpu.memref_slice %arg7[%add3A_117, %dma_start3A_125] : memref<10240x64xf32, #tpu.memory_space<vmem_shared>> -> memref<80x64xf32, #tpu.memory_space<vmem_shared>>
        %dma_start3A_127 = arith.constant 0 : i32
        %dma_start3A_128 = tpu.memref_slice %arg7[%add3A_117, %dma_start3A_127] : memref<10240x64xf32, #tpu.memory_space<vmem_shared>> -> memref<80x64xf32, #tpu.memory_space<vmem_shared>>
        tpu.enqueue_dma source(%dma_start3A_128 : memref<80x64xf32, #tpu.memory_space<vmem_shared>>) target(%arg10 : memref<80x64xf32, #tpu.memory_space<vmem>>) target_semaphore(%run_scoped3A : memref<!tpu.dma_semaphore, #tpu.memory_space<semaphore_mem>>)
        %dma_wait3A_129 = arith.constant 0 : i32
        %dma_wait3A_130 = tpu.memref_slice %arg7[%add3A_117, %dma_wait3A_129] : memref<10240x64xf32, #tpu.memory_space<vmem_shared>> -> memref<80x64xf32, #tpu.memory_space<vmem_shared>>
        %dma_wait3A_131 = arith.constant 0 : i32
        %dma_wait3A_132 = tpu.memref_slice %arg7[%add3A_117, %dma_wait3A_131] : memref<10240x64xf32, #tpu.memory_space<vmem_shared>> -> memref<80x64xf32, #tpu.memory_space<vmem_shared>>
        tpu.wait_dma2 semaphore(%run_scoped3A : memref<!tpu.dma_semaphore, #tpu.memory_space<semaphore_mem>>) src(%dma_wait3A_132 : memref<80x64xf32, #tpu.memory_space<vmem_shared>>) dst(%arg10 : memref<80x64xf32, #tpu.memory_space<vmem>>)
        tpu.yield
      }) : () -> ()
      %eq3A = arith.constant 0 : i32
      %eq3A_118 = arith.cmpi eq, %arg0, %eq3A : i32
      %convert_element_type3A = arith.extui %eq3A_118 : i1 to i32
      %cond3A = arith.constant 0 : i32
      %cond3A_119 = arith.cmpi ne, %convert_element_type3A, %cond3A : i32
      scf.if %cond3A_119 {
        %mul3A_125 = arith.constant 80 : i32
        %mul3A_126 = arith.muli %scan3A_114, %mul3A_125 : i32
        %add3A_127 = arith.addi %mul3A_17, %mul3A_126 : i32
        "tpu.region"() ({
          %run_scoped3A = tpu.sem_alloc : memref<!tpu.dma_semaphore, #tpu.memory_space<semaphore_mem>>
          %dma_start3A_128 = arith.constant 0 : i32
          %dma_start3A_129 = tpu.memref_slice %arg5[%add3A_127, %dma_start3A_128] : memref<10240x64xf32, #tpu.memory_space<hbm>> -> memref<80x64xf32, #tpu.memory_space<hbm>>
          %dma_start3A_130 = arith.constant 0 : i32
          %dma_start3A_131 = tpu.memref_slice %arg5[%add3A_127, %dma_start3A_130] : memref<10240x64xf32, #tpu.memory_space<hbm>> -> memref<80x64xf32, #tpu.memory_space<hbm>>
          tpu.enqueue_dma source(%arg10 : memref<80x64xf32, #tpu.memory_space<vmem>>) target(%dma_start3A_131 : memref<80x64xf32, #tpu.memory_space<hbm>>) target_semaphore(%run_scoped3A : memref<!tpu.dma_semaphore, #tpu.memory_space<semaphore_mem>>)
          %dma_wait3A_132 = arith.constant 0 : i32
          %dma_wait3A_133 = tpu.memref_slice %arg5[%add3A_127, %dma_wait3A_132] : memref<10240x64xf32, #tpu.memory_space<hbm>> -> memref<80x64xf32, #tpu.memory_space<hbm>>
          %dma_wait3A_134 = arith.constant 0 : i32
          %dma_wait3A_135 = tpu.memref_slice %arg5[%add3A_127, %dma_wait3A_134] : memref<10240x64xf32, #tpu.memory_space<hbm>> -> memref<80x64xf32, #tpu.memory_space<hbm>>
          tpu.wait_dma2 semaphore(%run_scoped3A : memref<!tpu.dma_semaphore, #tpu.memory_space<semaphore_mem>>) src(%arg10 : memref<80x64xf32, #tpu.memory_space<vmem>>) dst(%dma_wait3A_135 : memref<80x64xf32, #tpu.memory_space<hbm>>)
          tpu.yield
        }) : () -> ()
      } else {
      }
      %eq3A_120 = arith.constant 1 : i32
      %eq3A_121 = arith.cmpi eq, %arg0, %eq3A_120 : i32
      %convert_element_type3A_122 = arith.extui %eq3A_121 : i1 to i32
      %cond3A_123 = arith.constant 0 : i32
      %cond3A_124 = arith.cmpi ne, %convert_element_type3A_122, %cond3A_123 : i32
      scf.if %cond3A_124 {
        %mul3A_125 = arith.constant 80 : i32
        %mul3A_126 = arith.muli %scan3A_114, %mul3A_125 : i32
        %add3A_127 = arith.addi %mul3A_17, %mul3A_126 : i32
        "tpu.region"() ({
          %run_scoped3A = tpu.sem_alloc : memref<!tpu.dma_semaphore, #tpu.memory_space<semaphore_mem>>
          %dma_start3A_128 = arith.constant 0 : i32
          %dma_start3A_129 = tpu.memref_slice %arg6[%add3A_127, %dma_start3A_128] : memref<10240x64xf32, #tpu.memory_space<hbm>> -> memref<80x64xf32, #tpu.memory_space<hbm>>
          %dma_start3A_130 = arith.constant 0 : i32
          %dma_start3A_131 = tpu.memref_slice %arg6[%add3A_127, %dma_start3A_130] : memref<10240x64xf32, #tpu.memory_space<hbm>> -> memref<80x64xf32, #tpu.memory_space<hbm>>
          tpu.enqueue_dma source(%arg10 : memref<80x64xf32, #tpu.memory_space<vmem>>) target(%dma_start3A_131 : memref<80x64xf32, #tpu.memory_space<hbm>>) target_semaphore(%run_scoped3A : memref<!tpu.dma_semaphore, #tpu.memory_space<semaphore_mem>>)
          %dma_wait3A_132 = arith.constant 0 : i32
          %dma_wait3A_133 = tpu.memref_slice %arg6[%add3A_127, %dma_wait3A_132] : memref<10240x64xf32, #tpu.memory_space<hbm>> -> memref<80x64xf32, #tpu.memory_space<hbm>>
          %dma_wait3A_134 = arith.constant 0 : i32
          %dma_wait3A_135 = tpu.memref_slice %arg6[%add3A_127, %dma_wait3A_134] : memref<10240x64xf32, #tpu.memory_space<hbm>> -> memref<80x64xf32, #tpu.memory_space<hbm>>
          tpu.wait_dma2 semaphore(%run_scoped3A : memref<!tpu.dma_semaphore, #tpu.memory_space<semaphore_mem>>) src(%arg10 : memref<80x64xf32, #tpu.memory_space<vmem>>) dst(%dma_wait3A_135 : memref<80x64xf32, #tpu.memory_space<hbm>>)
          tpu.yield
        }) : () -> ()
      } else {
      }
    }
    %scan3A_113 = arith.constant 8 : i32
    return
  }
}

module attributes {stable_mosaic.version = 14 : i64} {
  func.func @_comb1_body(%arg0: i32, %arg1: memref<2048xf32, #tpu.memory_space<vmem>>, %arg2: memref<2048xf32, #tpu.memory_space<vmem>>, %arg3: memref<2048x128xf32, #tpu.memory_space<vmem>>, %arg4: memref<64x128xf32, #tpu.memory_space<vmem>>, %arg5: memref<2048x64xf32, #tpu.memory_space<vmem>>, %arg6: memref<2048x1xf32, #tpu.memory_space<vmem>>) attributes {dimension_semantics = [#tpu.dimension_semantics<arbitrary>], iteration_bounds = array<i64: 5>, scalar_prefetch = 0 : i64, scratch_operands = 0 : i64, tpu.core_type = #tpu.core_type<tc>, window_params = [{transform_indices = @transform_0, window_bounds = array<i64: 2048>}, {transform_indices = @transform_1, window_bounds = array<i64: 2048>}, {transform_indices = @transform_2, window_bounds = array<i64: 2048, 128>}, {pipeline_mode = #tpu.pipeline_mode<synchronous>, transform_indices = @transform_3, window_bounds = array<i64: 64, 128>}, {transform_indices = @transform_4, window_bounds = array<i64: 2048, 64>}, {transform_indices = @transform_5, window_bounds = array<i64: 2048, 1>}]} {
    %get3A = arith.constant 0 : index
    %get3A_0 = vector.load %arg1[%get3A] : memref<2048xf32, #tpu.memory_space<vmem>>, vector<2048xf32>
    %get3A_1 = arith.constant 0 : index
    %get3A_2 = vector.load %arg2[%get3A_1] : memref<2048xf32, #tpu.memory_space<vmem>>, vector<2048xf32>
    %add3A = arith.addf %get3A_0, %get3A_2 : vector<2048xf32>
    %add3A_3 = arith.constant 1.000000e+00 : f32
    %add3A_4 = vector.broadcast %add3A_3 : f32 to vector<2048xf32>
    %add3A_5 = arith.addf %add3A, %add3A_4 : vector<2048xf32>
    %max3A = arith.constant 1.000000e+00 : f32
    %max3A_6 = vector.broadcast %max3A : f32 to vector<2048xf32>
    %max3A_7 = arith.maximumf %add3A_5, %max3A_6 : vector<2048xf32>
    %rsqrt3A = math.rsqrt %max3A_7 : vector<2048xf32>
    %reshape3A = vector.shape_cast %rsqrt3A : vector<2048xf32> to vector<2048x1xf32>
    %swap3A = arith.constant 0 : index
    %swap3A_8 = arith.constant 0 : index
    %swap3A_9 = vector.load %arg6[%swap3A, %swap3A_8] : memref<2048x1xf32, #tpu.memory_space<vmem>>, vector<2048x1xf32>
    tpu.vector_store %arg6[%swap3A, %swap3A_8], %reshape3A {strides = array<i32>} : memref<2048x1xf32, #tpu.memory_space<vmem>>, vector<2048x1xf32>,
    %get3A_10 = arith.constant 0 : index
    %get3A_11 = arith.constant 0 : index
    %get3A_12 = vector.load %arg3[%get3A_10, %get3A_11] : memref<2048x128xf32, #tpu.memory_space<vmem>>, vector<2048x128xf32>
    %get3A_13 = arith.constant 0 : index
    %get3A_14 = arith.constant 0 : index
    %get3A_15 = vector.load %arg4[%get3A_13, %get3A_14] : memref<64x128xf32, #tpu.memory_space<vmem>>, vector<64x128xf32>
    %dot_general3A = arith.constant dense<0.000000e+00> : vector<2048x64xf32>
    %dot_general3A_16 = tpu.matmul %get3A_12, %get3A_15, %dot_general3A {dimension_numbers = #tpu.dot_dimension_numbers<[1], [1], [0], [0], [0, 0, 1, 0], [], []>, transpose_lhs_hint = false} : vector<2048x128xf32>, vector<64x128xf32>, vector<2048x64xf32> -> vector<2048x64xf32>
    %mul3A = vector.broadcast %reshape3A : vector<2048x1xf32> to vector<2048x64xf32>
    %mul3A_17 = arith.mulf %dot_general3A_16, %mul3A : vector<2048x64xf32>
    %swap3A_18 = arith.constant 0 : index
    %swap3A_19 = arith.constant 0 : index
    %swap3A_20 = vector.load %arg5[%swap3A_18, %swap3A_19] : memref<2048x64xf32, #tpu.memory_space<vmem>>, vector<2048x64xf32>
    tpu.vector_store %arg5[%swap3A_18, %swap3A_19], %mul3A_17 {strides = array<i32>} : memref<2048x64xf32, #tpu.memory_space<vmem>>, vector<2048x64xf32>,
    return
  }
  func.func @transform_0(%arg0: i32) -> i32 {
    %c0_i32 = arith.constant 0 : i32
    return %arg0 : i32
  }
  func.func @transform_1(%arg0: i32) -> i32 {
    %c0_i32 = arith.constant 0 : i32
    return %arg0 : i32
  }
  func.func @transform_2(%arg0: i32) -> (i32, i32) {
    %c0_i32 = arith.constant 0 : i32
    %c0_i32_0 = arith.constant 0 : i32
    return %arg0, %c0_i32 : i32, i32
  }
  func.func @transform_3(%arg0: i32) -> (i32, i32) {
    %c0_i32 = arith.constant 0 : i32
    %c0_i32_0 = arith.constant 0 : i32
    %c0_i32_1 = arith.constant 0 : i32
    return %c0_i32, %c0_i32_0 : i32, i32
  }
  func.func @transform_4(%arg0: i32) -> (i32, i32) {
    %c0_i32 = arith.constant 0 : i32
    %c0_i32_0 = arith.constant 0 : i32
    return %arg0, %c0_i32 : i32, i32
  }
  func.func @transform_5(%arg0: i32) -> (i32, i32) {
    %c0_i32 = arith.constant 0 : i32
    %c0_i32_0 = arith.constant 0 : i32
    return %arg0, %c0_i32 : i32, i32
  }
}

module attributes {stable_mosaic.version = 14 : i64} {
  func.func @_prep_body(%arg0: memref<2x320000xi32, #tpu.memory_space<vmem>>, %arg1: memref<320000xi32, #tpu.memory_space<vmem>>, %arg2: memref<320000xi32, #tpu.memory_space<vmem>>) attributes {dimension_semantics = [], scalar_prefetch = 0 : i64, scratch_operands = 0 : i64, tpu.core_type = #tpu.core_type<tc>} {
    %get3A = arith.constant 0 : index
    %get3A_0 = arith.constant 0 : index
    %get3A_1 = vector.load %arg0[%get3A, %get3A_0] : memref<2x320000xi32, #tpu.memory_space<vmem>>, vector<1x320000xi32>
    %get3A_2 = vector.shape_cast %get3A_1 : vector<1x320000xi32> to vector<320000xi32>
    %get3A_3 = arith.constant 1 : index
    %get3A_4 = arith.constant 0 : index
    %get3A_5 = vector.load %arg0[%get3A_3, %get3A_4] : memref<2x320000xi32, #tpu.memory_space<vmem>>, vector<1x320000xi32>
    %get3A_6 = vector.shape_cast %get3A_5 : vector<1x320000xi32> to vector<320000xi32>
    %swap3A = arith.constant 0 : index
    %swap3A_7 = vector.load %arg1[%swap3A] : memref<320000xi32, #tpu.memory_space<vmem>>, vector<320000xi32>
    tpu.vector_store %arg1[%swap3A], %get3A_2 {strides = array<i32>} : memref<320000xi32, #tpu.memory_space<vmem>>, vector<320000xi32>,
    %ne3A = arith.cmpi ne, %get3A_2, %get3A_6 : vector<320000xi32>
    %jit3A = arith.constant 10000 : i32
    %broadcast_in_dim3A = vector.broadcast %jit3A : i32 to vector<320000xi32>
    %select_n3A = arith.select %ne3A, %get3A_6, %broadcast_in_dim3A : vector<320000xi1>, vector<320000xi32>
    %swap3A_8 = arith.constant 0 : index
    %swap3A_9 = vector.load %arg2[%swap3A_8] : memref<320000xi32, #tpu.memory_space<vmem>>, vector<320000xi32>
    tpu.vector_store %arg2[%swap3A_8], %select_n3A {strides = array<i32>} : memref<320000xi32, #tpu.memory_space<vmem>>, vector<320000xi32>,
    return
  }
}

module attributes {stable_mosaic.version = 14 : i64} {
  func.func @_comb2_body(%arg0: i32, %arg1: memref<2048x64xf32, #tpu.memory_space<vmem>>, %arg2: memref<2048x64xf32, #tpu.memory_space<vmem>>, %arg3: memref<2048x64xf32, #tpu.memory_space<vmem>>, %arg4: memref<2048x1xf32, #tpu.memory_space<vmem>>, %arg5: memref<2048x64xf32, #tpu.memory_space<vmem>>) attributes {dimension_semantics = [#tpu.dimension_semantics<arbitrary>], iteration_bounds = array<i64: 5>, scalar_prefetch = 0 : i64, scratch_operands = 0 : i64, tpu.core_type = #tpu.core_type<tc>, window_params = [{transform_indices = @transform_0, window_bounds = array<i64: 2048, 64>}, {transform_indices = @transform_1, window_bounds = array<i64: 2048, 64>}, {transform_indices = @transform_2, window_bounds = array<i64: 2048, 64>}, {transform_indices = @transform_3, window_bounds = array<i64: 2048, 1>}, {transform_indices = @transform_4, window_bounds = array<i64: 2048, 64>}]} {
    %get3A = arith.constant 0 : index
    %get3A_0 = arith.constant 0 : index
    %get3A_1 = vector.load %arg4[%get3A, %get3A_0] : memref<2048x1xf32, #tpu.memory_space<vmem>>, vector<2048x1xf32>
    %get3A_2 = arith.constant 0 : index
    %get3A_3 = arith.constant 0 : index
    %get3A_4 = vector.load %arg1[%get3A_2, %get3A_3] : memref<2048x64xf32, #tpu.memory_space<vmem>>, vector<2048x64xf32>
    %get3A_5 = arith.constant 0 : index
    %get3A_6 = arith.constant 0 : index
    %get3A_7 = vector.load %arg2[%get3A_5, %get3A_6] : memref<2048x64xf32, #tpu.memory_space<vmem>>, vector<2048x64xf32>
    %add3A = arith.addf %get3A_4, %get3A_7 : vector<2048x64xf32>
    %get3A_8 = arith.constant 0 : index
    %get3A_9 = arith.constant 0 : index
    %get3A_10 = vector.load %arg3[%get3A_8, %get3A_9] : memref<2048x64xf32, #tpu.memory_space<vmem>>, vector<2048x64xf32>
    %add3A_11 = arith.addf %add3A, %get3A_10 : vector<2048x64xf32>
    %mul3A = arith.mulf %get3A_1, %get3A_1 : vector<2048x1xf32>
    %mul3A_12 = vector.broadcast %mul3A : vector<2048x1xf32> to vector<2048x64xf32>
    %mul3A_13 = arith.mulf %add3A_11, %mul3A_12 : vector<2048x64xf32>
    %swap3A = arith.constant 0 : index
    %swap3A_14 = arith.constant 0 : index
    %swap3A_15 = vector.load %arg5[%swap3A, %swap3A_14] : memref<2048x64xf32, #tpu.memory_space<vmem>>, vector<2048x64xf32>
    tpu.vector_store %arg5[%swap3A, %swap3A_14], %mul3A_13 {strides = array<i32>} : memref<2048x64xf32, #tpu.memory_space<vmem>>, vector<2048x64xf32>,
    return
  }
  func.func @transform_0(%arg0: i32) -> (i32, i32) {
    %c0_i32 = arith.constant 0 : i32
    %c0_i32_0 = arith.constant 0 : i32
    return %arg0, %c0_i32 : i32, i32
  }
  func.func @transform_1(%arg0: i32) -> (i32, i32) {
    %c0_i32 = arith.constant 0 : i32
    %c0_i32_0 = arith.constant 0 : i32
    return %arg0, %c0_i32 : i32, i32
  }
  func.func @transform_2(%arg0: i32) -> (i32, i32) {
    %c0_i32 = arith.constant 0 : i32
    %c0_i32_0 = arith.constant 0 : i32
    return %arg0, %c0_i32 : i32, i32
  }
  func.func @transform_3(%arg0: i32) -> (i32, i32) {
    %c0_i32 = arith.constant 0 : i32
    %c0_i32_0 = arith.constant 0 : i32
    return %arg0, %c0_i32 : i32, i32
  }
  func.func @transform_4(%arg0: i32) -> (i32, i32) {
    %c0_i32 = arith.constant 0 : i32
    %c0_i32_0 = arith.constant 0 : i32
    return %arg0, %c0_i32 : i32, i32
  }
}

module attributes {stable_mosaic.version = 14 : i64} {
  func.func @_final_body(%arg0: i32, %arg1: memref<1000x64xf32, #tpu.memory_space<vmem>>, %arg2: memref<1000x64xf32, #tpu.memory_space<vmem>>, %arg3: memref<1000x64xf32, #tpu.memory_space<vmem>>, %arg4: memref<1000x1xf32, #tpu.memory_space<vmem>>, %arg5: memref<1x64xf32, #tpu.memory_space<vmem>>, %arg6: memref<1000x64xf32, #tpu.memory_space<vmem>>) attributes {dimension_semantics = [#tpu.dimension_semantics<arbitrary>], iteration_bounds = array<i64: 10>, scalar_prefetch = 0 : i64, scratch_operands = 0 : i64, tpu.core_type = #tpu.core_type<tc>, window_params = [{transform_indices = @transform_0, window_bounds = array<i64: 1000, 64>}, {transform_indices = @transform_1, window_bounds = array<i64: 1000, 64>}, {transform_indices = @transform_2, window_bounds = array<i64: 1000, 64>}, {transform_indices = @transform_3, window_bounds = array<i64: 1000, 1>}, {pipeline_mode = #tpu.pipeline_mode<synchronous>, transform_indices = @transform_4, window_bounds = array<i64: 1, 64>}, {transform_indices = @transform_5, window_bounds = array<i64: 1000, 64>}]} {
    %get3A = arith.constant 0 : index
    %get3A_0 = arith.constant 0 : index
    %get3A_1 = vector.load %arg1[%get3A, %get3A_0] : memref<1000x64xf32, #tpu.memory_space<vmem>>, vector<1000x64xf32>
    %get3A_2 = arith.constant 0 : index
    %get3A_3 = arith.constant 0 : index
    %get3A_4 = vector.load %arg2[%get3A_2, %get3A_3] : memref<1000x64xf32, #tpu.memory_space<vmem>>, vector<1000x64xf32>
    %add3A = arith.addf %get3A_1, %get3A_4 : vector<1000x64xf32>
    %get3A_5 = arith.constant 0 : index
    %get3A_6 = arith.constant 0 : index
    %get3A_7 = vector.load %arg3[%get3A_5, %get3A_6] : memref<1000x64xf32, #tpu.memory_space<vmem>>, vector<1000x64xf32>
    %add3A_8 = arith.addf %add3A, %get3A_7 : vector<1000x64xf32>
    %get3A_9 = arith.constant 0 : index
    %get3A_10 = arith.constant 0 : index
    %get3A_11 = vector.load %arg4[%get3A_9, %get3A_10] : memref<1000x1xf32, #tpu.memory_space<vmem>>, vector<1000x1xf32>
    %mul3A = vector.broadcast %get3A_11 : vector<1000x1xf32> to vector<1000x64xf32>
    %mul3A_12 = arith.mulf %add3A_8, %mul3A : vector<1000x64xf32>
    %get3A_13 = arith.constant 0 : index
    %get3A_14 = arith.constant 0 : index
    %get3A_15 = vector.load %arg5[%get3A_13, %get3A_14] : memref<1x64xf32, #tpu.memory_space<vmem>>, vector<1x64xf32>
    %add3A_16 = vector.broadcast %get3A_15 : vector<1x64xf32> to vector<1000x64xf32>
    %add3A_17 = arith.addf %mul3A_12, %add3A_16 : vector<1000x64xf32>
    %swap3A = arith.constant 0 : index
    %swap3A_18 = arith.constant 0 : index
    %swap3A_19 = vector.load %arg6[%swap3A, %swap3A_18] : memref<1000x64xf32, #tpu.memory_space<vmem>>, vector<1000x64xf32>
    tpu.vector_store %arg6[%swap3A, %swap3A_18], %add3A_17 {strides = array<i32>} : memref<1000x64xf32, #tpu.memory_space<vmem>>, vector<1000x64xf32>,
    return
  }
  func.func @transform_0(%arg0: i32) -> (i32, i32) {
    %c0_i32 = arith.constant 0 : i32
    %c0_i32_0 = arith.constant 0 : i32
    return %arg0, %c0_i32 : i32, i32
  }
  func.func @transform_1(%arg0: i32) -> (i32, i32) {
    %c0_i32 = arith.constant 0 : i32
    %c0_i32_0 = arith.constant 0 : i32
    return %arg0, %c0_i32 : i32, i32
  }
  func.func @transform_2(%arg0: i32) -> (i32, i32) {
    %c0_i32 = arith.constant 0 : i32
    %c0_i32_0 = arith.constant 0 : i32
    return %arg0, %c0_i32 : i32, i32
  }
  func.func @transform_3(%arg0: i32) -> (i32, i32) {
    %c0_i32 = arith.constant 0 : i32
    %c0_i32_0 = arith.constant 0 : i32
    return %arg0, %c0_i32 : i32, i32
  }
  func.func @transform_4(%arg0: i32) -> (i32, i32) {
    %c0_i32 = arith.constant 0 : i32
    %c0_i32_0 = arith.constant 0 : i32
    %c0_i32_1 = arith.constant 0 : i32
    return %c0_i32, %c0_i32_0 : i32, i32
  }
  func.func @transform_5(%arg0: i32) -> (i32, i32) {
    %c0_i32 = arith.constant 0 : i32
    %c0_i32_0 = arith.constant 0 : i32
    return %arg0, %c0_i32 : i32, i32
  }
}

</mosaic_0001>

<sc_bundles>
// kernel: kernel.12.cloned.1.call-start
scs
__scs_entry_jumppad:
0x0: {  	(pc) =	sbr.rel $0x88, $3  }
0x1: {  	(tag) =	ssettag $0x0;
	lr =	simm.s32 $0x1  }
0x2: {  	[smem:$0x3F9D] =	sst lr;
	_ =	strace $0xD0000000  }
0x3: {  	_ = 	snop  }
0x4: {  	_ = 	snop  }
0x5: {  	_ = 	snop  }
0x6: {  	_ = 	snop  }
0x7: {  	_ = 	snop  }
__scs_overlays_trampoline_lowered:
0x8: {  	[smem:$0x3FAC] =	sst s0  }
0x9: {  	[smem:$0x3FAD] =	sst s1  }
0xa: {  	[smem:$0x3FAE] =	sst s2  }
0xb: {  	[smem:$0x3FAF] =	sst s3  }
0xc: {  	[smem:$0x3FB0] =	sst s4  }
0xd: {  	[smem:$0x3FB1] =	sst s5  }
0xe: {  	[smem:$0x3FB2] =	sst s6  }
0xf: {  	[smem:$0x3FB3] =	sst s7  }
0x10: {  	[smem:$0x3FB4] =	sst s8  }
0x11: {  	[smem:$0x3FB5] =	sst s9;
	s0 =	simm.s32 @!p0 $0x0  }
0x12: {  	s1 =	sld [smem:$0x3F9B];
	s0 =	simm.s32 @p0 $0x1  }
0x13: {  	[smem:$0x3FB6] =	sst s0;
	s0 =	simm.s32 @!p1 $0x0  }
0x14: {  	s2 =	sld [smem:$0x3F9A];
	s0 =	simm.s32 @p1 $0x1  }
0x15: {  	[smem:$0x3FB7] =	sst s0;
	s0 =	simm.s32 @!p2 $0x0  }
0x16: {  	s3 =	sld [smem:$0x3FDB];
	s0 =	simm.s32 @p2 $0x1  }
0x17: {  	s4 =	simm.s32 $0x1BF5;
	[smem:$0x3FB9] =	sst s0  }
0x18: {  	s0 =	sld [smem:$0x3F9C];
	_ =	swait.ge [sflag:s4], $0x0  }
0x19: {  	s7 =	sld [smem:$0x3F9D]  }
0x1a: {  	s8 =	sadd.s32 $0xFFFFE003, lr  }
0x1b: {  	s9 =	sadd.s32 $0xFFFFFEF7, lr;
	s5 =	simm.s32 $0xFFFFFFFF;
	p2 =	slt.u32 s8, $0xFFFFF086  }
0x1c: {  	p1 =	slt.u32 s9, $0xF7A;
	s5 =	simm.s32 @!p2 $0x0  }
0x1d: {  	s5 =	simm.s32 @p1 $0x1;
	p0 =	seq.s32 s7, s2  }
0x1e: {  	s7 =	smul.u32 @!p0 $0xF7A, s2;
	p2 =	seq.s32 @!p0 s5, $0x0  }
0x1f: {  	s9 =	smul.u32 $0xF7A, s1;
	s8 =	simm.s32 @!p0 $0x1BF5;
	p2 =	por !p2, p0  }
0x20: {  	[sflag:s8] =	ssyncset.s32 @!p0 $0xFFFFF086;
	s6 =	sadd.s32 @!p0 s3, s7;
	s7 =	simm.s32 @!p0 $0x108  }
0x21: {  	s3 =	sadd.s32 s3, s9;
	s6 =	sadd.s32 @!p0 $0x88, s6;
	s7 =	simm.s32 @p2 $0x1082  }
0x22: {  	[simem:s7], [sflag:s8] =	dma.local @!p0 [hbm:s6], $0xF7A  }
0x23: {  	s9 =	sor.u32 $0xD0000000, s2;
	s6 =	simm.s32 $0x108;
	_ =	swait.ge @!p0 [sflag:s8], $0x0  }
0x24: {  	s3 =	sadd.s32 $0x88, s3;
	s6 =	simm.s32 @!p1 $0x1082;
	[sflag:s4] =	ssyncset.s32 $0xFFFFF086  }
0x25: {  	[simem:s6], [sflag:s4] =	dma.local [hbm:s3], $0xF7A  }
0x26: {  	[smem:$0x3F9D] =	sst s1;
	(tag) =	ssettag s2;
	_ =	strace s9  }
0x27: {  	s1 =	sld [smem:$0x3FAD]  }
0x28: {  	s2 =	sld [smem:$0x3FAE]  }
0x29: {  	s4 =	sld [smem:$0x3FB0]  }
0x2a: {  	p0 =	seq.s32 s5, $0x0;
	s5 =	sld [smem:$0x3FB1]  }
0x2b: {  	s6 =	sld [smem:$0x3FB2]  }
0x2c: {  	s7 =	sld [smem:$0x3FB3]  }
0x2d: {  	s3 =	simm.s32 $0x108;
	s8 =	sld [smem:$0x3FB4]  }
0x2e: {  	s3 =	simm.s32 @!p0 $0x1082;
	s9 =	sld [smem:$0x3FB5]  }
0x2f: {  	lr =	sadd.s32 s0, s3;
	s0 =	sld [smem:$0x3FAC]  }
0x30: {  	s3 =	sld [smem:$0x3FAF]  }
0x31: {  	[smem:$0x3FB8] =	sst s10  }
0x32: {  	s10 =	sld [smem:$0x3FB6];
	_ =	sdelay $0x3  }
0x33: {  	p0 =	seq.s32 s10, $0x1;
	s10 =	sld [smem:$0x3FB8];
	_ =	sdelay $0x3  }
0x34: {  	[smem:$0x3FB8] =	sst s10  }
0x35: {  	s10 =	sld [smem:$0x3FB7];
	_ =	sdelay $0x3  }
0x36: {  	p1 =	seq.s32 s10, $0x1;
	s10 =	sld [smem:$0x3FB8];
	_ =	sdelay $0x3  }
0x37: {  	[smem:$0x3FB8] =	sst s10  }
0x38: {  	s10 =	sld [smem:$0x3FB9]  }
0x39: {  	_ = 	snop;
	(pc) =	sbr.ind lr, $3  }
0x3a: {  	_ = 	snop  }
0x3b: {  	_ = 	snop  }
0x3c: {  	p2 =	seq.s32 s10, $0x1;
	s10 =	sld [smem:$0x3FB8]  }
0x3d: {  	_ =	shalt  }
0x3e: {  	_ =	shalt  }
0x3f: {  	_ =	shalt  }
0x40: {  	_ =	shalt  }
0x41: {  	_ =	shalt  }
0x42: {  	_ =	shalt  }
0x43: {  	_ =	shalt  }
0x44: {  	_ =	shalt  }
0x45: {  	_ =	shalt  }
0x46: {  	_ =	shalt  }
0x47: {  	_ =	shalt  }
0x48: {  	_ =	shalt  }
0x49: {  	_ =	shalt  }
0x4a: {  	_ =	shalt  }
0x4b: {  	_ =	shalt  }
0x4c: {  	_ =	shalt  }
0x4d: {  	_ =	shalt  }
0x4e: {  	_ =	shalt  }
0x4f: {  	_ =	shalt  }
0x50: {  	_ =	shalt  }
0x51: {  	_ =	shalt  }
0x52: {  	_ =	shalt  }
0x53: {  	_ =	shalt  }
0x54: {  	_ =	shalt  }
0x55: {  	_ =	shalt  }
0x56: {  	_ =	shalt  }
0x57: {  	_ =	shalt  }
0x58: {  	_ =	shalt  }
0x59: {  	_ =	shalt  }
0x5a: {  	_ =	shalt  }
0x5b: {  	_ =	shalt  }
0x5c: {  	_ =	shalt  }
0x5d: {  	_ =	shalt  }
0x5e: {  	_ =	shalt  }
0x5f: {  	_ =	shalt  }
0x60: {  	_ =	shalt  }
0x61: {  	_ =	shalt  }
0x62: {  	_ =	shalt  }
0x63: {  	_ =	shalt  }
0x64: {  	_ =	shalt  }
0x65: {  	_ =	shalt  }
0x66: {  	_ =	shalt  }
0x67: {  	_ =	shalt  }
0x68: {  	_ =	shalt  }
0x69: {  	_ =	shalt  }
0x6a: {  	_ =	shalt  }
0x6b: {  	_ =	shalt  }
0x6c: {  	_ =	shalt  }
0x6d: {  	_ =	shalt  }
0x6e: {  	_ =	shalt  }
0x6f: {  	_ =	shalt  }
0x70: {  	_ =	shalt  }
0x71: {  	_ =	shalt  }
0x72: {  	_ =	shalt  }
0x73: {  	_ =	shalt  }
0x74: {  	_ =	shalt  }
0x75: {  	_ =	shalt  }
0x76: {  	_ =	shalt  }
0x77: {  	_ =	shalt  }
0x78: {  	_ =	shalt  }
0x79: {  	_ =	shalt  }
0x7a: {  	_ =	shalt  }
0x7b: {  	_ =	shalt  }
0x7c: {  	_ =	shalt  }
0x7d: {  	_ =	shalt  }
0x7e: {  	_ =	shalt  }
0x7f: {  	_ =	shalt  }
0x80: {  	_ =	shalt  }
0x81: {  	_ =	shalt  }
0x82: {  	_ =	shalt  }
0x83: {  	_ =	shalt  }
0x84: {  	_ =	shalt  }
0x85: {  	_ =	shalt  }
0x86: {  	_ =	shalt  }
0x87: {  	_ =	shalt  }
.Lfunc_end0:
.L_simem_size_0:
called_computation.1_lowered:
.L_overlay_start_0:
0x88: {  	s2 =	sld [smem:$0x3FD9]  }
0x89: {  	s3 =	sld [smem:$0x3FFE];
	_ =	sdelay $0x1  }
0x8a: {  	s1 =	srdreg.scid  }
0x8b: {  	s0 =	sand.u32 $0x1, s1  }
0x8c: {  	s17 =	sshll.u32 s0, $0xA;
	s2 =	sadd.s32 s3, s2  }
0x8d: {  	s2 =	sadd.s32 s2, s17  }
0x8e: {  	[smem:$0x3FC4] =	sst s2  }
0x8f: {  	_ = 	snop  }
0x90: {  	s2 =	sld [smem:$0x3FD0];
	(tm) =	ssettm $0x1  }
0x91: {  	s18 =	sld [smem:$0x3FFB];
	_ =	sdelay $0x3  }
0x92: {  	_ =	strace s18  }
0x93: {  	s3 =	sld [smem:$0x3FFC];
	_ =	sdelay $0x3  }
0x94: {  	_ =	strace s3  }
0x95: {  	s3 =	sld [smem:$0x3FFD];
	_ =	sdelay $0x3  }
0x96: {  	_ =	strace s3  }
0x97: {  	_ =	strace $0x8FFFFFFF  }
0x98: {  	s19 =	sld [smem:$0x3FDB];
	_ =	sdelay $0x1  }
0x99: {  	s4 =	simm.s32 $_scs_section_size  }
0x9a: {  	s5 =	simm.s32 $_size__tile_overlayer_lowered;
	s6 =	simm.s32 $_tile_overlayer_lowered  }
0x9b: {  	s22 =	simm.s32 $0x1BFF;
	s21 =	sshll.u32 s6, $0x1;
	s3 =	sadd.s32 s4, s19  }
0x9c: {  	s7 =	simm.s32 $0x0;
	s20 =	sshll.u32 s5, $0x1;
	s5 =	sadd.s32 s21, s3  }
0x9d: {  	[timem:s7], [sflag:s22] =	dma.local [hbm:s5], s20  }
0x9e: {  	_ =	swait.ge [sflag:s22], s20  }
0x9f: {  	s4 =	ssub.s32 $0x0, s20;
	[sflag:s22] =	ssyncset.done $0x0  }
0xa0: {  	[sflag:s22] =	ssyncadd.s32 s4;
	_ =	sdelay $0x1  }
0xa1: {  	s23 =	simm.s32 $0x1B8B  }
0xa2: {  	_ =	swait.ge [sflag:s23], $0x1  }
0xa3: {  	[sflag:s23] =	ssyncset.done $0x0  }
0xa4: {  	s25 =	simm.s32 $0x1B8E;
	s24 =	sld [smem:$0x3FFE];
	[sflag:s23] =	ssyncadd.s32 $0xFFFFFFFF  }
0xa5: {  	s26 =	simm.s32 $execute0_lowered;
	[smem:$0x3FD2] =	sst s25  }
0xa6: {  	s5 =	sshll.u32 s26, $0x1;
	_ =	strace $0x80000049;
	[dreg:$0x1] =	wrdreg $0xFFFFFFFF  }
0xa7: {  	s28 =	simm.s32 $_size_execute0_lowered;
	s3 =	sadd.s32 s3, s5;
	[dreg:$0x0] =	wrdreg $0x0  }
0xa8: {  	s5 =	sshll.u32 s28, $0x1;
	[dreg:$0x2] =	wrdreg s3  }
0xa9: {  	[dreg:$0x3] =	wrdreg s5  }
0xaa: {  	[dreg:$0x4] =	wrdreg $0xC0  }
0xab: {  	_ =	task [dreg:s7], $0x5FFFF  }
0xac: {  	[dreg:$0x1] =	wrdreg $0xFFFFFFFF  }
0xad: {  	[dreg:$0x0] =	wrdreg $0x60  }
0xae: {  	[dreg:$0x2] =	wrdreg s24  }
0xaf: {  	[dreg:$0x3] =	wrdreg s2  }
0xb0: {  	[dreg:$0x4] =	wrdreg $0x0  }
0xb1: {  	[dreg:$0x5] =	wrdreg $0x9  }
0xb2: {  	_ =	task.clear_ibuf [dreg:s7], $0x6FFFF;
	_ =	strace $0x90000049  }
0xb3: {  	s29 =	simm.s32 $0x9;
	_ =	strace $0x8000004B  }
0xb4: {  	_ =	swait.ge [sflag:s29], $0x1  }
0xb5: {  	[sflag:s29] =	ssyncadd.s32 $0xFFFFFFFF  }
0xb6: {  	_ =	strace $0x9000004B  }
0xb7: {  	_ =	sfence  }
0xb8: {  	s30 =	sld [smem:$0x0];
	_ =	sdelay $0x2  }
0xb9: {  	s31 =	sshll.u32 s1, $0xD;
	s1 =	sshrl.u32 s1, $0x2  }
0xba: {  	s3 =	sand.u32 $0x4000, s31;
	s1 =	sadd.s32 s1, s30  }
0xbb: {  	s0 =	sor.u32 s3, s0;
	s1 =	sshll.u32 s1, $0x11  }
0xbc: {  	s0 =	sor.u32 s1, s0  }
0xbd: {  	s0 =	sadd.s32 $0x8F2B, s0  }
0xbe: {  	[sflag:s0] =	ssyncadd.remote.s32 $0x1  }
0xbf: {  	_ =	sfence.sel $0xFFFF  }
0xc0: {  	[dreg:$0x0] =	wrdreg $0xFFFFFFFF;
	(pc) =	sbr.abs _section_cstart, $3  }
0xc1: {  	[dreg:$0x1] =	wrdreg $0xFFFFFFFF  }
0xc2: {  	_ =	task.clear_ibuf [dreg:s7], $0x2FFFF;
	_ =	strace $0x9FFFFFFF  }
0xc3: {  	(tm) =	ssettm $0x7FFFFFFF  }
tec
execute0_lowered:
.L_overlay_start_1:
0x0: {  	(tag) =	ssettag $0x1  }
0x1: {  	s0 =	rddreg [dreg:$0x0]  }
0x2: {  	s1 =	rddreg [dreg:$0x1]  }
0x3: {  	s3 =	srdreg.scid;
	s10 =	stileid.u32  }
0x4: {  	s2 =	rddreg [dreg:$0x2];
	s28 =	simm.s32 $0xA000;
	s25 =	smul.u32 $0x28000, s10  }
0x5: {  	s5 =	sand.u32 $0x1, s3;
	s4 =	sshll.u32 s10, $0x1;
	s26 =	smul.u32 $0x280, s10  }
0x6: {  	s3 =	simm.s32 $0x0;
	s14 =	smul.u32 $0x1400, s10;
	s10 =	simm.s32 $0x11620  }
0x7: {  	s4 =	sor.u32 s5, s4;
	[smem:$0x7FF] =	sst s3;
	s7 =	ssub.s32 $0x2, s5  }
0x8: {  	p0 =	seq.s32 s5, $0x0;
	s6 =	smul.u32 $0x4E2, s4;
	_ =	strace $0x8000004A  }
0x9: {  	s4 =	sadd.s32 $0x35000, s0;
	s9 =	sshrl.u32 s7, $0x1;
	s13 =	sshrl.u32 s25, $0x2  }
0xa: {  	s16 =	sor.u32 $0x50, s26;
	s18 =	sadd.s32 $0xA0, s26;
	s19 =	sadd.s32 $0xF0, s26  }
0xb: {  	s11 =	sadd.s32 $0x140, s26;
	s24 =	sadd.s32 $0x190, s26;
	s25 =	sadd.s32 $0x1E0, s26  }
0xc: {  	s7 =	ssub.s32 s7, s9;
	s17 =	sshll.u32 s16, $0x6;
	s20 =	sshll.u32 s18, $0x3  }
0xd: {  	s21 =	sshll.u32 s19, $0x3;
	s23 =	sshll.u32 s11, $0x3;
	s8 =	sadd.s32 s6, s0  }
0xe: {  	s1 =	sadd.s32 s1, s6;
	s12 =	smax.u32 s7, $0x1;
	s6 =	simm.s32 $0x5D000  }
0xf: {  	s7 =	simm.s32 $0x50;
	s8 =	sadd.s32 $0x3200, s8;
	[dreg:$0x5] =	wrdreg s1  }
0x10: {  	[dreg:$0x6] =	wrdreg s12;
	s6 =	simm.s32 @!p0 $0x49000;
	s12 =	sshll.u32 s24, $0x3  }
0x11: {  	s1 =	sadd.s32 $0x230, s26;
	[dreg:$0x4] =	wrdreg s8;
	s8 =	sadd.s32 s13, s2  }
0x12: {  	s0 =	sadd.s32 s6, s0;
	s6 =	sshll.u32 s16, $0x3;
	s13 =	sshll.u32 s25, $0x3  }
0x13: {  	s16 =	sshll.u32 s18, $0x6;
	s18 =	sshll.u32 s11, $0x6;
	s11 =	simm.s32 $0x12A20  }
0x14: {  	s15 =	sadd.s32 $0x1400, s8;
	s5 =	sadd.s32 s0, s14;
	s6 =	sadd.s32 s0, s6  }
0x15: {  	s9 =	sadd.s32 s0, s20;
	s22 =	sadd.s32 s0, s21;
	[dreg:$0x7] =	wrdreg s15  }
0x16: {  	s12 =	sadd.s32 s0, s12;
	s26 =	sadd.s32 s0, s13;
	[dreg:$0x8] =	wrdreg s5  }
0x17: {  	s13 =	sshll.u32 s1, $0x3;
	s14 =	sadd.s32 $0x2800, s8;
	[dreg:$0x9] =	wrdreg s6  }
0x18: {  	s20 =	sadd.s32 s18, s2;
	s21 =	sshll.u32 s24, $0x6;
	[dreg:$0xa] =	wrdreg s9  }
0x19: {  	s1 =	sshll.u32 s1, $0x6;
	s29 =	sadd.s32 $0x6400, s8;
	[dreg:$0xb] =	wrdreg s22  }
0x1a: {  	s30 =	sadd.s32 $0x7800, s8;
	s31 =	sadd.s32 $0x8C00, s8;
	[dreg:$0xd] =	wrdreg s12  }
0x1b: {  	s18 =	simm.s32 $0x6;
	s9 =	sadd.s32 s0, s23;
	[dreg:$0xe] =	wrdreg s26  }
0x1c: {  	s0 =	sadd.s32 s0, s13;
	[dreg:$0x10] =	wrdreg s14;
	s15 =	sadd.s32 s17, s2  }
0x1d: {  	s17 =	sshll.u32 s19, $0x6;
	[dreg:$0x14] =	wrdreg s20;
	s22 =	sshll.u32 s25, $0x6  }
0x1e: {  	s24 =	sadd.s32 s1, s2;
	s25 =	sadd.s32 $0x3C00, s8;
	[dreg:$0xc] =	wrdreg s9  }
0x1f: {  	s26 =	sadd.s32 $0x5000, s8;
	s5 =	simm.s32 $0xC;
	[dreg:$0xf] =	wrdreg s0  }
0x20: {  	s6 =	simm.s32 $0xB;
	s12 =	simm.s32 $0x13E20;
	[dreg:$0x11] =	wrdreg s15  }
0x21: {  	s13 =	simm.s32 $0x1;
	s14 =	simm.s32 $0x2;
	[dreg:$0x17] =	wrdreg s24  }
0x22: {  	s20 =	simm.s32 $0x8;
	s0 =	sadd.s32 s16, s2;
	[dreg:$0x18] =	wrdreg s25  }
0x23: {  	s19 =	sadd.s32 s17, s2;
	s23 =	sadd.s32 s22, s2;
	[dreg:$0x19] =	wrdreg s26  }
0x24: {  	s9 =	simm.s32 $0x10220;
	s15 =	simm.s32 $0x3;
	s16 =	simm.s32 $0x4  }
0x25: {  	s17 =	simm.s32 $0x5;
	s22 =	simm.s32 $0xA;
	[dreg:$0x12] =	wrdreg s0  }
0x26: {  	s24 =	simm.s32 $0x0;
	[dreg:$0x13] =	wrdreg s19;
	s0 =	sadd.s32 s21, s2  }
0x27: {  	[dreg:$0x16] =	wrdreg s23;
	s19 =	simm.s32 $0x7;
	s21 =	simm.s32 $0x9  }
0x28: {  	v0 =	vimm.f32 $0.0e+00;
	s23 =	simm.s32 $0xD;
	[dreg:$0x15] =	wrdreg s0;
	s0 =	simm.s32 $0xEE20  }
.LBB2_1:
0x29: {  	s1 =	rddreg [dreg:$0x4]  }
0x2a: {  	[tilespmem:s28], [sflag:$0xB] =	stream.linear.gather [hbm4b:s1+s3], $0x2710, $0x38;
	[tilespmem:$0x15220] =	vst v63  }
0x2b: {  	s25 =	simm.s32 $0xC710;
	s26 =	sand.u32 $0x7F00, s3;
	s28 =	rddreg [dreg:$0x5]  }
0x2c: {  	[tilespmem:s25], [sflag:$0xB] =	stream.linear.gather [hbm4b:s28+s3], $0x2710, $0x38;
	[tilespmem:$0x15220] =	vst v63  }
0x2d: {  	s26 =	sshrl.u32 s26, $0x2;
	s28 =	sand.u32 $0x30, s3  }
0x2e: {  	s1 =	simm.s32 $0x40;
	s25 =	simm.s32 $0x0;
	s26 =	sor.u32 s28, s26  }
.LBB2_2:
0x2f: {  	p1 =	sne.s32 s1, $0x4FC0  }
0x30: {  	[tilespmem:s26+$0xEE20] =	vst v0;
	s25 =	sadd.s32 $0x10, s25;
	s26 =	smov.u32 s1;
	s1 =	sadd.s32 $0x40, s1  }
.Ltmp0:
0x31: {  	(pc) =	sbr.rel @p1 .LBB2_2-.Ltmp0, $4  }
0x32: {  	_ = 	snop  }
0x33: {  	s26 =	sand.u32 $0x7F00, s26  }
0x34: {  	s28 =	sand.u32 $0x30, s25;
	s26 =	sshrl.u32 s26, $0x2  }
0x35: {  	s26 =	sor.u32 s28, s26  }
0x36: {  	[tilespmem:s26+$0xEE20] =	vst v0  }
0x37: {  	[spmem:s8] =	stream.linear.scatter [tilespmem:s0], [sflag:$0xC], $0x1400, $0x38;
	[tilespmem:$0x15220] =	vst v63  }
0x38: {  	_ =	swait.ge [sflag:s5], $0x1400  }
0x39: {  	[sflag:s5] =	ssyncset.done $0x0  }
0x3a: {  	s1 =	rddreg [dreg:$0x7];
	[sflag:s5] =	ssyncadd.s32 $0xFFFFEC00  }
0x3b: {  	[spmem:s1] =	stream.linear.scatter [tilespmem:s0], [sflag:$0xC], $0x1400, $0x38;
	[tilespmem:$0x15220] =	vst v63  }
0x3c: {  	_ =	swait.ge [sflag:s5], $0x1400  }
0x3d: {  	[sflag:s5] =	ssyncset.done $0x0  }
0x3e: {  	s25 =	rddreg [dreg:$0x10];
	[sflag:s5] =	ssyncadd.s32 $0xFFFFEC00  }
0x3f: {  	[spmem:s25] =	stream.linear.scatter [tilespmem:s0], [sflag:$0xC], $0x1400, $0x38;
	[tilespmem:$0x15220] =	vst v63  }
0x40: {  	_ =	swait.ge [sflag:s5], $0x1400  }
0x41: {  	[sflag:s5] =	ssyncset.done $0x0  }
0x42: {  	s26 =	rddreg [dreg:$0x18];
	[sflag:s5] =	ssyncadd.s32 $0xFFFFEC00  }
0x43: {  	[spmem:s26] =	stream.linear.scatter [tilespmem:s0], [sflag:$0xC], $0x1400, $0x38;
	[tilespmem:$0x15220] =	vst v63  }
0x44: {  	_ =	swait.ge [sflag:s5], $0x1400  }
0x45: {  	[sflag:s5] =	ssyncset.done $0x0  }
0x46: {  	s25 =	rddreg [dreg:$0x19];
	[sflag:s5] =	ssyncadd.s32 $0xFFFFEC00  }
0x47: {  	[spmem:s25] =	stream.linear.scatter [tilespmem:s0], [sflag:$0xC], $0x1400, $0x38;
	[tilespmem:$0x15220] =	vst v63  }
0x48: {  	_ =	swait.ge [sflag:s5], $0x1400  }
0x49: {  	[sflag:s5] =	ssyncset.done $0x0  }
0x4a: {  	[sflag:s5] =	ssyncadd.s32 $0xFFFFEC00  }
0x4b: {  	[spmem:s29] =	stream.linear.scatter [tilespmem:s0], [sflag:$0xC], $0x1400, $0x38;
	[tilespmem:$0x15220] =	vst v63  }
0x4c: {  	_ =	swait.ge [sflag:s5], $0x1400  }
0x4d: {  	[sflag:s5] =	ssyncset.done $0x0  }
0x4e: {  	[sflag:s5] =	ssyncadd.s32 $0xFFFFEC00  }
0x4f: {  	[spmem:s30] =	stream.linear.scatter [tilespmem:s0], [sflag:$0xC], $0x1400, $0x38;
	[tilespmem:$0x15220] =	vst v63  }
0x50: {  	_ =	swait.ge [sflag:s5], $0x1400  }
0x51: {  	[sflag:s5] =	ssyncset.done $0x0  }
0x52: {  	[sflag:s5] =	ssyncadd.s32 $0xFFFFEC00  }
0x53: {  	[spmem:s31] =	stream.linear.scatter [tilespmem:s0], [sflag:$0xC], $0x1400, $0x38;
	[tilespmem:$0x15220] =	vst v63  }
0x54: {  	_ =	swait.ge [sflag:s5], $0x1400  }
0x55: {  	[sflag:s5] =	ssyncset.done $0x0  }
0x56: {  	[sflag:s5] =	ssyncadd.s32 $0xFFFFEC00  }
0x57: {  	_ =	swait.ge [sflag:s6], $0x2710  }
0x58: {  	[sflag:s6] =	ssyncset.done $0x0  }
0x59: {  	[sflag:s6] =	ssyncadd.s32 $0xFFFFD8F0  }
0x5a: {  	_ =	swait.ge [sflag:s6], $0x2710  }
0x5b: {  	[sflag:s6] =	ssyncset.done $0x0  }
0x5c: {  	[sflag:s6] =	ssyncadd.s32 $0xFFFFD8F0  }
0x5d: {  	s28 =	simm.s32 $0xA000;
	[bflag:$0x0] =	sbarrier.arrive $0xFFFF  }
0x5e: {  	[tilespmem:s0], [sflag:$0x1] =	stream.indirect.gather [hbm4b:s4+s7], $0x40, s28, s7, $0xb8;
	[tilespmem:$0x15220] =	vst v63  }
0x5f: {  	s26 =	simm.s32 $0xA050  }
0x60: {  	[tilespmem:s9], [sflag:$0x2] =	stream.indirect.gather [hbm4b:s4+s7], $0x40, s26, s7, $0xb8;
	[tilespmem:$0x15220] =	vst v63  }
0x61: {  	s25 =	simm.s32 $0xA0A0  }
0x62: {  	[tilespmem:s10], [sflag:$0x3] =	stream.indirect.gather [hbm4b:s4+s7], $0x40, s25, s7, $0xb8;
	[tilespmem:$0x15220] =	vst v63  }
0x63: {  	s26 =	simm.s32 $0xA0F0  }
0x64: {  	[tilespmem:s11], [sflag:$0x4] =	stream.indirect.gather [hbm4b:s4+s7], $0x40, s26, s7, $0xb8;
	[tilespmem:$0x15220] =	vst v63  }
0x65: {  	s25 =	simm.s32 $0xA140  }
0x66: {  	[tilespmem:s12], [sflag:$0x5] =	stream.indirect.gather [hbm4b:s4+s7], $0x40, s25, s7, $0xb8;
	[tilespmem:$0x15220] =	vst v63  }
0x67: {  	_ =	swait.ge [sflag:s13], $0x1400  }
0x68: {  	[sflag:s13] =	ssyncset.done $0x0  }
0x69: {  	s26 =	simm.s32 $0xC710;
	[sflag:s13] =	ssyncadd.s32 $0xFFFFEC00  }
0x6a: {  	[spmem:s2] =	stream.indirect.scatter.add.f32 [tilespmem:s0], [sflag:$0x6], $0x40, s26, s7, $0xb8;
	[tilespmem:$0x15220] =	vst v63  }
0x6b: {  	_ =	swait.ge [sflag:s14], $0x1400  }
0x6c: {  	[sflag:s14] =	ssyncset.done $0x0  }
0x6d: {  	s25 =	simm.s32 $0xC760;
	[sflag:s14] =	ssyncadd.s32 $0xFFFFEC00  }
0x6e: {  	[spmem:s2] =	stream.indirect.scatter.add.f32 [tilespmem:s9], [sflag:$0x7], $0x40, s25, s7, $0xb8;
	[tilespmem:$0x15220] =	vst v63  }
0x6f: {  	_ =	swait.ge [sflag:s15], $0x1400  }
0x70: {  	[sflag:s15] =	ssyncset.done $0x0  }
0x71: {  	s26 =	simm.s32 $0xC7B0;
	[sflag:s15] =	ssyncadd.s32 $0xFFFFEC00  }
0x72: {  	[spmem:s2] =	stream.indirect.scatter.add.f32 [tilespmem:s10], [sflag:$0x8], $0x40, s26, s7, $0xb8;
	[tilespmem:$0x15220] =	vst v63  }
0x73: {  	_ =	swait.ge [sflag:s16], $0x1400  }
0x74: {  	[sflag:s16] =	ssyncset.done $0x0  }
0x75: {  	s25 =	simm.s32 $0xC800;
	[sflag:s16] =	ssyncadd.s32 $0xFFFFEC00  }
0x76: {  	[spmem:s2] =	stream.indirect.scatter.add.f32 [tilespmem:s11], [sflag:$0x9], $0x40, s25, s7, $0xb8;
	[tilespmem:$0x15220] =	vst v63  }
0x77: {  	_ =	swait.ge [sflag:s17], $0x1400  }
0x78: {  	[sflag:s17] =	ssyncset.done $0x0  }
0x79: {  	s26 =	simm.s32 $0xC850;
	[sflag:s17] =	ssyncadd.s32 $0xFFFFEC00  }
0x7a: {  	[spmem:s2] =	stream.indirect.scatter.add.f32 [tilespmem:s12], [sflag:$0xA], $0x40, s26, s7, $0xb8;
	[tilespmem:$0x15220] =	vst v63  }
0x7b: {  	_ =	swait.ge [sflag:s18], $0x1400  }
0x7c: {  	[sflag:s18] =	ssyncset.done $0x0  }
0x7d: {  	s25 =	simm.s32 $0xA190;
	[sflag:s18] =	ssyncadd.s32 $0xFFFFEC00  }
0x7e: {  	[tilespmem:s0], [sflag:$0x1] =	stream.indirect.gather [hbm4b:s4+s7], $0x40, s25, s7, $0xb8;
	[tilespmem:$0x15220] =	vst v63  }
0x7f: {  	_ =	swait.ge [sflag:s19], $0x1400  }
0x80: {  	[sflag:s19] =	ssyncset.done $0x0  }
0x81: {  	s26 =	simm.s32 $0xA1E0;
	[sflag:s19] =	ssyncadd.s32 $0xFFFFEC00  }
0x82: {  	[tilespmem:s9], [sflag:$0x2] =	stream.indirect.gather [hbm4b:s4+s7], $0x40, s26, s7, $0xb8;
	[tilespmem:$0x15220] =	vst v63  }
0x83: {  	_ =	swait.ge [sflag:s20], $0x1400  }
0x84: {  	[sflag:s20] =	ssyncset.done $0x0  }
0x85: {  	s25 =	simm.s32 $0xA230;
	[sflag:s20] =	ssyncadd.s32 $0xFFFFEC00  }
0x86: {  	[tilespmem:s10], [sflag:$0x3] =	stream.indirect.gather [hbm4b:s4+s7], $0x40, s25, s7, $0xb8;
	[tilespmem:$0x15220] =	vst v63  }
0x87: {  	_ =	swait.ge [sflag:s21], $0x1400  }
0x88: {  	[sflag:s21] =	ssyncset.done $0x0  }
0x89: {  	s26 =	simm.s32 $0xA280;
	[sflag:s21] =	ssyncadd.s32 $0xFFFFEC00  }
0x8a: {  	[tilespmem:s11], [sflag:$0x4] =	stream.indirect.gather [hbm4b:s4+s7], $0x40, s26, s7, $0xb8;
	[tilespmem:$0x15220] =	vst v63  }
0x8b: {  	_ =	swait.ge [sflag:s22], $0x1400  }
0x8c: {  	[sflag:s22] =	ssyncset.done $0x0  }
0x8d: {  	s1 =	simm.s32 $0xA2D0;
	s25 =	simm.s32 $0x640;
	[sflag:s22] =	ssyncadd.s32 $0xFFFFEC00  }
.LBB2_4:
0x8e: {  	[tilespmem:s12], [sflag:$0x5] =	stream.indirect.gather [hbm4b:s4+s7], $0x40, s1, s7, $0xb8;
	[tilespmem:$0x15220] =	vst v63  }
0x8f: {  	s1 =	smov.u32 s25  }
0x90: {  	p1 =	sne.s32 s25, $0x8FC0;
	s25 =	sadd.s32 $0x640, s25;
	_ =	swait.ge [sflag:s13], $0x1400  }
0x91: {  	s1 =	sshra.s32 s1, $0x2;
	[sflag:s13] =	ssyncset.done $0x0  }
0x92: {  	s26 =	sadd.s32 $0xC710, s1;
	[sflag:s13] =	ssyncadd.s32 $0xFFFFEC00  }
0x93: {  	[spmem:s2] =	stream.indirect.scatter.add.f32 [tilespmem:s0], [sflag:$0x6], $0x40, s26, s7, $0xb8;
	[tilespmem:$0x15220] =	vst v63  }
0x94: {  	_ =	swait.ge [sflag:s14], $0x1400  }
0x95: {  	[sflag:s14] =	ssyncset.done $0x0  }
0x96: {  	s26 =	sadd.s32 $0xC760, s1;
	[sflag:s14] =	ssyncadd.s32 $0xFFFFEC00  }
0x97: {  	[spmem:s2] =	stream.indirect.scatter.add.f32 [tilespmem:s9], [sflag:$0x7], $0x40, s26, s7, $0xb8;
	[tilespmem:$0x15220] =	vst v63  }
0x98: {  	_ =	swait.ge [sflag:s15], $0x1400  }
0x99: {  	[sflag:s15] =	ssyncset.done $0x0  }
0x9a: {  	s26 =	sadd.s32 $0xC7B0, s1;
	[sflag:s15] =	ssyncadd.s32 $0xFFFFEC00  }
0x9b: {  	[spmem:s2] =	stream.indirect.scatter.add.f32 [tilespmem:s10], [sflag:$0x8], $0x40, s26, s7, $0xb8;
	[tilespmem:$0x15220] =	vst v63  }
0x9c: {  	_ =	swait.ge [sflag:s16], $0x1400  }
0x9d: {  	[sflag:s16] =	ssyncset.done $0x0  }
0x9e: {  	s26 =	sadd.s32 $0xC800, s1;
	[sflag:s16] =	ssyncadd.s32 $0xFFFFEC00  }
0x9f: {  	[spmem:s2] =	stream.indirect.scatter.add.f32 [tilespmem:s11], [sflag:$0x9], $0x40, s26, s7, $0xb8;
	[tilespmem:$0x15220] =	vst v63  }
0xa0: {  	_ =	swait.ge [sflag:s17], $0x1400  }
0xa1: {  	[sflag:s17] =	ssyncset.done $0x0  }
0xa2: {  	s26 =	sadd.s32 $0xC850, s1;
	[sflag:s17] =	ssyncadd.s32 $0xFFFFEC00  }
0xa3: {  	[spmem:s2] =	stream.indirect.scatter.add.f32 [tilespmem:s12], [sflag:$0xA], $0x40, s26, s7, $0xb8;
	[tilespmem:$0x15220] =	vst v63  }
0xa4: {  	_ =	swait.ge [sflag:s18], $0x1400  }
0xa5: {  	[sflag:s18] =	ssyncset.done $0x0  }
0xa6: {  	s26 =	sadd.s32 $0xA190, s1;
	[sflag:s18] =	ssyncadd.s32 $0xFFFFEC00  }
0xa7: {  	[tilespmem:s0], [sflag:$0x1] =	stream.indirect.gather [hbm4b:s4+s7], $0x40, s26, s7, $0xb8;
	[tilespmem:$0x15220] =	vst v63  }
0xa8: {  	_ =	swait.ge [sflag:s19], $0x1400  }
0xa9: {  	[sflag:s19] =	ssyncset.done $0x0  }
0xaa: {  	s26 =	sadd.s32 $0xA1E0, s1;
	[sflag:s19] =	ssyncadd.s32 $0xFFFFEC00  }
0xab: {  	[tilespmem:s9], [sflag:$0x2] =	stream.indirect.gather [hbm4b:s4+s7], $0x40, s26, s7, $0xb8;
	[tilespmem:$0x15220] =	vst v63  }
0xac: {  	_ =	swait.ge [sflag:s20], $0x1400  }
0xad: {  	[sflag:s20] =	ssyncset.done $0x0  }
0xae: {  	s26 =	sadd.s32 $0xA230, s1;
	[sflag:s20] =	ssyncadd.s32 $0xFFFFEC00  }
0xaf: {  	[tilespmem:s10], [sflag:$0x3] =	stream.indirect.gather [hbm4b:s4+s7], $0x40, s26, s7, $0xb8;
	[tilespmem:$0x15220] =	vst v63  }
0xb0: {  	_ =	swait.ge [sflag:s21], $0x1400  }
0xb1: {  	[sflag:s21] =	ssyncset.done $0x0  }
.Ltmp1:
0xb2: {  	s26 =	sadd.s32 $0xA280, s1;
	[sflag:s21] =	ssyncadd.s32 $0xFFFFEC00;
	(pc) =	sbr.rel @p1 .LBB2_4-.Ltmp1, $4  }
0xb3: {  	[tilespmem:s11], [sflag:$0x4] =	stream.indirect.gather [hbm4b:s4+s7], $0x40, s26, s7, $0xb8;
	[tilespmem:$0x15220] =	vst v63  }
0xb4: {  	_ =	swait.ge [sflag:s22], $0x1400  }
0xb5: {  	[sflag:s22] =	ssyncset.done $0x0  }
0xb6: {  	s1 =	sadd.s32 $0xA2D0, s1;
	[sflag:s22] =	ssyncadd.s32 $0xFFFFEC00  }
0xb7: {  	[tilespmem:s12], [sflag:$0x5] =	stream.indirect.gather [hbm4b:s4+s7], $0x40, s1, s7, $0xb8;
	[tilespmem:$0x15220] =	vst v63  }
0xb8: {  	_ =	swait.ge [sflag:s13], $0x1400  }
0xb9: {  	[sflag:s13] =	ssyncset.done $0x0  }
0xba: {  	s25 =	simm.s32 $0xEC90;
	[sflag:s13] =	ssyncadd.s32 $0xFFFFEC00  }
0xbb: {  	[spmem:s2] =	stream.indirect.scatter.add.f32 [tilespmem:s0], [sflag:$0x6], $0x40, s25, s7, $0xb8;
	[tilespmem:$0x15220] =	vst v63  }
0xbc: {  	_ =	swait.ge [sflag:s14], $0x1400  }
0xbd: {  	[sflag:s14] =	ssyncset.done $0x0  }
0xbe: {  	s26 =	simm.s32 $0xECE0;
	[sflag:s14] =	ssyncadd.s32 $0xFFFFEC00  }
0xbf: {  	[spmem:s2] =	stream.indirect.scatter.add.f32 [tilespmem:s9], [sflag:$0x7], $0x40, s26, s7, $0xb8;
	[tilespmem:$0x15220] =	vst v63  }
0xc0: {  	_ =	swait.ge [sflag:s15], $0x1400  }
0xc1: {  	[sflag:s15] =	ssyncset.done $0x0  }
0xc2: {  	s25 =	simm.s32 $0xED30;
	[sflag:s15] =	ssyncadd.s32 $0xFFFFEC00  }
0xc3: {  	[spmem:s2] =	stream.indirect.scatter.add.f32 [tilespmem:s10], [sflag:$0x8], $0x40, s25, s7, $0xb8;
	[tilespmem:$0x15220] =	vst v63  }
0xc4: {  	_ =	swait.ge [sflag:s16], $0x1400  }
0xc5: {  	[sflag:s16] =	ssyncset.done $0x0  }
0xc6: {  	s26 =	simm.s32 $0xED80;
	[sflag:s16] =	ssyncadd.s32 $0xFFFFEC00  }
0xc7: {  	[spmem:s2] =	stream.indirect.scatter.add.f32 [tilespmem:s11], [sflag:$0x9], $0x40, s26, s7, $0xb8;
	[tilespmem:$0x15220] =	vst v63  }
0xc8: {  	_ =	swait.ge [sflag:s17], $0x1400  }
0xc9: {  	[sflag:s17] =	ssyncset.done $0x0  }
0xca: {  	s25 =	simm.s32 $0xEDD0;
	[sflag:s17] =	ssyncadd.s32 $0xFFFFEC00  }
0xcb: {  	[spmem:s2] =	stream.indirect.scatter.add.f32 [tilespmem:s12], [sflag:$0xA], $0x40, s25, s7, $0xb8;
	[tilespmem:$0x15220] =	vst v63  }
0xcc: {  	_ =	swait.ge [sflag:s18], $0x1400  }
0xcd: {  	[sflag:s18] =	ssyncset.done $0x0  }
0xce: {  	[sflag:s18] =	ssyncadd.s32 $0xFFFFEC00  }
0xcf: {  	_ =	swait.ge [sflag:s19], $0x1400  }
0xd0: {  	[sflag:s19] =	ssyncset.done $0x0  }
0xd1: {  	[sflag:s19] =	ssyncadd.s32 $0xFFFFEC00  }
0xd2: {  	_ =	swait.ge [sflag:s20], $0x1400  }
0xd3: {  	[sflag:s20] =	ssyncset.done $0x0  }
0xd4: {  	[sflag:s20] =	ssyncadd.s32 $0xFFFFEC00  }
0xd5: {  	_ =	swait.ge [sflag:s21], $0x1400  }
0xd6: {  	[sflag:s21] =	ssyncset.done $0x0  }
0xd7: {  	[sflag:s21] =	ssyncadd.s32 $0xFFFFEC00  }
0xd8: {  	_ =	swait.ge [sflag:s22], $0x1400  }
0xd9: {  	[sflag:s22] =	ssyncset.done $0x0  }
0xda: {  	[sflag:s22] =	ssyncadd.s32 $0xFFFFEC00  }
0xdb: {  	[bflag:$0x0] =	sbarrier.arrive $0xFFFF  }
0xdc: {  	[tilespmem:s0], [sflag:$0xD] =	stream.linear.gather [spmem:s8], $0x1400, $0x38;
	[tilespmem:$0x15220] =	vst v63  }
0xdd: {  	_ =	swait.ge [sflag:s23], $0x1400  }
0xde: {  	s1 =	simm.s32 $0xD;
	[sflag:s23] =	ssyncset.done $0x0  }
0xdf: {  	s1 =	simm.s32 @!p0 $0xC;
	s25 =	rddreg [dreg:$0x8];
	[sflag:s23] =	ssyncadd.s32 $0xFFFFEC00  }
0xe0: {  	[hbm4b:s25+s3] =	stream.linear.scatter [tilespmem:s0], [sflag:s1], $0x1400, $0x38;
	[tilespmem:$0x15220] =	vst v63  }
0xe1: {  	_ =	swait.ge [sflag:s1], $0x1400  }
0xe2: {  	[sflag:s1] =	ssyncset.done $0x0  }
0xe3: {  	s26 =	rddreg [dreg:$0x11];
	[sflag:s1] =	ssyncadd.s32 $0xFFFFEC00  }
0xe4: {  	[tilespmem:s0], [sflag:$0xD] =	stream.linear.gather [spmem:s26], $0x1400, $0x38;
	[tilespmem:$0x15220] =	vst v63  }
0xe5: {  	_ =	swait.ge [sflag:s23], $0x1400  }
0xe6: {  	[sflag:s23] =	ssyncset.done $0x0  }
0xe7: {  	s26 =	rddreg [dreg:$0x9];
	[sflag:s23] =	ssyncadd.s32 $0xFFFFEC00  }
0xe8: {  	[hbm4b:s26+s3] =	stream.linear.scatter [tilespmem:s0], [sflag:s1], $0x1400, $0x38;
	[tilespmem:$0x15220] =	vst v63  }
0xe9: {  	_ =	swait.ge [sflag:s1], $0x1400  }
0xea: {  	[sflag:s1] =	ssyncset.done $0x0  }
0xeb: {  	s26 =	rddreg [dreg:$0x12];
	[sflag:s1] =	ssyncadd.s32 $0xFFFFEC00  }
0xec: {  	[tilespmem:s0], [sflag:$0xD] =	stream.linear.gather [spmem:s26], $0x1400, $0x38;
	[tilespmem:$0x15220] =	vst v63  }
0xed: {  	_ =	swait.ge [sflag:s23], $0x1400  }
0xee: {  	[sflag:s23] =	ssyncset.done $0x0  }
0xef: {  	s26 =	rddreg [dreg:$0xa];
	[sflag:s23] =	ssyncadd.s32 $0xFFFFEC00  }
0xf0: {  	[hbm4b:s26+s3] =	stream.linear.scatter [tilespmem:s0], [sflag:s1], $0x1400, $0x38;
	[tilespmem:$0x15220] =	vst v63  }
0xf1: {  	_ =	swait.ge [sflag:s1], $0x1400  }
0xf2: {  	[sflag:s1] =	ssyncset.done $0x0  }
0xf3: {  	s26 =	rddreg [dreg:$0x13];
	[sflag:s1] =	ssyncadd.s32 $0xFFFFEC00  }
0xf4: {  	[tilespmem:s0], [sflag:$0xD] =	stream.linear.gather [spmem:s26], $0x1400, $0x38;
	[tilespmem:$0x15220] =	vst v63  }
0xf5: {  	_ =	swait.ge [sflag:s23], $0x1400  }
0xf6: {  	[sflag:s23] =	ssyncset.done $0x0  }
0xf7: {  	s26 =	rddreg [dreg:$0xb];
	[sflag:s23] =	ssyncadd.s32 $0xFFFFEC00  }
0xf8: {  	[hbm4b:s26+s3] =	stream.linear.scatter [tilespmem:s0], [sflag:s1], $0x1400, $0x38;
	[tilespmem:$0x15220] =	vst v63  }
0xf9: {  	_ =	swait.ge [sflag:s1], $0x1400  }
0xfa: {  	[sflag:s1] =	ssyncset.done $0x0  }
0xfb: {  	s26 =	rddreg [dreg:$0x14];
	[sflag:s1] =	ssyncadd.s32 $0xFFFFEC00  }
0xfc: {  	[tilespmem:s0], [sflag:$0xD] =	stream.linear.gather [spmem:s26], $0x1400, $0x38;
	[tilespmem:$0x15220] =	vst v63  }
0xfd: {  	_ =	swait.ge [sflag:s23], $0x1400  }
0xfe: {  	[sflag:s23] =	ssyncset.done $0x0  }
0xff: {  	s26 =	rddreg [dreg:$0xc];
	[sflag:s23] =	ssyncadd.s32 $0xFFFFEC00  }
0x100: {  	[hbm4b:s26+s3] =	stream.linear.scatter [tilespmem:s0], [sflag:s1], $0x1400, $0x38;
	[tilespmem:$0x15220] =	vst v63  }
0x101: {  	_ =	swait.ge [sflag:s1], $0x1400  }
0x102: {  	[sflag:s1] =	ssyncset.done $0x0  }
0x103: {  	s26 =	rddreg [dreg:$0x15];
	[sflag:s1] =	ssyncadd.s32 $0xFFFFEC00  }
0x104: {  	[tilespmem:s0], [sflag:$0xD] =	stream.linear.gather [spmem:s26], $0x1400, $0x38;
	[tilespmem:$0x15220] =	vst v63  }
0x105: {  	_ =	swait.ge [sflag:s23], $0x1400  }
0x106: {  	[sflag:s23] =	ssyncset.done $0x0  }
0x107: {  	s26 =	rddreg [dreg:$0xd];
	[sflag:s23] =	ssyncadd.s32 $0xFFFFEC00  }
0x108: {  	[hbm4b:s26+s3] =	stream.linear.scatter [tilespmem:s0], [sflag:s1], $0x1400, $0x38;
	[tilespmem:$0x15220] =	vst v63  }
0x109: {  	_ =	swait.ge [sflag:s1], $0x1400  }
0x10a: {  	[sflag:s1] =	ssyncset.done $0x0  }
0x10b: {  	s26 =	rddreg [dreg:$0x16];
	[sflag:s1] =	ssyncadd.s32 $0xFFFFEC00  }
0x10c: {  	[tilespmem:s0], [sflag:$0xD] =	stream.linear.gather [spmem:s26], $0x1400, $0x38;
	[tilespmem:$0x15220] =	vst v63  }
0x10d: {  	_ =	swait.ge [sflag:s23], $0x1400  }
0x10e: {  	[sflag:s23] =	ssyncset.done $0x0  }
0x10f: {  	s26 =	rddreg [dreg:$0xe];
	[sflag:s23] =	ssyncadd.s32 $0xFFFFEC00  }
0x110: {  	[hbm4b:s26+s3] =	stream.linear.scatter [tilespmem:s0], [sflag:s1], $0x1400, $0x38;
	[tilespmem:$0x15220] =	vst v63  }
0x111: {  	_ =	swait.ge [sflag:s1], $0x1400  }
0x112: {  	[sflag:s1] =	ssyncset.done $0x0  }
0x113: {  	s26 =	rddreg [dreg:$0x17];
	[sflag:s1] =	ssyncadd.s32 $0xFFFFEC00  }
0x114: {  	[tilespmem:s0], [sflag:$0xD] =	stream.linear.gather [spmem:s26], $0x1400, $0x38;
	[tilespmem:$0x15220] =	vst v63  }
0x115: {  	_ =	swait.ge [sflag:s23], $0x1400  }
0x116: {  	[sflag:s23] =	ssyncset.done $0x0  }
0x117: {  	s26 =	rddreg [dreg:$0xf];
	[sflag:s23] =	ssyncadd.s32 $0xFFFFEC00  }
0x118: {  	[hbm4b:s26+s3] =	stream.linear.scatter [tilespmem:s0], [sflag:s1], $0x1400, $0x38;
	[tilespmem:$0x15220] =	vst v63  }
0x119: {  	_ =	swait.ge [sflag:s1], $0x1400  }
0x11a: {  	s24 =	sadd.s32 $0x1, s24;
	s26 =	rddreg [dreg:$0x6]  }
0x11b: {  	p1 =	sne.s32 s24, s26  }
.Ltmp2:
0x11c: {  	_ = 	snop;
	(pc) =	sbr.rel @p1 .LBB2_1-.Ltmp2, $3  }
0x11d: {  	_ =	sdelay $0x1  }
0x11e: {  	[sflag:s1] =	ssyncset.done $0x0  }
0x11f: {  	[sflag:s1] =	ssyncadd.s32 $0xFFFFEC00  }
0x120: {  	_ =	sfence.sel $0x180000  }
0x121: {  	[bflag:$0x0] =	sbarrier.arrive $0xFFFF  }
0x122: {  	_ =	strace $0x9000004A  }
0x123: {  	s0 =	stileid.u32;
	[bflag:$0x2] =	sbarrier.arrive $0xFFFF  }
0x124: {  	p0 =	sne.s32 s0, $0x0;
	s0 =	rddreg [dreg:$0x3]  }
0x125: {  	s0 =	sadd.s32 @!p0 $0x100000, s0  }
0x126: {  	[sflag:s0] =	ssyncadd.tile.s32 @!p0 $0x1;
	_ =	shalt  }
.Lfunc_end2:
_tile_overlayer_lowered:
.L_overlay_start_2:
0x127: {  	(tag) =	ssettag $0x2  }
0x128: {  	s0 =	rddreg [dreg:$0x0];
	s2 =	stileid.u32  }
0x129: {  	s1 =	rddreg [dreg:$0x1];
	p0 =	sne.s32 s2, $0x0  }
0x12a: {  	s3 =	rddreg [dreg:$0x2];
	[bflag:$0x3] =	sbarrier.arrive $0xFFFF;
	s2 =	simm.s32 @!p0 $0x1C0C  }
0x12b: {  	[timem:s3], [sflag:s2] =	dma.local @!p0 [hbm:s0], s1  }
0x12c: {  	s0 =	simm.s32 @!p0 $0xC  }
0x12d: {  	_ =	swait.ge @!p0 [sflag:s0], s1  }
0x12e: {  	s1 =	ssub.s32 @!p0 $0x0, s1;
	[sflag:s0] =	ssyncset.done @!p0 $0x0  }
0x12f: {  	[sflag:s0] =	ssyncadd.s32 @!p0 s1  }
0x130: {  	[bflag:$0x3] =	sbarrier.arrive $0xFFFF  }
0x131: {  	_ =	shalt  }

// kernel: kernel.15.cloned.1.call-start
scs
__scs_entry_jumppad:
0x0: {  	(pc) =	sbr.rel $0x88, $3  }
0x1: {  	(tag) =	ssettag $0x0;
	lr =	simm.s32 $0x1  }
0x2: {  	[smem:$0x3F9D] =	sst lr;
	_ =	strace $0xD0000000  }
0x3: {  	_ = 	snop  }
0x4: {  	_ = 	snop  }
0x5: {  	_ = 	snop  }
0x6: {  	_ = 	snop  }
0x7: {  	_ = 	snop  }
__scs_overlays_trampoline_lowered:
0x8: {  	[smem:$0x3FAC] =	sst s0  }
0x9: {  	[smem:$0x3FAD] =	sst s1  }
0xa: {  	[smem:$0x3FAE] =	sst s2  }
0xb: {  	[smem:$0x3FAF] =	sst s3  }
0xc: {  	[smem:$0x3FB0] =	sst s4  }
0xd: {  	[smem:$0x3FB1] =	sst s5  }
0xe: {  	[smem:$0x3FB2] =	sst s6  }
0xf: {  	[smem:$0x3FB3] =	sst s7  }
0x10: {  	[smem:$0x3FB4] =	sst s8  }
0x11: {  	[smem:$0x3FB5] =	sst s9;
	s0 =	simm.s32 @!p0 $0x0  }
0x12: {  	s1 =	sld [smem:$0x3F9B];
	s0 =	simm.s32 @p0 $0x1  }
0x13: {  	[smem:$0x3FB6] =	sst s0;
	s0 =	simm.s32 @!p1 $0x0  }
0x14: {  	s2 =	sld [smem:$0x3F9A];
	s0 =	simm.s32 @p1 $0x1  }
0x15: {  	[smem:$0x3FB7] =	sst s0;
	s0 =	simm.s32 @!p2 $0x0  }
0x16: {  	s3 =	sld [smem:$0x3FDB];
	s0 =	simm.s32 @p2 $0x1  }
0x17: {  	s4 =	simm.s32 $0x1BF5;
	[smem:$0x3FB9] =	sst s0  }
0x18: {  	s0 =	sld [smem:$0x3F9C];
	_ =	swait.ge [sflag:s4], $0x0  }
0x19: {  	s7 =	sld [smem:$0x3F9D]  }
0x1a: {  	s8 =	sadd.s32 $0xFFFFE003, lr  }
0x1b: {  	s9 =	sadd.s32 $0xFFFFFEF7, lr;
	s5 =	simm.s32 $0xFFFFFFFF;
	p2 =	slt.u32 s8, $0xFFFFF086  }
0x1c: {  	p1 =	slt.u32 s9, $0xF7A;
	s5 =	simm.s32 @!p2 $0x0  }
0x1d: {  	s5 =	simm.s32 @p1 $0x1;
	p0 =	seq.s32 s7, s2  }
0x1e: {  	s7 =	smul.u32 @!p0 $0xF7A, s2;
	p2 =	seq.s32 @!p0 s5, $0x0  }
0x1f: {  	s9 =	smul.u32 $0xF7A, s1;
	s8 =	simm.s32 @!p0 $0x1BF5;
	p2 =	por !p2, p0  }
0x20: {  	[sflag:s8] =	ssyncset.s32 @!p0 $0xFFFFF086;
	s6 =	sadd.s32 @!p0 s3, s7;
	s7 =	simm.s32 @!p0 $0x108  }
0x21: {  	s3 =	sadd.s32 s3, s9;
	s6 =	sadd.s32 @!p0 $0x88, s6;
	s7 =	simm.s32 @p2 $0x1082  }
0x22: {  	[simem:s7], [sflag:s8] =	dma.local @!p0 [hbm:s6], $0xF7A  }
0x23: {  	s9 =	sor.u32 $0xD0000000, s2;
	s6 =	simm.s32 $0x108;
	_ =	swait.ge @!p0 [sflag:s8], $0x0  }
0x24: {  	s3 =	sadd.s32 $0x88, s3;
	s6 =	simm.s32 @!p1 $0x1082;
	[sflag:s4] =	ssyncset.s32 $0xFFFFF086  }
0x25: {  	[simem:s6], [sflag:s4] =	dma.local [hbm:s3], $0xF7A  }
0x26: {  	[smem:$0x3F9D] =	sst s1;
	(tag) =	ssettag s2;
	_ =	strace s9  }
0x27: {  	s1 =	sld [smem:$0x3FAD]  }
0x28: {  	s2 =	sld [smem:$0x3FAE]  }
0x29: {  	s4 =	sld [smem:$0x3FB0]  }
0x2a: {  	p0 =	seq.s32 s5, $0x0;
	s5 =	sld [smem:$0x3FB1]  }
0x2b: {  	s6 =	sld [smem:$0x3FB2]  }
0x2c: {  	s7 =	sld [smem:$0x3FB3]  }
0x2d: {  	s3 =	simm.s32 $0x108;
	s8 =	sld [smem:$0x3FB4]  }
0x2e: {  	s3 =	simm.s32 @!p0 $0x1082;
	s9 =	sld [smem:$0x3FB5]  }
0x2f: {  	lr =	sadd.s32 s0, s3;
	s0 =	sld [smem:$0x3FAC]  }
0x30: {  	s3 =	sld [smem:$0x3FAF]  }
0x31: {  	[smem:$0x3FB8] =	sst s10  }
0x32: {  	s10 =	sld [smem:$0x3FB6];
	_ =	sdelay $0x3  }
0x33: {  	p0 =	seq.s32 s10, $0x1;
	s10 =	sld [smem:$0x3FB8];
	_ =	sdelay $0x3  }
0x34: {  	[smem:$0x3FB8] =	sst s10  }
0x35: {  	s10 =	sld [smem:$0x3FB7];
	_ =	sdelay $0x3  }
0x36: {  	p1 =	seq.s32 s10, $0x1;
	s10 =	sld [smem:$0x3FB8];
	_ =	sdelay $0x3  }
0x37: {  	[smem:$0x3FB8] =	sst s10  }
0x38: {  	s10 =	sld [smem:$0x3FB9]  }
0x39: {  	_ = 	snop;
	(pc) =	sbr.ind lr, $3  }
0x3a: {  	_ = 	snop  }
0x3b: {  	_ = 	snop  }
0x3c: {  	p2 =	seq.s32 s10, $0x1;
	s10 =	sld [smem:$0x3FB8]  }
0x3d: {  	_ =	shalt  }
0x3e: {  	_ =	shalt  }
0x3f: {  	_ =	shalt  }
0x40: {  	_ =	shalt  }
0x41: {  	_ =	shalt  }
0x42: {  	_ =	shalt  }
0x43: {  	_ =	shalt  }
0x44: {  	_ =	shalt  }
0x45: {  	_ =	shalt  }
0x46: {  	_ =	shalt  }
0x47: {  	_ =	shalt  }
0x48: {  	_ =	shalt  }
0x49: {  	_ =	shalt  }
0x4a: {  	_ =	shalt  }
0x4b: {  	_ =	shalt  }
0x4c: {  	_ =	shalt  }
0x4d: {  	_ =	shalt  }
0x4e: {  	_ =	shalt  }
0x4f: {  	_ =	shalt  }
0x50: {  	_ =	shalt  }
0x51: {  	_ =	shalt  }
0x52: {  	_ =	shalt  }
0x53: {  	_ =	shalt  }
0x54: {  	_ =	shalt  }
0x55: {  	_ =	shalt  }
0x56: {  	_ =	shalt  }
0x57: {  	_ =	shalt  }
0x58: {  	_ =	shalt  }
0x59: {  	_ =	shalt  }
0x5a: {  	_ =	shalt  }
0x5b: {  	_ =	shalt  }
0x5c: {  	_ =	shalt  }
0x5d: {  	_ =	shalt  }
0x5e: {  	_ =	shalt  }
0x5f: {  	_ =	shalt  }
0x60: {  	_ =	shalt  }
0x61: {  	_ =	shalt  }
0x62: {  	_ =	shalt  }
0x63: {  	_ =	shalt  }
0x64: {  	_ =	shalt  }
0x65: {  	_ =	shalt  }
0x66: {  	_ =	shalt  }
0x67: {  	_ =	shalt  }
0x68: {  	_ =	shalt  }
0x69: {  	_ =	shalt  }
0x6a: {  	_ =	shalt  }
0x6b: {  	_ =	shalt  }
0x6c: {  	_ =	shalt  }
0x6d: {  	_ =	shalt  }
0x6e: {  	_ =	shalt  }
0x6f: {  	_ =	shalt  }
0x70: {  	_ =	shalt  }
0x71: {  	_ =	shalt  }
0x72: {  	_ =	shalt  }
0x73: {  	_ =	shalt  }
0x74: {  	_ =	shalt  }
0x75: {  	_ =	shalt  }
0x76: {  	_ =	shalt  }
0x77: {  	_ =	shalt  }
0x78: {  	_ =	shalt  }
0x79: {  	_ =	shalt  }
0x7a: {  	_ =	shalt  }
0x7b: {  	_ =	shalt  }
0x7c: {  	_ =	shalt  }
0x7d: {  	_ =	shalt  }
0x7e: {  	_ =	shalt  }
0x7f: {  	_ =	shalt  }
0x80: {  	_ =	shalt  }
0x81: {  	_ =	shalt  }
0x82: {  	_ =	shalt  }
0x83: {  	_ =	shalt  }
0x84: {  	_ =	shalt  }
0x85: {  	_ =	shalt  }
0x86: {  	_ =	shalt  }
0x87: {  	_ =	shalt  }
.Lfunc_end0:
.L_simem_size_0:
called_computation.2_lowered:
.L_overlay_start_0:
0x88: {  	s2 =	sld [smem:$0x3FD9]  }
0x89: {  	s3 =	sld [smem:$0x3FFE];
	_ =	sdelay $0x1  }
0x8a: {  	s1 =	srdreg.scid  }
0x8b: {  	s0 =	sand.u32 $0x1, s1  }
0x8c: {  	s17 =	sshll.u32 s0, $0xA;
	s2 =	sadd.s32 s3, s2  }
0x8d: {  	s2 =	sadd.s32 s2, s17  }
0x8e: {  	[smem:$0x3FC4] =	sst s2  }
0x8f: {  	_ = 	snop  }
0x90: {  	s2 =	sld [smem:$0x3FD0];
	(tm) =	ssettm $0x1  }
0x91: {  	s18 =	sld [smem:$0x3FFB];
	_ =	sdelay $0x3  }
0x92: {  	_ =	strace s18  }
0x93: {  	s3 =	sld [smem:$0x3FFC];
	_ =	sdelay $0x3  }
0x94: {  	_ =	strace s3  }
0x95: {  	s3 =	sld [smem:$0x3FFD];
	_ =	sdelay $0x3  }
0x96: {  	_ =	strace s3  }
0x97: {  	_ =	strace $0x8FFFFFFF  }
0x98: {  	s19 =	sld [smem:$0x3FDB];
	_ =	sdelay $0x1  }
0x99: {  	s4 =	simm.s32 $_scs_section_size  }
0x9a: {  	s5 =	simm.s32 $_size__tile_overlayer_lowered;
	s6 =	simm.s32 $_tile_overlayer_lowered  }
0x9b: {  	s22 =	simm.s32 $0x1BFF;
	s21 =	sshll.u32 s6, $0x1;
	s3 =	sadd.s32 s4, s19  }
0x9c: {  	s7 =	simm.s32 $0x0;
	s20 =	sshll.u32 s5, $0x1;
	s5 =	sadd.s32 s21, s3  }
0x9d: {  	[timem:s7], [sflag:s22] =	dma.local [hbm:s5], s20  }
0x9e: {  	_ =	swait.ge [sflag:s22], s20  }
0x9f: {  	s4 =	ssub.s32 $0x0, s20;
	[sflag:s22] =	ssyncset.done $0x0  }
0xa0: {  	[sflag:s22] =	ssyncadd.s32 s4;
	_ =	sdelay $0x1  }
0xa1: {  	s23 =	simm.s32 $0x1B8B  }
0xa2: {  	_ =	swait.ge [sflag:s23], $0x1  }
0xa3: {  	[sflag:s23] =	ssyncset.done $0x0  }
0xa4: {  	s25 =	simm.s32 $0x1B8E;
	s24 =	sld [smem:$0x3FFE];
	[sflag:s23] =	ssyncadd.s32 $0xFFFFFFFF  }
0xa5: {  	s26 =	simm.s32 $execute0_lowered;
	[smem:$0x3FD2] =	sst s25  }
0xa6: {  	s5 =	sshll.u32 s26, $0x1;
	_ =	strace $0x8000004C;
	[dreg:$0x1] =	wrdreg $0xFFFFFFFF  }
0xa7: {  	s28 =	simm.s32 $_size_execute0_lowered;
	s3 =	sadd.s32 s3, s5;
	[dreg:$0x0] =	wrdreg $0x0  }
0xa8: {  	s5 =	sshll.u32 s28, $0x1;
	[dreg:$0x2] =	wrdreg s3  }
0xa9: {  	[dreg:$0x3] =	wrdreg s5  }
0xaa: {  	[dreg:$0x4] =	wrdreg $0xC0  }
0xab: {  	_ =	task [dreg:s7], $0x5FFFF  }
0xac: {  	[dreg:$0x1] =	wrdreg $0xFFFFFFFF  }
0xad: {  	[dreg:$0x0] =	wrdreg $0x60  }
0xae: {  	[dreg:$0x2] =	wrdreg s24  }
0xaf: {  	[dreg:$0x3] =	wrdreg s2  }
0xb0: {  	[dreg:$0x4] =	wrdreg $0x0  }
0xb1: {  	[dreg:$0x5] =	wrdreg $0x9  }
0xb2: {  	_ =	task.clear_ibuf [dreg:s7], $0x6FFFF;
	_ =	strace $0x9000004C  }
0xb3: {  	s29 =	simm.s32 $0x9;
	_ =	strace $0x8000004E  }
0xb4: {  	_ =	swait.ge [sflag:s29], $0x1  }
0xb5: {  	[sflag:s29] =	ssyncadd.s32 $0xFFFFFFFF  }
0xb6: {  	_ =	strace $0x9000004E  }
0xb7: {  	_ =	sfence  }
0xb8: {  	s30 =	sld [smem:$0x0];
	_ =	sdelay $0x2  }
0xb9: {  	s31 =	sshll.u32 s1, $0xD;
	s1 =	sshrl.u32 s1, $0x2  }
0xba: {  	s3 =	sand.u32 $0x4000, s31;
	s1 =	sadd.s32 s1, s30  }
0xbb: {  	s0 =	sor.u32 s3, s0;
	s1 =	sshll.u32 s1, $0x11  }
0xbc: {  	s0 =	sor.u32 s1, s0  }
0xbd: {  	s0 =	sadd.s32 $0x8F2B, s0  }
0xbe: {  	[sflag:s0] =	ssyncadd.remote.s32 $0x1  }
0xbf: {  	_ =	sfence.sel $0xFFFF  }
0xc0: {  	[dreg:$0x0] =	wrdreg $0xFFFFFFFF;
	(pc) =	sbr.abs _section_cstart, $3  }
0xc1: {  	[dreg:$0x1] =	wrdreg $0xFFFFFFFF  }
0xc2: {  	_ =	task.clear_ibuf [dreg:s7], $0x2FFFF;
	_ =	strace $0x9FFFFFFF  }
0xc3: {  	(tm) =	ssettm $0x7FFFFFFF  }
tec
execute0_lowered:
.L_overlay_start_1:
0x0: {  	(tag) =	ssettag $0x1  }
0x1: {  	s0 =	rddreg [dreg:$0x0]  }
0x2: {  	s1 =	rddreg [dreg:$0x1]  }
0x3: {  	s3 =	srdreg.scid;
	s10 =	stileid.u32  }
0x4: {  	s2 =	rddreg [dreg:$0x2];
	s28 =	simm.s32 $0xA000;
	s25 =	smul.u32 $0x28000, s10  }
0x5: {  	s5 =	sand.u32 $0x1, s3;
	s4 =	sshll.u32 s10, $0x1;
	s26 =	smul.u32 $0x280, s10  }
0x6: {  	s3 =	simm.s32 $0x0;
	s14 =	smul.u32 $0x1400, s10;
	s10 =	simm.s32 $0x11620  }
0x7: {  	s4 =	sor.u32 s5, s4;
	[smem:$0x7FF] =	sst s3;
	s7 =	ssub.s32 $0x2, s5  }
0x8: {  	p0 =	seq.s32 s5, $0x0;
	s6 =	smul.u32 $0x4E2, s4;
	_ =	strace $0x8000004D  }
0x9: {  	s4 =	sadd.s32 $0x35000, s0;
	s9 =	sshrl.u32 s7, $0x1;
	s13 =	sshrl.u32 s25, $0x2  }
0xa: {  	s16 =	sor.u32 $0x50, s26;
	s18 =	sadd.s32 $0xA0, s26;
	s19 =	sadd.s32 $0xF0, s26  }
0xb: {  	s11 =	sadd.s32 $0x140, s26;
	s24 =	sadd.s32 $0x190, s26;
	s25 =	sadd.s32 $0x1E0, s26  }
0xc: {  	s7 =	ssub.s32 s7, s9;
	s17 =	sshll.u32 s16, $0x6;
	s20 =	sshll.u32 s18, $0x3  }
0xd: {  	s21 =	sshll.u32 s19, $0x3;
	s23 =	sshll.u32 s11, $0x3;
	s8 =	sadd.s32 s6, s0  }
0xe: {  	s1 =	sadd.s32 s1, s6;
	s12 =	smax.u32 s7, $0x1;
	s6 =	simm.s32 $0x5D000  }
0xf: {  	s7 =	simm.s32 $0x50;
	s8 =	sadd.s32 $0x3200, s8;
	[dreg:$0x5] =	wrdreg s1  }
0x10: {  	[dreg:$0x6] =	wrdreg s12;
	s6 =	simm.s32 @!p0 $0x49000;
	s12 =	sshll.u32 s24, $0x3  }
0x11: {  	s1 =	sadd.s32 $0x230, s26;
	[dreg:$0x4] =	wrdreg s8;
	s8 =	sadd.s32 s13, s2  }
0x12: {  	s0 =	sadd.s32 s6, s0;
	s6 =	sshll.u32 s16, $0x3;
	s13 =	sshll.u32 s25, $0x3  }
0x13: {  	s16 =	sshll.u32 s18, $0x6;
	s18 =	sshll.u32 s11, $0x6;
	s11 =	simm.s32 $0x12A20  }
0x14: {  	s15 =	sadd.s32 $0x1400, s8;
	s5 =	sadd.s32 s0, s14;
	s6 =	sadd.s32 s0, s6  }
0x15: {  	s9 =	sadd.s32 s0, s20;
	s22 =	sadd.s32 s0, s21;
	[dreg:$0x7] =	wrdreg s15  }
0x16: {  	s12 =	sadd.s32 s0, s12;
	s26 =	sadd.s32 s0, s13;
	[dreg:$0x8] =	wrdreg s5  }
0x17: {  	s13 =	sshll.u32 s1, $0x3;
	s14 =	sadd.s32 $0x2800, s8;
	[dreg:$0x9] =	wrdreg s6  }
0x18: {  	s20 =	sadd.s32 s18, s2;
	s21 =	sshll.u32 s24, $0x6;
	[dreg:$0xa] =	wrdreg s9  }
0x19: {  	s1 =	sshll.u32 s1, $0x6;
	s29 =	sadd.s32 $0x6400, s8;
	[dreg:$0xb] =	wrdreg s22  }
0x1a: {  	s30 =	sadd.s32 $0x7800, s8;
	s31 =	sadd.s32 $0x8C00, s8;
	[dreg:$0xd] =	wrdreg s12  }
0x1b: {  	s18 =	simm.s32 $0x6;
	s9 =	sadd.s32 s0, s23;
	[dreg:$0xe] =	wrdreg s26  }
0x1c: {  	s0 =	sadd.s32 s0, s13;
	[dreg:$0x10] =	wrdreg s14;
	s15 =	sadd.s32 s17, s2  }
0x1d: {  	s17 =	sshll.u32 s19, $0x6;
	[dreg:$0x14] =	wrdreg s20;
	s22 =	sshll.u32 s25, $0x6  }
0x1e: {  	s24 =	sadd.s32 s1, s2;
	s25 =	sadd.s32 $0x3C00, s8;
	[dreg:$0xc] =	wrdreg s9  }
0x1f: {  	s26 =	sadd.s32 $0x5000, s8;
	s5 =	simm.s32 $0xC;
	[dreg:$0xf] =	wrdreg s0  }
0x20: {  	s6 =	simm.s32 $0xB;
	s12 =	simm.s32 $0x13E20;
	[dreg:$0x11] =	wrdreg s15  }
0x21: {  	s13 =	simm.s32 $0x1;
	s14 =	simm.s32 $0x2;
	[dreg:$0x17] =	wrdreg s24  }
0x22: {  	s20 =	simm.s32 $0x8;
	s0 =	sadd.s32 s16, s2;
	[dreg:$0x18] =	wrdreg s25  }
0x23: {  	s19 =	sadd.s32 s17, s2;
	s23 =	sadd.s32 s22, s2;
	[dreg:$0x19] =	wrdreg s26  }
0x24: {  	s9 =	simm.s32 $0x10220;
	s15 =	simm.s32 $0x3;
	s16 =	simm.s32 $0x4  }
0x25: {  	s17 =	simm.s32 $0x5;
	s22 =	simm.s32 $0xA;
	[dreg:$0x12] =	wrdreg s0  }
0x26: {  	s24 =	simm.s32 $0x0;
	[dreg:$0x13] =	wrdreg s19;
	s0 =	sadd.s32 s21, s2  }
0x27: {  	[dreg:$0x16] =	wrdreg s23;
	s19 =	simm.s32 $0x7;
	s21 =	simm.s32 $0x9  }
0x28: {  	v0 =	vimm.f32 $0.0e+00;
	s23 =	simm.s32 $0xD;
	[dreg:$0x15] =	wrdreg s0;
	s0 =	simm.s32 $0xEE20  }
.LBB2_1:
0x29: {  	s1 =	rddreg [dreg:$0x4]  }
0x2a: {  	[tilespmem:s28], [sflag:$0xB] =	stream.linear.gather [hbm4b:s1+s3], $0x2710, $0x38;
	[tilespmem:$0x15220] =	vst v63  }
0x2b: {  	s25 =	simm.s32 $0xC710;
	s26 =	sand.u32 $0x7F00, s3;
	s28 =	rddreg [dreg:$0x5]  }
0x2c: {  	[tilespmem:s25], [sflag:$0xB] =	stream.linear.gather [hbm4b:s28+s3], $0x2710, $0x38;
	[tilespmem:$0x15220] =	vst v63  }
0x2d: {  	s26 =	sshrl.u32 s26, $0x2;
	s28 =	sand.u32 $0x30, s3  }
0x2e: {  	s1 =	simm.s32 $0x40;
	s25 =	simm.s32 $0x0;
	s26 =	sor.u32 s28, s26  }
.LBB2_2:
0x2f: {  	p1 =	sne.s32 s1, $0x4FC0  }
0x30: {  	[tilespmem:s26+$0xEE20] =	vst v0;
	s25 =	sadd.s32 $0x10, s25;
	s26 =	smov.u32 s1;
	s1 =	sadd.s32 $0x40, s1  }
.Ltmp0:
0x31: {  	(pc) =	sbr.rel @p1 .LBB2_2-.Ltmp0, $4  }
0x32: {  	_ = 	snop  }
0x33: {  	s26 =	sand.u32 $0x7F00, s26  }
0x34: {  	s28 =	sand.u32 $0x30, s25;
	s26 =	sshrl.u32 s26, $0x2  }
0x35: {  	s26 =	sor.u32 s28, s26  }
0x36: {  	[tilespmem:s26+$0xEE20] =	vst v0  }
0x37: {  	[spmem:s8] =	stream.linear.scatter [tilespmem:s0], [sflag:$0xC], $0x1400, $0x38;
	[tilespmem:$0x15220] =	vst v63  }
0x38: {  	_ =	swait.ge [sflag:s5], $0x1400  }
0x39: {  	[sflag:s5] =	ssyncset.done $0x0  }
0x3a: {  	s1 =	rddreg [dreg:$0x7];
	[sflag:s5] =	ssyncadd.s32 $0xFFFFEC00  }
0x3b: {  	[spmem:s1] =	stream.linear.scatter [tilespmem:s0], [sflag:$0xC], $0x1400, $0x38;
	[tilespmem:$0x15220] =	vst v63  }
0x3c: {  	_ =	swait.ge [sflag:s5], $0x1400  }
0x3d: {  	[sflag:s5] =	ssyncset.done $0x0  }
0x3e: {  	s25 =	rddreg [dreg:$0x10];
	[sflag:s5] =	ssyncadd.s32 $0xFFFFEC00  }
0x3f: {  	[spmem:s25] =	stream.linear.scatter [tilespmem:s0], [sflag:$0xC], $0x1400, $0x38;
	[tilespmem:$0x15220] =	vst v63  }
0x40: {  	_ =	swait.ge [sflag:s5], $0x1400  }
0x41: {  	[sflag:s5] =	ssyncset.done $0x0  }
0x42: {  	s26 =	rddreg [dreg:$0x18];
	[sflag:s5] =	ssyncadd.s32 $0xFFFFEC00  }
0x43: {  	[spmem:s26] =	stream.linear.scatter [tilespmem:s0], [sflag:$0xC], $0x1400, $0x38;
	[tilespmem:$0x15220] =	vst v63  }
0x44: {  	_ =	swait.ge [sflag:s5], $0x1400  }
0x45: {  	[sflag:s5] =	ssyncset.done $0x0  }
0x46: {  	s25 =	rddreg [dreg:$0x19];
	[sflag:s5] =	ssyncadd.s32 $0xFFFFEC00  }
0x47: {  	[spmem:s25] =	stream.linear.scatter [tilespmem:s0], [sflag:$0xC], $0x1400, $0x38;
	[tilespmem:$0x15220] =	vst v63  }
0x48: {  	_ =	swait.ge [sflag:s5], $0x1400  }
0x49: {  	[sflag:s5] =	ssyncset.done $0x0  }
0x4a: {  	[sflag:s5] =	ssyncadd.s32 $0xFFFFEC00  }
0x4b: {  	[spmem:s29] =	stream.linear.scatter [tilespmem:s0], [sflag:$0xC], $0x1400, $0x38;
	[tilespmem:$0x15220] =	vst v63  }
0x4c: {  	_ =	swait.ge [sflag:s5], $0x1400  }
0x4d: {  	[sflag:s5] =	ssyncset.done $0x0  }
0x4e: {  	[sflag:s5] =	ssyncadd.s32 $0xFFFFEC00  }
0x4f: {  	[spmem:s30] =	stream.linear.scatter [tilespmem:s0], [sflag:$0xC], $0x1400, $0x38;
	[tilespmem:$0x15220] =	vst v63  }
0x50: {  	_ =	swait.ge [sflag:s5], $0x1400  }
0x51: {  	[sflag:s5] =	ssyncset.done $0x0  }
0x52: {  	[sflag:s5] =	ssyncadd.s32 $0xFFFFEC00  }
0x53: {  	[spmem:s31] =	stream.linear.scatter [tilespmem:s0], [sflag:$0xC], $0x1400, $0x38;
	[tilespmem:$0x15220] =	vst v63  }
0x54: {  	_ =	swait.ge [sflag:s5], $0x1400  }
0x55: {  	[sflag:s5] =	ssyncset.done $0x0  }
0x56: {  	[sflag:s5] =	ssyncadd.s32 $0xFFFFEC00  }
0x57: {  	_ =	swait.ge [sflag:s6], $0x2710  }
0x58: {  	[sflag:s6] =	ssyncset.done $0x0  }
0x59: {  	[sflag:s6] =	ssyncadd.s32 $0xFFFFD8F0  }
0x5a: {  	_ =	swait.ge [sflag:s6], $0x2710  }
0x5b: {  	[sflag:s6] =	ssyncset.done $0x0  }
0x5c: {  	[sflag:s6] =	ssyncadd.s32 $0xFFFFD8F0  }
0x5d: {  	s28 =	simm.s32 $0xA000;
	[bflag:$0x0] =	sbarrier.arrive $0xFFFF  }
0x5e: {  	[tilespmem:s0], [sflag:$0x1] =	stream.indirect.gather [hbm4b:s4+s7], $0x40, s28, s7, $0xb8;
	[tilespmem:$0x15220] =	vst v63  }
0x5f: {  	s26 =	simm.s32 $0xA050  }
0x60: {  	[tilespmem:s9], [sflag:$0x2] =	stream.indirect.gather [hbm4b:s4+s7], $0x40, s26, s7, $0xb8;
	[tilespmem:$0x15220] =	vst v63  }
0x61: {  	s25 =	simm.s32 $0xA0A0  }
0x62: {  	[tilespmem:s10], [sflag:$0x3] =	stream.indirect.gather [hbm4b:s4+s7], $0x40, s25, s7, $0xb8;
	[tilespmem:$0x15220] =	vst v63  }
0x63: {  	s26 =	simm.s32 $0xA0F0  }
0x64: {  	[tilespmem:s11], [sflag:$0x4] =	stream.indirect.gather [hbm4b:s4+s7], $0x40, s26, s7, $0xb8;
	[tilespmem:$0x15220] =	vst v63  }
0x65: {  	s25 =	simm.s32 $0xA140  }
0x66: {  	[tilespmem:s12], [sflag:$0x5] =	stream.indirect.gather [hbm4b:s4+s7], $0x40, s25, s7, $0xb8;
	[tilespmem:$0x15220] =	vst v63  }
0x67: {  	_ =	swait.ge [sflag:s13], $0x1400  }
0x68: {  	[sflag:s13] =	ssyncset.done $0x0  }
0x69: {  	s26 =	simm.s32 $0xC710;
	[sflag:s13] =	ssyncadd.s32 $0xFFFFEC00  }
0x6a: {  	[spmem:s2] =	stream.indirect.scatter.add.f32 [tilespmem:s0], [sflag:$0x6], $0x40, s26, s7, $0xb8;
	[tilespmem:$0x15220] =	vst v63  }
0x6b: {  	_ =	swait.ge [sflag:s14], $0x1400  }
0x6c: {  	[sflag:s14] =	ssyncset.done $0x0  }
0x6d: {  	s25 =	simm.s32 $0xC760;
	[sflag:s14] =	ssyncadd.s32 $0xFFFFEC00  }
0x6e: {  	[spmem:s2] =	stream.indirect.scatter.add.f32 [tilespmem:s9], [sflag:$0x7], $0x40, s25, s7, $0xb8;
	[tilespmem:$0x15220] =	vst v63  }
0x6f: {  	_ =	swait.ge [sflag:s15], $0x1400  }
0x70: {  	[sflag:s15] =	ssyncset.done $0x0  }
0x71: {  	s26 =	simm.s32 $0xC7B0;
	[sflag:s15] =	ssyncadd.s32 $0xFFFFEC00  }
0x72: {  	[spmem:s2] =	stream.indirect.scatter.add.f32 [tilespmem:s10], [sflag:$0x8], $0x40, s26, s7, $0xb8;
	[tilespmem:$0x15220] =	vst v63  }
0x73: {  	_ =	swait.ge [sflag:s16], $0x1400  }
0x74: {  	[sflag:s16] =	ssyncset.done $0x0  }
0x75: {  	s25 =	simm.s32 $0xC800;
	[sflag:s16] =	ssyncadd.s32 $0xFFFFEC00  }
0x76: {  	[spmem:s2] =	stream.indirect.scatter.add.f32 [tilespmem:s11], [sflag:$0x9], $0x40, s25, s7, $0xb8;
	[tilespmem:$0x15220] =	vst v63  }
0x77: {  	_ =	swait.ge [sflag:s17], $0x1400  }
0x78: {  	[sflag:s17] =	ssyncset.done $0x0  }
0x79: {  	s26 =	simm.s32 $0xC850;
	[sflag:s17] =	ssyncadd.s32 $0xFFFFEC00  }
0x7a: {  	[spmem:s2] =	stream.indirect.scatter.add.f32 [tilespmem:s12], [sflag:$0xA], $0x40, s26, s7, $0xb8;
	[tilespmem:$0x15220] =	vst v63  }
0x7b: {  	_ =	swait.ge [sflag:s18], $0x1400  }
0x7c: {  	[sflag:s18] =	ssyncset.done $0x0  }
0x7d: {  	s25 =	simm.s32 $0xA190;
	[sflag:s18] =	ssyncadd.s32 $0xFFFFEC00  }
0x7e: {  	[tilespmem:s0], [sflag:$0x1] =	stream.indirect.gather [hbm4b:s4+s7], $0x40, s25, s7, $0xb8;
	[tilespmem:$0x15220] =	vst v63  }
0x7f: {  	_ =	swait.ge [sflag:s19], $0x1400  }
0x80: {  	[sflag:s19] =	ssyncset.done $0x0  }
0x81: {  	s26 =	simm.s32 $0xA1E0;
	[sflag:s19] =	ssyncadd.s32 $0xFFFFEC00  }
0x82: {  	[tilespmem:s9], [sflag:$0x2] =	stream.indirect.gather [hbm4b:s4+s7], $0x40, s26, s7, $0xb8;
	[tilespmem:$0x15220] =	vst v63  }
0x83: {  	_ =	swait.ge [sflag:s20], $0x1400  }
0x84: {  	[sflag:s20] =	ssyncset.done $0x0  }
0x85: {  	s25 =	simm.s32 $0xA230;
	[sflag:s20] =	ssyncadd.s32 $0xFFFFEC00  }
0x86: {  	[tilespmem:s10], [sflag:$0x3] =	stream.indirect.gather [hbm4b:s4+s7], $0x40, s25, s7, $0xb8;
	[tilespmem:$0x15220] =	vst v63  }
0x87: {  	_ =	swait.ge [sflag:s21], $0x1400  }
0x88: {  	[sflag:s21] =	ssyncset.done $0x0  }
0x89: {  	s26 =	simm.s32 $0xA280;
	[sflag:s21] =	ssyncadd.s32 $0xFFFFEC00  }
0x8a: {  	[tilespmem:s11], [sflag:$0x4] =	stream.indirect.gather [hbm4b:s4+s7], $0x40, s26, s7, $0xb8;
	[tilespmem:$0x15220] =	vst v63  }
0x8b: {  	_ =	swait.ge [sflag:s22], $0x1400  }
0x8c: {  	[sflag:s22] =	ssyncset.done $0x0  }
0x8d: {  	s1 =	simm.s32 $0xA2D0;
	s25 =	simm.s32 $0x640;
	[sflag:s22] =	ssyncadd.s32 $0xFFFFEC00  }
.LBB2_4:
0x8e: {  	[tilespmem:s12], [sflag:$0x5] =	stream.indirect.gather [hbm4b:s4+s7], $0x40, s1, s7, $0xb8;
	[tilespmem:$0x15220] =	vst v63  }
0x8f: {  	s1 =	smov.u32 s25  }
0x90: {  	p1 =	sne.s32 s25, $0x8FC0;
	s25 =	sadd.s32 $0x640, s25;
	_ =	swait.ge [sflag:s13], $0x1400  }
0x91: {  	s1 =	sshra.s32 s1, $0x2;
	[sflag:s13] =	ssyncset.done $0x0  }
0x92: {  	s26 =	sadd.s32 $0xC710, s1;
	[sflag:s13] =	ssyncadd.s32 $0xFFFFEC00  }
0x93: {  	[spmem:s2] =	stream.indirect.scatter.add.f32 [tilespmem:s0], [sflag:$0x6], $0x40, s26, s7, $0xb8;
	[tilespmem:$0x15220] =	vst v63  }
0x94: {  	_ =	swait.ge [sflag:s14], $0x1400  }
0x95: {  	[sflag:s14] =	ssyncset.done $0x0  }
0x96: {  	s26 =	sadd.s32 $0xC760, s1;
	[sflag:s14] =	ssyncadd.s32 $0xFFFFEC00  }
0x97: {  	[spmem:s2] =	stream.indirect.scatter.add.f32 [tilespmem:s9], [sflag:$0x7], $0x40, s26, s7, $0xb8;
	[tilespmem:$0x15220] =	vst v63  }
0x98: {  	_ =	swait.ge [sflag:s15], $0x1400  }
0x99: {  	[sflag:s15] =	ssyncset.done $0x0  }
0x9a: {  	s26 =	sadd.s32 $0xC7B0, s1;
	[sflag:s15] =	ssyncadd.s32 $0xFFFFEC00  }
0x9b: {  	[spmem:s2] =	stream.indirect.scatter.add.f32 [tilespmem:s10], [sflag:$0x8], $0x40, s26, s7, $0xb8;
	[tilespmem:$0x15220] =	vst v63  }
0x9c: {  	_ =	swait.ge [sflag:s16], $0x1400  }
0x9d: {  	[sflag:s16] =	ssyncset.done $0x0  }
0x9e: {  	s26 =	sadd.s32 $0xC800, s1;
	[sflag:s16] =	ssyncadd.s32 $0xFFFFEC00  }
0x9f: {  	[spmem:s2] =	stream.indirect.scatter.add.f32 [tilespmem:s11], [sflag:$0x9], $0x40, s26, s7, $0xb8;
	[tilespmem:$0x15220] =	vst v63  }
0xa0: {  	_ =	swait.ge [sflag:s17], $0x1400  }
0xa1: {  	[sflag:s17] =	ssyncset.done $0x0  }
0xa2: {  	s26 =	sadd.s32 $0xC850, s1;
	[sflag:s17] =	ssyncadd.s32 $0xFFFFEC00  }
0xa3: {  	[spmem:s2] =	stream.indirect.scatter.add.f32 [tilespmem:s12], [sflag:$0xA], $0x40, s26, s7, $0xb8;
	[tilespmem:$0x15220] =	vst v63  }
0xa4: {  	_ =	swait.ge [sflag:s18], $0x1400  }
0xa5: {  	[sflag:s18] =	ssyncset.done $0x0  }
0xa6: {  	s26 =	sadd.s32 $0xA190, s1;
	[sflag:s18] =	ssyncadd.s32 $0xFFFFEC00  }
0xa7: {  	[tilespmem:s0], [sflag:$0x1] =	stream.indirect.gather [hbm4b:s4+s7], $0x40, s26, s7, $0xb8;
	[tilespmem:$0x15220] =	vst v63  }
0xa8: {  	_ =	swait.ge [sflag:s19], $0x1400  }
0xa9: {  	[sflag:s19] =	ssyncset.done $0x0  }
0xaa: {  	s26 =	sadd.s32 $0xA1E0, s1;
	[sflag:s19] =	ssyncadd.s32 $0xFFFFEC00  }
0xab: {  	[tilespmem:s9], [sflag:$0x2] =	stream.indirect.gather [hbm4b:s4+s7], $0x40, s26, s7, $0xb8;
	[tilespmem:$0x15220] =	vst v63  }
0xac: {  	_ =	swait.ge [sflag:s20], $0x1400  }
0xad: {  	[sflag:s20] =	ssyncset.done $0x0  }
0xae: {  	s26 =	sadd.s32 $0xA230, s1;
	[sflag:s20] =	ssyncadd.s32 $0xFFFFEC00  }
0xaf: {  	[tilespmem:s10], [sflag:$0x3] =	stream.indirect.gather [hbm4b:s4+s7], $0x40, s26, s7, $0xb8;
	[tilespmem:$0x15220] =	vst v63  }
0xb0: {  	_ =	swait.ge [sflag:s21], $0x1400  }
0xb1: {  	[sflag:s21] =	ssyncset.done $0x0  }
.Ltmp1:
0xb2: {  	s26 =	sadd.s32 $0xA280, s1;
	[sflag:s21] =	ssyncadd.s32 $0xFFFFEC00;
	(pc) =	sbr.rel @p1 .LBB2_4-.Ltmp1, $4  }
0xb3: {  	[tilespmem:s11], [sflag:$0x4] =	stream.indirect.gather [hbm4b:s4+s7], $0x40, s26, s7, $0xb8;
	[tilespmem:$0x15220] =	vst v63  }
0xb4: {  	_ =	swait.ge [sflag:s22], $0x1400  }
0xb5: {  	[sflag:s22] =	ssyncset.done $0x0  }
0xb6: {  	s1 =	sadd.s32 $0xA2D0, s1;
	[sflag:s22] =	ssyncadd.s32 $0xFFFFEC00  }
0xb7: {  	[tilespmem:s12], [sflag:$0x5] =	stream.indirect.gather [hbm4b:s4+s7], $0x40, s1, s7, $0xb8;
	[tilespmem:$0x15220] =	vst v63  }
0xb8: {  	_ =	swait.ge [sflag:s13], $0x1400  }
0xb9: {  	[sflag:s13] =	ssyncset.done $0x0  }
0xba: {  	s25 =	simm.s32 $0xEC90;
	[sflag:s13] =	ssyncadd.s32 $0xFFFFEC00  }
0xbb: {  	[spmem:s2] =	stream.indirect.scatter.add.f32 [tilespmem:s0], [sflag:$0x6], $0x40, s25, s7, $0xb8;
	[tilespmem:$0x15220] =	vst v63  }
0xbc: {  	_ =	swait.ge [sflag:s14], $0x1400  }
0xbd: {  	[sflag:s14] =	ssyncset.done $0x0  }
0xbe: {  	s26 =	simm.s32 $0xECE0;
	[sflag:s14] =	ssyncadd.s32 $0xFFFFEC00  }
0xbf: {  	[spmem:s2] =	stream.indirect.scatter.add.f32 [tilespmem:s9], [sflag:$0x7], $0x40, s26, s7, $0xb8;
	[tilespmem:$0x15220] =	vst v63  }
0xc0: {  	_ =	swait.ge [sflag:s15], $0x1400  }
0xc1: {  	[sflag:s15] =	ssyncset.done $0x0  }
0xc2: {  	s25 =	simm.s32 $0xED30;
	[sflag:s15] =	ssyncadd.s32 $0xFFFFEC00  }
0xc3: {  	[spmem:s2] =	stream.indirect.scatter.add.f32 [tilespmem:s10], [sflag:$0x8], $0x40, s25, s7, $0xb8;
	[tilespmem:$0x15220] =	vst v63  }
0xc4: {  	_ =	swait.ge [sflag:s16], $0x1400  }
0xc5: {  	[sflag:s16] =	ssyncset.done $0x0  }
0xc6: {  	s26 =	simm.s32 $0xED80;
	[sflag:s16] =	ssyncadd.s32 $0xFFFFEC00  }
0xc7: {  	[spmem:s2] =	stream.indirect.scatter.add.f32 [tilespmem:s11], [sflag:$0x9], $0x40, s26, s7, $0xb8;
	[tilespmem:$0x15220] =	vst v63  }
0xc8: {  	_ =	swait.ge [sflag:s17], $0x1400  }
0xc9: {  	[sflag:s17] =	ssyncset.done $0x0  }
0xca: {  	s25 =	simm.s32 $0xEDD0;
	[sflag:s17] =	ssyncadd.s32 $0xFFFFEC00  }
0xcb: {  	[spmem:s2] =	stream.indirect.scatter.add.f32 [tilespmem:s12], [sflag:$0xA], $0x40, s25, s7, $0xb8;
	[tilespmem:$0x15220] =	vst v63  }
0xcc: {  	_ =	swait.ge [sflag:s18], $0x1400  }
0xcd: {  	[sflag:s18] =	ssyncset.done $0x0  }
0xce: {  	[sflag:s18] =	ssyncadd.s32 $0xFFFFEC00  }
0xcf: {  	_ =	swait.ge [sflag:s19], $0x1400  }
0xd0: {  	[sflag:s19] =	ssyncset.done $0x0  }
0xd1: {  	[sflag:s19] =	ssyncadd.s32 $0xFFFFEC00  }
0xd2: {  	_ =	swait.ge [sflag:s20], $0x1400  }
0xd3: {  	[sflag:s20] =	ssyncset.done $0x0  }
0xd4: {  	[sflag:s20] =	ssyncadd.s32 $0xFFFFEC00  }
0xd5: {  	_ =	swait.ge [sflag:s21], $0x1400  }
0xd6: {  	[sflag:s21] =	ssyncset.done $0x0  }
0xd7: {  	[sflag:s21] =	ssyncadd.s32 $0xFFFFEC00  }
0xd8: {  	_ =	swait.ge [sflag:s22], $0x1400  }
0xd9: {  	[sflag:s22] =	ssyncset.done $0x0  }
0xda: {  	[sflag:s22] =	ssyncadd.s32 $0xFFFFEC00  }
0xdb: {  	[bflag:$0x0] =	sbarrier.arrive $0xFFFF  }
0xdc: {  	[tilespmem:s0], [sflag:$0xD] =	stream.linear.gather [spmem:s8], $0x1400, $0x38;
	[tilespmem:$0x15220] =	vst v63  }
0xdd: {  	_ =	swait.ge [sflag:s23], $0x1400  }
0xde: {  	s1 =	simm.s32 $0xD;
	[sflag:s23] =	ssyncset.done $0x0  }
0xdf: {  	s1 =	simm.s32 @!p0 $0xC;
	s25 =	rddreg [dreg:$0x8];
	[sflag:s23] =	ssyncadd.s32 $0xFFFFEC00  }
0xe0: {  	[hbm4b:s25+s3] =	stream.linear.scatter [tilespmem:s0], [sflag:s1], $0x1400, $0x38;
	[tilespmem:$0x15220] =	vst v63  }
0xe1: {  	_ =	swait.ge [sflag:s1], $0x1400  }
0xe2: {  	[sflag:s1] =	ssyncset.done $0x0  }
0xe3: {  	s26 =	rddreg [dreg:$0x11];
	[sflag:s1] =	ssyncadd.s32 $0xFFFFEC00  }
0xe4: {  	[tilespmem:s0], [sflag:$0xD] =	stream.linear.gather [spmem:s26], $0x1400, $0x38;
	[tilespmem:$0x15220] =	vst v63  }
0xe5: {  	_ =	swait.ge [sflag:s23], $0x1400  }
0xe6: {  	[sflag:s23] =	ssyncset.done $0x0  }
0xe7: {  	s26 =	rddreg [dreg:$0x9];
	[sflag:s23] =	ssyncadd.s32 $0xFFFFEC00  }
0xe8: {  	[hbm4b:s26+s3] =	stream.linear.scatter [tilespmem:s0], [sflag:s1], $0x1400, $0x38;
	[tilespmem:$0x15220] =	vst v63  }
0xe9: {  	_ =	swait.ge [sflag:s1], $0x1400  }
0xea: {  	[sflag:s1] =	ssyncset.done $0x0  }
0xeb: {  	s26 =	rddreg [dreg:$0x12];
	[sflag:s1] =	ssyncadd.s32 $0xFFFFEC00  }
0xec: {  	[tilespmem:s0], [sflag:$0xD] =	stream.linear.gather [spmem:s26], $0x1400, $0x38;
	[tilespmem:$0x15220] =	vst v63  }
0xed: {  	_ =	swait.ge [sflag:s23], $0x1400  }
0xee: {  	[sflag:s23] =	ssyncset.done $0x0  }
0xef: {  	s26 =	rddreg [dreg:$0xa];
	[sflag:s23] =	ssyncadd.s32 $0xFFFFEC00  }
0xf0: {  	[hbm4b:s26+s3] =	stream.linear.scatter [tilespmem:s0], [sflag:s1], $0x1400, $0x38;
	[tilespmem:$0x15220] =	vst v63  }
0xf1: {  	_ =	swait.ge [sflag:s1], $0x1400  }
0xf2: {  	[sflag:s1] =	ssyncset.done $0x0  }
0xf3: {  	s26 =	rddreg [dreg:$0x13];
	[sflag:s1] =	ssyncadd.s32 $0xFFFFEC00  }
0xf4: {  	[tilespmem:s0], [sflag:$0xD] =	stream.linear.gather [spmem:s26], $0x1400, $0x38;
	[tilespmem:$0x15220] =	vst v63  }
0xf5: {  	_ =	swait.ge [sflag:s23], $0x1400  }
0xf6: {  	[sflag:s23] =	ssyncset.done $0x0  }
0xf7: {  	s26 =	rddreg [dreg:$0xb];
	[sflag:s23] =	ssyncadd.s32 $0xFFFFEC00  }
0xf8: {  	[hbm4b:s26+s3] =	stream.linear.scatter [tilespmem:s0], [sflag:s1], $0x1400, $0x38;
	[tilespmem:$0x15220] =	vst v63  }
0xf9: {  	_ =	swait.ge [sflag:s1], $0x1400  }
0xfa: {  	[sflag:s1] =	ssyncset.done $0x0  }
0xfb: {  	s26 =	rddreg [dreg:$0x14];
	[sflag:s1] =	ssyncadd.s32 $0xFFFFEC00  }
0xfc: {  	[tilespmem:s0], [sflag:$0xD] =	stream.linear.gather [spmem:s26], $0x1400, $0x38;
	[tilespmem:$0x15220] =	vst v63  }
0xfd: {  	_ =	swait.ge [sflag:s23], $0x1400  }
0xfe: {  	[sflag:s23] =	ssyncset.done $0x0  }
0xff: {  	s26 =	rddreg [dreg:$0xc];
	[sflag:s23] =	ssyncadd.s32 $0xFFFFEC00  }
0x100: {  	[hbm4b:s26+s3] =	stream.linear.scatter [tilespmem:s0], [sflag:s1], $0x1400, $0x38;
	[tilespmem:$0x15220] =	vst v63  }
0x101: {  	_ =	swait.ge [sflag:s1], $0x1400  }
0x102: {  	[sflag:s1] =	ssyncset.done $0x0  }
0x103: {  	s26 =	rddreg [dreg:$0x15];
	[sflag:s1] =	ssyncadd.s32 $0xFFFFEC00  }
0x104: {  	[tilespmem:s0], [sflag:$0xD] =	stream.linear.gather [spmem:s26], $0x1400, $0x38;
	[tilespmem:$0x15220] =	vst v63  }
0x105: {  	_ =	swait.ge [sflag:s23], $0x1400  }
0x106: {  	[sflag:s23] =	ssyncset.done $0x0  }
0x107: {  	s26 =	rddreg [dreg:$0xd];
	[sflag:s23] =	ssyncadd.s32 $0xFFFFEC00  }
0x108: {  	[hbm4b:s26+s3] =	stream.linear.scatter [tilespmem:s0], [sflag:s1], $0x1400, $0x38;
	[tilespmem:$0x15220] =	vst v63  }
0x109: {  	_ =	swait.ge [sflag:s1], $0x1400  }
0x10a: {  	[sflag:s1] =	ssyncset.done $0x0  }
0x10b: {  	s26 =	rddreg [dreg:$0x16];
	[sflag:s1] =	ssyncadd.s32 $0xFFFFEC00  }
0x10c: {  	[tilespmem:s0], [sflag:$0xD] =	stream.linear.gather [spmem:s26], $0x1400, $0x38;
	[tilespmem:$0x15220] =	vst v63  }
0x10d: {  	_ =	swait.ge [sflag:s23], $0x1400  }
0x10e: {  	[sflag:s23] =	ssyncset.done $0x0  }
0x10f: {  	s26 =	rddreg [dreg:$0xe];
	[sflag:s23] =	ssyncadd.s32 $0xFFFFEC00  }
0x110: {  	[hbm4b:s26+s3] =	stream.linear.scatter [tilespmem:s0], [sflag:s1], $0x1400, $0x38;
	[tilespmem:$0x15220] =	vst v63  }
0x111: {  	_ =	swait.ge [sflag:s1], $0x1400  }
0x112: {  	[sflag:s1] =	ssyncset.done $0x0  }
0x113: {  	s26 =	rddreg [dreg:$0x17];
	[sflag:s1] =	ssyncadd.s32 $0xFFFFEC00  }
0x114: {  	[tilespmem:s0], [sflag:$0xD] =	stream.linear.gather [spmem:s26], $0x1400, $0x38;
	[tilespmem:$0x15220] =	vst v63  }
0x115: {  	_ =	swait.ge [sflag:s23], $0x1400  }
0x116: {  	[sflag:s23] =	ssyncset.done $0x0  }
0x117: {  	s26 =	rddreg [dreg:$0xf];
	[sflag:s23] =	ssyncadd.s32 $0xFFFFEC00  }
0x118: {  	[hbm4b:s26+s3] =	stream.linear.scatter [tilespmem:s0], [sflag:s1], $0x1400, $0x38;
	[tilespmem:$0x15220] =	vst v63  }
0x119: {  	_ =	swait.ge [sflag:s1], $0x1400  }
0x11a: {  	s24 =	sadd.s32 $0x1, s24;
	s26 =	rddreg [dreg:$0x6]  }
0x11b: {  	p1 =	sne.s32 s24, s26  }
.Ltmp2:
0x11c: {  	_ = 	snop;
	(pc) =	sbr.rel @p1 .LBB2_1-.Ltmp2, $3  }
0x11d: {  	_ =	sdelay $0x1  }
0x11e: {  	[sflag:s1] =	ssyncset.done $0x0  }
0x11f: {  	[sflag:s1] =	ssyncadd.s32 $0xFFFFEC00  }
0x120: {  	_ =	sfence.sel $0x180000  }
0x121: {  	[bflag:$0x0] =	sbarrier.arrive $0xFFFF  }
0x122: {  	_ =	strace $0x9000004D  }
0x123: {  	s0 =	stileid.u32;
	[bflag:$0x2] =	sbarrier.arrive $0xFFFF  }
0x124: {  	p0 =	sne.s32 s0, $0x0;
	s0 =	rddreg [dreg:$0x3]  }
0x125: {  	s0 =	sadd.s32 @!p0 $0x100000, s0  }
0x126: {  	[sflag:s0] =	ssyncadd.tile.s32 @!p0 $0x1;
	_ =	shalt  }
.Lfunc_end2:
_tile_overlayer_lowered:
.L_overlay_start_2:
0x127: {  	(tag) =	ssettag $0x2  }
0x128: {  	s0 =	rddreg [dreg:$0x0];
	s2 =	stileid.u32  }
0x129: {  	s1 =	rddreg [dreg:$0x1];
	p0 =	sne.s32 s2, $0x0  }
0x12a: {  	s3 =	rddreg [dreg:$0x2];
	[bflag:$0x3] =	sbarrier.arrive $0xFFFF;
	s2 =	simm.s32 @!p0 $0x1C0C  }
0x12b: {  	[timem:s3], [sflag:s2] =	dma.local @!p0 [hbm:s0], s1  }
0x12c: {  	s0 =	simm.s32 @!p0 $0xC  }
0x12d: {  	_ =	swait.ge @!p0 [sflag:s0], s1  }
0x12e: {  	s1 =	ssub.s32 @!p0 $0x0, s1;
	[sflag:s0] =	ssyncset.done @!p0 $0x0  }
0x12f: {  	[sflag:s0] =	ssyncadd.s32 @!p0 s1  }
0x130: {  	[bflag:$0x3] =	sbarrier.arrive $0xFFFF  }
0x131: {  	_ =	shalt  }

// kernel: kernel.9.cloned.1.call-start
scs
__scs_entry_jumppad:
0x0: {  	(pc) =	sbr.rel $0x88, $3  }
0x1: {  	(tag) =	ssettag $0x0;
	lr =	simm.s32 $0x1  }
0x2: {  	[smem:$0x3F9D] =	sst lr;
	_ =	strace $0xD0000000  }
0x3: {  	_ = 	snop  }
0x4: {  	_ = 	snop  }
0x5: {  	_ = 	snop  }
0x6: {  	_ = 	snop  }
0x7: {  	_ = 	snop  }
__scs_overlays_trampoline_lowered:
0x8: {  	[smem:$0x3FAC] =	sst s0  }
0x9: {  	[smem:$0x3FAD] =	sst s1  }
0xa: {  	[smem:$0x3FAE] =	sst s2  }
0xb: {  	[smem:$0x3FAF] =	sst s3  }
0xc: {  	[smem:$0x3FB0] =	sst s4  }
0xd: {  	[smem:$0x3FB1] =	sst s5  }
0xe: {  	[smem:$0x3FB2] =	sst s6  }
0xf: {  	[smem:$0x3FB3] =	sst s7  }
0x10: {  	[smem:$0x3FB4] =	sst s8  }
0x11: {  	[smem:$0x3FB5] =	sst s9;
	s0 =	simm.s32 @!p0 $0x0  }
0x12: {  	s1 =	sld [smem:$0x3F9B];
	s0 =	simm.s32 @p0 $0x1  }
0x13: {  	[smem:$0x3FB6] =	sst s0;
	s0 =	simm.s32 @!p1 $0x0  }
0x14: {  	s2 =	sld [smem:$0x3F9A];
	s0 =	simm.s32 @p1 $0x1  }
0x15: {  	[smem:$0x3FB7] =	sst s0;
	s0 =	simm.s32 @!p2 $0x0  }
0x16: {  	s3 =	sld [smem:$0x3FDB];
	s0 =	simm.s32 @p2 $0x1  }
0x17: {  	s4 =	simm.s32 $0x1BF5;
	[smem:$0x3FB9] =	sst s0  }
0x18: {  	s0 =	sld [smem:$0x3F9C];
	_ =	swait.ge [sflag:s4], $0x0  }
0x19: {  	s7 =	sld [smem:$0x3F9D]  }
0x1a: {  	s8 =	sadd.s32 $0xFFFFE003, lr  }
0x1b: {  	s9 =	sadd.s32 $0xFFFFFEF7, lr;
	s5 =	simm.s32 $0xFFFFFFFF;
	p2 =	slt.u32 s8, $0xFFFFF086  }
0x1c: {  	p1 =	slt.u32 s9, $0xF7A;
	s5 =	simm.s32 @!p2 $0x0  }
0x1d: {  	s5 =	simm.s32 @p1 $0x1;
	p0 =	seq.s32 s7, s2  }
0x1e: {  	s7 =	smul.u32 @!p0 $0xF7A, s2;
	p2 =	seq.s32 @!p0 s5, $0x0  }
0x1f: {  	s9 =	smul.u32 $0xF7A, s1;
	s8 =	simm.s32 @!p0 $0x1BF5;
	p2 =	por !p2, p0  }
0x20: {  	[sflag:s8] =	ssyncset.s32 @!p0 $0xFFFFF086;
	s6 =	sadd.s32 @!p0 s3, s7;
	s7 =	simm.s32 @!p0 $0x108  }
0x21: {  	s3 =	sadd.s32 s3, s9;
	s6 =	sadd.s32 @!p0 $0x88, s6;
	s7 =	simm.s32 @p2 $0x1082  }
0x22: {  	[simem:s7], [sflag:s8] =	dma.local @!p0 [hbm:s6], $0xF7A  }
0x23: {  	s9 =	sor.u32 $0xD0000000, s2;
	s6 =	simm.s32 $0x108;
	_ =	swait.ge @!p0 [sflag:s8], $0x0  }
0x24: {  	s3 =	sadd.s32 $0x88, s3;
	s6 =	simm.s32 @!p1 $0x1082;
	[sflag:s4] =	ssyncset.s32 $0xFFFFF086  }
0x25: {  	[simem:s6], [sflag:s4] =	dma.local [hbm:s3], $0xF7A  }
0x26: {  	[smem:$0x3F9D] =	sst s1;
	(tag) =	ssettag s2;
	_ =	strace s9  }
0x27: {  	s1 =	sld [smem:$0x3FAD]  }
0x28: {  	s2 =	sld [smem:$0x3FAE]  }
0x29: {  	s4 =	sld [smem:$0x3FB0]  }
0x2a: {  	p0 =	seq.s32 s5, $0x0;
	s5 =	sld [smem:$0x3FB1]  }
0x2b: {  	s6 =	sld [smem:$0x3FB2]  }
0x2c: {  	s7 =	sld [smem:$0x3FB3]  }
0x2d: {  	s3 =	simm.s32 $0x108;
	s8 =	sld [smem:$0x3FB4]  }
0x2e: {  	s3 =	simm.s32 @!p0 $0x1082;
	s9 =	sld [smem:$0x3FB5]  }
0x2f: {  	lr =	sadd.s32 s0, s3;
	s0 =	sld [smem:$0x3FAC]  }
0x30: {  	s3 =	sld [smem:$0x3FAF]  }
0x31: {  	[smem:$0x3FB8] =	sst s10  }
0x32: {  	s10 =	sld [smem:$0x3FB6];
	_ =	sdelay $0x3  }
0x33: {  	p0 =	seq.s32 s10, $0x1;
	s10 =	sld [smem:$0x3FB8];
	_ =	sdelay $0x3  }
0x34: {  	[smem:$0x3FB8] =	sst s10  }
0x35: {  	s10 =	sld [smem:$0x3FB7];
	_ =	sdelay $0x3  }
0x36: {  	p1 =	seq.s32 s10, $0x1;
	s10 =	sld [smem:$0x3FB8];
	_ =	sdelay $0x3  }
0x37: {  	[smem:$0x3FB8] =	sst s10  }
0x38: {  	s10 =	sld [smem:$0x3FB9]  }
0x39: {  	_ = 	snop;
	(pc) =	sbr.ind lr, $3  }
0x3a: {  	_ = 	snop  }
0x3b: {  	_ = 	snop  }
0x3c: {  	p2 =	seq.s32 s10, $0x1;
	s10 =	sld [smem:$0x3FB8]  }
0x3d: {  	_ =	shalt  }
0x3e: {  	_ =	shalt  }
0x3f: {  	_ =	shalt  }
0x40: {  	_ =	shalt  }
0x41: {  	_ =	shalt  }
0x42: {  	_ =	shalt  }
0x43: {  	_ =	shalt  }
0x44: {  	_ =	shalt  }
0x45: {  	_ =	shalt  }
0x46: {  	_ =	shalt  }
0x47: {  	_ =	shalt  }
0x48: {  	_ =	shalt  }
0x49: {  	_ =	shalt  }
0x4a: {  	_ =	shalt  }
0x4b: {  	_ =	shalt  }
0x4c: {  	_ =	shalt  }
0x4d: {  	_ =	shalt  }
0x4e: {  	_ =	shalt  }
0x4f: {  	_ =	shalt  }
0x50: {  	_ =	shalt  }
0x51: {  	_ =	shalt  }
0x52: {  	_ =	shalt  }
0x53: {  	_ =	shalt  }
0x54: {  	_ =	shalt  }
0x55: {  	_ =	shalt  }
0x56: {  	_ =	shalt  }
0x57: {  	_ =	shalt  }
0x58: {  	_ =	shalt  }
0x59: {  	_ =	shalt  }
0x5a: {  	_ =	shalt  }
0x5b: {  	_ =	shalt  }
0x5c: {  	_ =	shalt  }
0x5d: {  	_ =	shalt  }
0x5e: {  	_ =	shalt  }
0x5f: {  	_ =	shalt  }
0x60: {  	_ =	shalt  }
0x61: {  	_ =	shalt  }
0x62: {  	_ =	shalt  }
0x63: {  	_ =	shalt  }
0x64: {  	_ =	shalt  }
0x65: {  	_ =	shalt  }
0x66: {  	_ =	shalt  }
0x67: {  	_ =	shalt  }
0x68: {  	_ =	shalt  }
0x69: {  	_ =	shalt  }
0x6a: {  	_ =	shalt  }
0x6b: {  	_ =	shalt  }
0x6c: {  	_ =	shalt  }
0x6d: {  	_ =	shalt  }
0x6e: {  	_ =	shalt  }
0x6f: {  	_ =	shalt  }
0x70: {  	_ =	shalt  }
0x71: {  	_ =	shalt  }
0x72: {  	_ =	shalt  }
0x73: {  	_ =	shalt  }
0x74: {  	_ =	shalt  }
0x75: {  	_ =	shalt  }
0x76: {  	_ =	shalt  }
0x77: {  	_ =	shalt  }
0x78: {  	_ =	shalt  }
0x79: {  	_ =	shalt  }
0x7a: {  	_ =	shalt  }
0x7b: {  	_ =	shalt  }
0x7c: {  	_ =	shalt  }
0x7d: {  	_ =	shalt  }
0x7e: {  	_ =	shalt  }
0x7f: {  	_ =	shalt  }
0x80: {  	_ =	shalt  }
0x81: {  	_ =	shalt  }
0x82: {  	_ =	shalt  }
0x83: {  	_ =	shalt  }
0x84: {  	_ =	shalt  }
0x85: {  	_ =	shalt  }
0x86: {  	_ =	shalt  }
0x87: {  	_ =	shalt  }
.Lfunc_end0:
.L_simem_size_0:
called_computation_lowered:
.L_overlay_start_0:
0x88: {  	s2 =	sld [smem:$0x3FD9]  }
0x89: {  	s3 =	sld [smem:$0x3FFE];
	_ =	sdelay $0x1  }
0x8a: {  	s1 =	srdreg.scid  }
0x8b: {  	s0 =	sand.u32 $0x1, s1  }
0x8c: {  	s17 =	sshll.u32 s0, $0xA;
	s2 =	sadd.s32 s3, s2  }
0x8d: {  	s2 =	sadd.s32 s2, s17  }
0x8e: {  	[smem:$0x3FC4] =	sst s2  }
0x8f: {  	_ = 	snop  }
0x90: {  	s2 =	sld [smem:$0x3FD0];
	(tm) =	ssettm $0x1  }
0x91: {  	s18 =	sld [smem:$0x3FFB];
	_ =	sdelay $0x3  }
0x92: {  	_ =	strace s18  }
0x93: {  	s3 =	sld [smem:$0x3FFC];
	_ =	sdelay $0x3  }
0x94: {  	_ =	strace s3  }
0x95: {  	s3 =	sld [smem:$0x3FFD];
	_ =	sdelay $0x3  }
0x96: {  	_ =	strace s3  }
0x97: {  	_ =	strace $0x8FFFFFFF  }
0x98: {  	s19 =	sld [smem:$0x3FDB];
	_ =	sdelay $0x1  }
0x99: {  	s4 =	simm.s32 $_scs_section_size  }
0x9a: {  	s5 =	simm.s32 $_size__tile_overlayer_lowered;
	s6 =	simm.s32 $_tile_overlayer_lowered  }
0x9b: {  	s22 =	simm.s32 $0x1BFF;
	s21 =	sshll.u32 s6, $0x1;
	s3 =	sadd.s32 s4, s19  }
0x9c: {  	s7 =	simm.s32 $0x0;
	s20 =	sshll.u32 s5, $0x1;
	s5 =	sadd.s32 s21, s3  }
0x9d: {  	[timem:s7], [sflag:s22] =	dma.local [hbm:s5], s20  }
0x9e: {  	_ =	swait.ge [sflag:s22], s20  }
0x9f: {  	s4 =	ssub.s32 $0x0, s20;
	[sflag:s22] =	ssyncset.done $0x0  }
0xa0: {  	[sflag:s22] =	ssyncadd.s32 s4;
	_ =	sdelay $0x1  }
0xa1: {  	s23 =	simm.s32 $0x1B8B  }
0xa2: {  	_ =	swait.ge [sflag:s23], $0x1  }
0xa3: {  	[sflag:s23] =	ssyncset.done $0x0  }
0xa4: {  	s25 =	simm.s32 $0x1B8E;
	s24 =	sld [smem:$0x3FFE];
	[sflag:s23] =	ssyncadd.s32 $0xFFFFFFFF  }
0xa5: {  	s26 =	simm.s32 $execute0_lowered;
	[smem:$0x3FD2] =	sst s25  }
0xa6: {  	s5 =	sshll.u32 s26, $0x1;
	_ =	strace $0x80000046;
	[dreg:$0x1] =	wrdreg $0xFFFFFFFF  }
0xa7: {  	s28 =	simm.s32 $_size_execute0_lowered;
	s3 =	sadd.s32 s3, s5;
	[dreg:$0x0] =	wrdreg $0x0  }
0xa8: {  	s5 =	sshll.u32 s28, $0x1;
	[dreg:$0x2] =	wrdreg s3  }
0xa9: {  	[dreg:$0x3] =	wrdreg s5  }
0xaa: {  	[dreg:$0x4] =	wrdreg $0xC0  }
0xab: {  	_ =	task [dreg:s7], $0x5FFFF  }
0xac: {  	[dreg:$0x1] =	wrdreg $0xFFFFFFFF  }
0xad: {  	[dreg:$0x0] =	wrdreg $0x60  }
0xae: {  	[dreg:$0x2] =	wrdreg s2  }
0xaf: {  	[dreg:$0x3] =	wrdreg s24  }
0xb0: {  	[dreg:$0x4] =	wrdreg $0x0  }
0xb1: {  	[dreg:$0x5] =	wrdreg $0x9  }
0xb2: {  	_ =	task.clear_ibuf [dreg:s7], $0x6FFFF;
	_ =	strace $0x90000046  }
0xb3: {  	s29 =	simm.s32 $0x9;
	_ =	strace $0x80000048  }
0xb4: {  	_ =	swait.ge [sflag:s29], $0x1  }
0xb5: {  	[sflag:s29] =	ssyncadd.s32 $0xFFFFFFFF  }
0xb6: {  	_ =	strace $0x90000048  }
0xb7: {  	_ =	sfence  }
0xb8: {  	s30 =	sld [smem:$0x0];
	_ =	sdelay $0x2  }
0xb9: {  	s31 =	sshll.u32 s1, $0xD;
	s1 =	sshrl.u32 s1, $0x2  }
0xba: {  	s3 =	sand.u32 $0x4000, s31;
	s1 =	sadd.s32 s1, s30  }
0xbb: {  	s0 =	sor.u32 s3, s0;
	s1 =	sshll.u32 s1, $0x11  }
0xbc: {  	s0 =	sor.u32 s1, s0  }
0xbd: {  	s0 =	sadd.s32 $0x8F2B, s0  }
0xbe: {  	[sflag:s0] =	ssyncadd.remote.s32 $0x1  }
0xbf: {  	_ =	sfence.sel $0xFFFF  }
0xc0: {  	[dreg:$0x0] =	wrdreg $0xFFFFFFFF;
	(pc) =	sbr.abs _section_cstart, $3  }
0xc1: {  	[dreg:$0x1] =	wrdreg $0xFFFFFFFF  }
0xc2: {  	_ =	task.clear_ibuf [dreg:s7], $0x2FFFF;
	_ =	strace $0x9FFFFFFF  }
0xc3: {  	(tm) =	ssettm $0x7FFFFFFF  }
tec
execute0_lowered:
.L_overlay_start_1:
0x0: {  	(tag) =	ssettag $0x1  }
0x1: {  	s4 =	rddreg [dreg:$0x0]  }
0x2: {  	s6 =	rddreg [dreg:$0x1]  }
0x3: {  	s2 =	rddreg [dreg:$0x2]  }
0x4: {  	s0 =	rddreg [dreg:$0x3]  }
0x5: {  	s5 =	srdreg.scid;
	s1 =	stileid.u32  }
0x6: {  	s3 =	simm.s32 $0x0;
	s11 =	simm.s32 $0xD600;
	s12 =	simm.s32 $0x50  }
0x7: {  	s13 =	simm.s32 $0x2C10;
	s14 =	simm.s32 $0x0;
	s5 =	sand.u32 $0x1, s5  }
0x8: {  	s7 =	sshll.u32 s1, $0x1;
	[smem:$0x7FF] =	sst s3;
	s10 =	smul.u32 $0x280, s1  }
0x9: {  	s8 =	ssub.s32 $0x2, s5;
	s7 =	sor.u32 s5, s7;
	_ =	strace $0x80000047  }
0xa: {  	p0 =	seq.s32 s5, $0x1;
	s9 =	sshrl.u32 s8, $0x1;
	s7 =	smul.u32 $0x4E2, s7  }
0xb: {  	s11 =	simm.s32 @!p0 $0xD000;
	s5 =	sadd.s32 s10, s2;
	s30 =	sshrl.u32 s10, $0x3  }
0xc: {  	s10 =	simm.s32 $0x2;
	s8 =	ssub.s32 s8, s9;
	s31 =	sadd.s32 s11, s6  }
0xd: {  	s9 =	simm.s32 $0x280;
	s11 =	simm.s32 $0x1;
	s4 =	sadd.s32 s4, s7  }
0xe: {  	v0 =	vimm.f32 $0.0e+00;
	v1 =	vimm.f32 $1.000000000e+00;
	s6 =	smax.u32 s8, $0x1;
	s7 =	sadd.s32 s31, s30;
	s8 =	simm.s32 $0x500  }
.LBB2_1:
0xf: {  	[tilespmem:s8], [sflag:$0x1] =	stream.linear.gather [hbm4b:s4+s3], $0x2710, $0x38;
	[tilespmem:$0x2C60] =	vst v63  }
0x10: {  	[tilespmem:$0x280] =	vst v0  }
0x11: {  	[tilespmem:$0x290] =	vst v0  }
0x12: {  	[tilespmem:$0x2A0] =	vst v0  }
0x13: {  	[tilespmem:$0x2B0] =	vst v0  }
0x14: {  	[tilespmem:$0x2C0] =	vst v0  }
0x15: {  	[tilespmem:$0x2D0] =	vst v0  }
0x16: {  	[tilespmem:$0x2E0] =	vst v0  }
0x17: {  	[tilespmem:$0x2F0] =	vst v0  }
0x18: {  	[tilespmem:$0x300] =	vst v0  }
0x19: {  	[tilespmem:$0x310] =	vst v0  }
0x1a: {  	[tilespmem:$0x320] =	vst v0  }
0x1b: {  	[tilespmem:$0x330] =	vst v0  }
0x1c: {  	[tilespmem:$0x340] =	vst v0  }
0x1d: {  	[tilespmem:$0x350] =	vst v0  }
0x1e: {  	[tilespmem:$0x360] =	vst v0  }
0x1f: {  	[tilespmem:$0x370] =	vst v0  }
0x20: {  	[tilespmem:$0x380] =	vst v0  }
0x21: {  	[tilespmem:$0x390] =	vst v0  }
0x22: {  	[tilespmem:$0x3A0] =	vst v0  }
0x23: {  	[tilespmem:$0x3B0] =	vst v0  }
0x24: {  	[tilespmem:$0x3C0] =	vst v0  }
0x25: {  	[tilespmem:$0x3D0] =	vst v0  }
0x26: {  	[tilespmem:$0x3E0] =	vst v0  }
0x27: {  	[tilespmem:$0x3F0] =	vst v0  }
0x28: {  	[tilespmem:$0x400] =	vst v0  }
0x29: {  	[tilespmem:$0x410] =	vst v0  }
0x2a: {  	[tilespmem:$0x420] =	vst v0  }
0x2b: {  	[tilespmem:$0x430] =	vst v0  }
0x2c: {  	[tilespmem:$0x440] =	vst v0  }
0x2d: {  	[tilespmem:$0x450] =	vst v0  }
0x2e: {  	[tilespmem:$0x460] =	vst v0  }
0x2f: {  	[tilespmem:$0x470] =	vst v0  }
0x30: {  	[tilespmem:$0x480] =	vst v0  }
0x31: {  	[tilespmem:$0x490] =	vst v0  }
0x32: {  	[tilespmem:$0x4A0] =	vst v0  }
0x33: {  	[tilespmem:$0x4B0] =	vst v0  }
0x34: {  	[tilespmem:$0x4C0] =	vst v0  }
0x35: {  	[tilespmem:$0x4D0] =	vst v0  }
0x36: {  	[tilespmem:$0x4E0] =	vst v0  }
0x37: {  	[tilespmem:$0x4F0] =	vst v0  }
0x38: {  	[tilespmem:$0x2C10] =	vst v1  }
0x39: {  	[tilespmem:$0x2C20] =	vst v1  }
0x3a: {  	[tilespmem:$0x2C30] =	vst v1  }
0x3b: {  	[tilespmem:$0x2C40] =	vst v1  }
0x3c: {  	[tilespmem:$0x2C50] =	vst v1  }
0x3d: {  	[spmem:s5] =	stream.linear.scatter [tilespmem:s9], [sflag:$0x2], $0x280, $0x38;
	[tilespmem:$0x2C60] =	vst v63  }
0x3e: {  	_ =	swait.ge [sflag:s10], $0x280  }
0x3f: {  	[sflag:s10] =	ssyncset.done $0x0  }
0x40: {  	[sflag:s10] =	ssyncadd.s32 $0xFFFFFD80  }
0x41: {  	_ =	swait.ge [sflag:s11], $0x2710  }
0x42: {  	[sflag:s11] =	ssyncset.done $0x0  }
0x43: {  	[sflag:s11] =	ssyncadd.s32 $0xFFFFD8F0  }
0x44: {  	s15 =	simm.s32 $0x500;
	[bflag:$0x0] =	sbarrier.arrive $0xFFFF  }
0x45: {  	[spmem:s2] =	stream.indirect.scatter.add.f32 [tilespmem:s13], [sflag:$0x2], $0x1, s15, s12, $0xb8;
	[tilespmem:$0x2C60] =	vst v63  }
0x46: {  	s15 =	simm.s32 $0x140;
	_ =	swait.ge [sflag:s10], $0x50  }
.LBB2_2:
0x47: {  	s16 =	sshra.s32 s15, $0x2;
	[sflag:s10] =	ssyncset.done $0x0;
	p0 =	sne.s32 s15, $0x9B00  }
.Ltmp0:
0x48: {  	s16 =	sadd.s32 $0x500, s16;
	[sflag:s10] =	ssyncadd.s32 $0xFFFFFFB0;
	(pc) =	sbr.rel @p0 .LBB2_2-.Ltmp0, $3  }
0x49: {  	[spmem:s2] =	stream.indirect.scatter.add.f32 [tilespmem:s13], [sflag:$0x2], $0x1, s16, s12, $0xb8;
	[tilespmem:$0x2C60] =	vst v63  }
0x4a: {  	s15 =	sadd.s32 $0x140, s15;
	_ =	sdelay $0x1  }
0x4b: {  	_ =	swait.ge [sflag:s10], $0x50  }
0x4c: {  	[sflag:s10] =	ssyncset.done $0x0  }
0x4d: {  	[sflag:s10] =	ssyncadd.s32 $0xFFFFFFB0  }
0x4e: {  	[bflag:$0x0] =	sbarrier.arrive $0xFFFF  }
0x4f: {  	[tilespmem:s9], [sflag:$0x2] =	stream.linear.gather [spmem:s5], $0x280, $0x38;
	[tilespmem:$0x2C60] =	vst v63  }
0x50: {  	s14 =	sadd.s32 $0x1, s14;
	_ =	swait.ge [sflag:s10], $0x280  }
0x51: {  	p0 =	sne.s32 s14, s6;
	[sflag:s10] =	ssyncset.done $0x0  }
.Ltmp1:
0x52: {  	[sflag:s10] =	ssyncadd.s32 $0xFFFFFD80;
	(pc) =	sbr.rel @p0 .LBB2_1-.Ltmp1, $4  }
0x53: {  	[hbm4b:s7+s3] =	stream.linear.scatter [tilespmem:s9], [sflag:$0x2], $0x280, $0x38;
	[tilespmem:$0x2C60] =	vst v63  }
0x54: {  	_ =	swait.ge [sflag:s10], $0x280  }
0x55: {  	[sflag:s10] =	ssyncset.done $0x0  }
0x56: {  	[sflag:s10] =	ssyncadd.s32 $0xFFFFFD80  }
0x57: {  	_ =	sfence.sel $0x180000  }
0x58: {  	[bflag:$0x0] =	sbarrier.arrive $0xFFFF  }
0x59: {  	p0 =	sne.s32 s1, $0x0;
	_ =	strace $0x90000047  }
0x5a: {  	s0 =	sadd.s32 @!p0 $0x100000, s0;
	[bflag:$0x2] =	sbarrier.arrive $0xFFFF  }
0x5b: {  	[sflag:s0] =	ssyncadd.tile.s32 @!p0 $0x1;
	_ =	shalt  }
.Lfunc_end2:
_tile_overlayer_lowered:
.L_overlay_start_2:
0x5c: {  	(tag) =	ssettag $0x2  }
0x5d: {  	s0 =	rddreg [dreg:$0x0];
	s2 =	stileid.u32  }
0x5e: {  	s1 =	rddreg [dreg:$0x1];
	p0 =	sne.s32 s2, $0x0  }
0x5f: {  	s3 =	rddreg [dreg:$0x2];
	[bflag:$0x3] =	sbarrier.arrive $0xFFFF;
	s2 =	simm.s32 @!p0 $0x1C02  }
0x60: {  	[timem:s3], [sflag:s2] =	dma.local @!p0 [hbm:s0], s1  }
0x61: {  	s0 =	simm.s32 @!p0 $0x2  }
0x62: {  	_ =	swait.ge @!p0 [sflag:s0], s1  }
0x63: {  	s1 =	ssub.s32 @!p0 $0x0, s1;
	[sflag:s0] =	ssyncset.done @!p0 $0x0  }
0x64: {  	[sflag:s0] =	ssyncadd.s32 @!p0 s1  }
0x65: {  	[bflag:$0x3] =	sbarrier.arrive $0xFFFF  }
0x66: {  	_ =	shalt  }

</sc_bundles>
